<compile_context>
chip_gen: v7x
topology: tpu7x:2x2x1
jax: 0.10.2.dev20260603
libtpu: 0.0.44.dev20260713+nightly
codegen_flags: <defaults>
</compile_context>

<pallas_src>
import functools

import jax
import jax.numpy as jnp
import numpy as np
from jax import lax
from jax.experimental import pallas as pl
from jax.experimental.pallas import tpu as pltpu
from jax.experimental.pallas import tpu_sc as plsc

N = 10000
E = 160000
D = 256
HALF = 128
NC = 2
NS = 16
CHUNK = 40
EDGES_PER_SUB = E // NS
NCHUNKS = EDGES_PER_SUB // CHUNK
ROWS_PER_SUB = N // NS
def _dot(a, b):
    return jnp.dot(a, b, preferred_element_type=jnp.float32)


def _t1_body(pre_ref, w_ref, o0, o1, o2, o3):
    p = _dot(pre_ref[...], w_ref[...])
    o0[...] = p[:, 0:HALF]
    o1[...] = p[:, HALF:2 * HALF]
    o2[...] = p[:, 2 * HALF:3 * HALF]
    o3[...] = p[:, 3 * HALF:4 * HALF]


def _t1(pre_node, w12):
    R = 1000
    return pl.pallas_call(
        _t1_body,
        grid=(N // R,),
        in_specs=[
            pl.BlockSpec((R, D), lambda i: (i, 0)),
            pl.BlockSpec((D, 2 * D), lambda i: (0, 0)),
        ],
        out_specs=[pl.BlockSpec((R, HALF), lambda i: (i, 0))] * 4,
        out_shape=[jax.ShapeDtypeStruct((N, HALF), jnp.float32)] * 4,
    )(pre_node, w12)


def _t2_body(ea_ref, w_ref, b_ref, o0, o1):
    p = _dot(ea_ref[...], w_ref[...]) + b_ref[...]
    o0[...] = p[:, 0:HALF]
    o1[...] = p[:, HALF:2 * HALF]


def _t2(edge_attr, w_c, be1):
    R = 1000
    return pl.pallas_call(
        _t2_body,
        grid=(E // R,),
        in_specs=[
            pl.BlockSpec((R, 16), lambda i: (i, 0)),
            pl.BlockSpec((16, D), lambda i: (0, 0)),
            pl.BlockSpec((1, D), lambda i: (0, 0)),
        ],
        out_specs=[pl.BlockSpec((R, HALF), lambda i: (i, 0))] * 2,
        out_shape=[jax.ShapeDtypeStruct((E, HALF), jnp.float32)] * 2,
    )(edge_attr, w_c, be1)


NBUF = 2
NGROUPS = NCHUNKS // NBUF


@functools.cache
def _get_sc_kernel():
    mesh = plsc.VectorSubcoreMesh(
        core_axis_name="c", subcore_axis_name="s",
        num_cores=NC, num_subcores=NS)
    return functools.partial(
        pl.kernel,
        out_type=(
            jax.ShapeDtypeStruct((N, HALF), jnp.float32),
            jax.ShapeDtypeStruct((N, HALF), jnp.float32),
            jax.ShapeDtypeStruct((N, 8), jnp.float32),
        ),
        mesh=mesh,
        compiler_params=pltpu.CompilerParams(use_tc_tiling_on_sc=False),
        scratch_types=(
            pltpu.VMEM((CHUNK,), jnp.int32),
            pltpu.VMEM((CHUNK,), jnp.int32),
            pltpu.VMEM((CHUNK,), jnp.int32),
            pltpu.VMEM((CHUNK,), jnp.int32),
            pltpu.VMEM((CHUNK,), jnp.int32),
            pltpu.VMEM((CHUNK,), jnp.int32),
            pltpu.VMEM((CHUNK, HALF), jnp.float32),
            pltpu.VMEM((CHUNK, HALF), jnp.float32),
            pltpu.VMEM((CHUNK, HALF), jnp.float32),
            pltpu.VMEM((CHUNK, HALF), jnp.float32),
            pltpu.VMEM((CHUNK, HALF), jnp.float32),
            pltpu.VMEM((CHUNK, HALF), jnp.float32),
            pltpu.VMEM((CHUNK, HALF), jnp.float32),
            pltpu.VMEM((CHUNK, HALF), jnp.float32),
            pltpu.VMEM((CHUNK, 8), jnp.float32),
            pltpu.VMEM_SHARED((N, HALF), jnp.float32),
            pltpu.VMEM_SHARED((N, 8), jnp.float32),
            pltpu.SemaphoreType.DMA,
            pltpu.SemaphoreType.DMA,
            pltpu.SemaphoreType.DMA,
            pltpu.SemaphoreType.DMA,
            pltpu.SemaphoreType.DMA,
            pltpu.SemaphoreType.DMA,
            pltpu.SemaphoreType.DMA,
            pltpu.SemaphoreType.DMA,
            pltpu.SemaphoreType.DMA,
            pltpu.SemaphoreType.DMA,
            pltpu.SemaphoreType.DMA,
            pltpu.SemaphoreType.DMA,
            pltpu.SemaphoreType.DMA,
        ),
    )(_sc_edge_body)


def _sc_edge_body(pa0, pa1, pb0, pb1, ea0, ea1, src_hbm, dst_hbm,
                  ones_hbm, zs_hbm, zc_hbm,
                  s0_out, s1_out, cnt_out,
                  igs0, igs1, igd0, igd1, isd0, isd1,
                  buf_a0, buf_a1, buf_b0, buf_b1, buf_e0, buf_e1,
                  buf_z0, buf_z1, ones_v,
                  acc_sh, cnt_sh,
                  sem_a0, sem_a1, sem_b0, sem_b1, sem_e0, sem_e1,
                  sem_s0, sem_s1, sem_ig0, sem_ig1, sem_is0, sem_is1,
                  sem_c):
    c = lax.axis_index("c")
    s = lax.axis_index("s")
    row0 = s * ROWS_PER_SUB

    pltpu.sync_copy(zs_hbm, acc_sh.at[pl.ds(row0, ROWS_PER_SUB)])
    pltpu.sync_copy(zc_hbm, cnt_sh.at[pl.ds(row0, ROWS_PER_SUB)])
    pltpu.sync_copy(ones_hbm, ones_v)
    plsc.subcore_barrier()

    ebase = s * EDGES_PER_SUB
    slots = ((igs0, igd0, isd0, buf_a0, buf_b0, buf_e0, buf_z0,
              sem_a0, sem_b0, sem_e0, sem_s0, sem_ig0, sem_is0),
             (igs1, igd1, isd1, buf_a1, buf_b1, buf_e1, buf_z1,
              sem_a1, sem_b1, sem_e1, sem_s1, sem_ig1, sem_is1))

    def sweep(pa, pb, ea, with_counts):
        def issue_gidx(j, b):
            gs, gd, sd, ba, bb, be, bz, sa, sb, se, ss, sig, sis = slots[b]
            pltpu.async_copy(src_hbm.at[pl.ds(ebase + j * CHUNK, CHUNK)],
                             gs, sig)
            pltpu.async_copy(dst_hbm.at[pl.ds(ebase + j * CHUNK, CHUNK)],
                             gd, sig)

        def wait_gidx(j, b):
            gs, gd, sd, ba, bb, be, bz, sa, sb, se, ss, sig, sis = slots[b]
            pltpu.make_async_copy(
                src_hbm.at[pl.ds(ebase + j * CHUNK, CHUNK)], gs, sig).wait()
            pltpu.make_async_copy(
                dst_hbm.at[pl.ds(ebase + j * CHUNK, CHUNK)], gd, sig).wait()

        def issue_gathers(j, b):
            gs, gd, sd, ba, bb, be, bz, sa, sb, se, ss, sig, sis = slots[b]
            pltpu.async_copy(pa.at[gs], ba, sa)
            pltpu.async_copy(pb.at[gd], bb, sb)
            pltpu.async_copy(ea.at[pl.ds(ebase + j * CHUNK, CHUNK), :],
                             be, se)

        def wait_gathers(j, b):
            gs, gd, sd, ba, bb, be, bz, sa, sb, se, ss, sig, sis = slots[b]
            pltpu.make_async_copy(pa.at[gs], ba, sa).wait()
            pltpu.make_async_copy(pb.at[gd], bb, sb).wait()
            pltpu.make_async_copy(
                ea.at[pl.ds(ebase + j * CHUNK, CHUNK), :], be, se).wait()

        def compute(b):
            gs, gd, sd, ba, bb, be, bz, *_ = slots[b]

            def rowfn(r, carry):
                for k in range(HALF // 16):
                    sl = pl.ds(k * 16, 16)
                    v = ba[r, sl] + bb[r, sl] + be[r, sl]
                    bz[r, sl] = jnp.maximum(v, 0.0)
                return carry

            lax.fori_loop(0, CHUNK, rowfn, 0)

        def issue_scatter(j, b):
            gs, gd, sd, ba, bb, be, bz, sa, sb, se, ss, sig, sis = slots[b]
            pltpu.make_async_copy(
                dst_hbm.at[pl.ds(ebase + j * CHUNK, CHUNK)], sd, sis).wait()
            pltpu.async_copy(bz, acc_sh.at[sd], ss, add=True)
            if with_counts:
                pltpu.async_copy(ones_v, cnt_sh.at[sd], sem_c, add=True)

        def wait_scatter(j, b):
            gs, gd, sd, ba, bb, be, bz, sa, sb, se, ss, sig, sis = slots[b]
            pltpu.make_async_copy(bz, acc_sh.at[sd], ss).wait()

        def issue_sidx(j, b):
            gs, gd, sd, ba, bb, be, bz, sa, sb, se, ss, sig, sis = slots[b]
            pltpu.async_copy(dst_hbm.at[pl.ds(ebase + j * CHUNK, CHUNK)],
                             sd, sis)

        def step(j, b):
            wait_gathers(j, b)

            @pl.when(j + NBUF < NCHUNKS)
            def _():
                issue_gidx(j + NBUF, b)

            @pl.when(j >= NBUF)
            def _():
                wait_scatter(j - NBUF, b)

            issue_sidx(j, b)
            compute(b)
            issue_scatter(j, b)

            @pl.when(j + NBUF < NCHUNKS)
            def _():
                wait_gidx(j + NBUF, b)
                issue_gathers(j + NBUF, b)

        for b in range(NBUF):
            issue_gidx(b, b)
            wait_gidx(b, b)
            issue_gathers(b, b)

        def gbody(g, carry):
            for b in range(NBUF):
                step(g * NBUF + b, b)
            return carry

        lax.fori_loop(0, NGROUPS, gbody, 0)

        for b in range(NBUF):
            wait_scatter(NCHUNKS - NBUF + b, b)

        if with_counts:
            def drain(i, carry):
                gs, gd, sd = slots[0][0], slots[0][1], slots[0][2]
                pltpu.make_async_copy(ones_v, cnt_sh.at[sd], sem_c).wait()
                return carry

            lax.fori_loop(0, NCHUNKS, drain, 0)

    @pl.when(c == 0)
    def _():
        sweep(pa0, pb0, ea0, True)

    @pl.when(c == 1)
    def _():
        sweep(pa1, pb1, ea1, False)

    plsc.subcore_barrier()

    @pl.when(c == 0)
    def _():
        pltpu.sync_copy(acc_sh.at[pl.ds(row0, ROWS_PER_SUB)],
                        s0_out.at[pl.ds(row0, ROWS_PER_SUB)])
        pltpu.sync_copy(cnt_sh.at[pl.ds(row0, ROWS_PER_SUB)],
                        cnt_out.at[pl.ds(row0, ROWS_PER_SUB)])

    @pl.when(c == 1)
    def _():
        pltpu.sync_copy(acc_sh.at[pl.ds(row0, ROWS_PER_SUB)],
                        s1_out.at[pl.ds(row0, ROWS_PER_SUB)])


def _sc_edge(pa0, pa1, pb0, pb1, ea0, ea1, src, dst):
    ones = jnp.ones((CHUNK, 8), jnp.float32)
    zs = jnp.zeros((ROWS_PER_SUB, HALF), jnp.float32)
    zc = jnp.zeros((ROWS_PER_SUB, 8), jnp.float32)
    return _get_sc_kernel()(pa0, pa1, pb0, pb1, ea0, ea1, src, dst,
                            ones, zs, zc)


def _t3a_body(pre_ref, x_ref, wa_ref, wc_ref, b_ref, o_ref):
    o_ref[...] = (_dot(pre_ref[...], wa_ref[...])
                  + _dot(x_ref[...], wc_ref[...]) + b_ref[...])


def _t3a(pre_node, x, wa, wc, bn1):
    R = 1000
    return pl.pallas_call(
        _t3a_body,
        grid=(N // R,),
        in_specs=[
            pl.BlockSpec((R, D), lambda i: (i, 0)),
            pl.BlockSpec((R, D), lambda i: (i, 0)),
            pl.BlockSpec((D, D), lambda i: (0, 0)),
            pl.BlockSpec((D, D), lambda i: (0, 0)),
            pl.BlockSpec((1, D), lambda i: (0, 0)),
        ],
        out_specs=pl.BlockSpec((R, D), lambda i: (i, 0)),
        out_shape=jax.ShapeDtypeStruct((N, D), jnp.float32),
    )(pre_node, x, wa, wc, bn1)


def _t3b_body(s0_ref, s1_ref, cnt_ref, na_ref, pre_ref, we2_ref, be2_ref,
              wb_ref, wn2_ref, bn2_ref, g_ref, b_ref, o_ref):
    svals = jnp.concatenate([s0_ref[...], s1_ref[...]], axis=1)
    cnt = cnt_ref[...][:, 0:1]
    hmsg = _dot(svals, we2_ref[...]) + cnt * be2_ref[...]
    t = jnp.maximum(na_ref[...] + _dot(hmsg, wb_ref[...]), 0.0)
    hn = _dot(t, wn2_ref[...]) + bn2_ref[...]
    y = pre_ref[...] + hn
    mu = jnp.mean(y, axis=1, keepdims=True)
    var = jnp.mean((y - mu) ** 2, axis=1, keepdims=True)
    o_ref[...] = (y - mu) * lax.rsqrt(var + 1e-5) * g_ref[...] + b_ref[...]


def _t3b(s0, s1, cnt, na, pre_node, we2, be2, wb, wn2, bn2, gamma, beta):
    R = 1000
    full = lambda shape: pl.BlockSpec(shape, lambda i: tuple(0 for _ in shape))
    rowb = lambda shape: pl.BlockSpec(shape, lambda i: (i,) + tuple(0 for _ in shape[1:]))
    return pl.pallas_call(
        _t3b_body,
        grid=(N // R,),
        in_specs=[
            rowb((R, HALF)), rowb((R, HALF)), rowb((R, 8)),
            rowb((R, D)), rowb((R, D)),
            full((D, D)), full((1, D)),
            full((D, D)),
            full((D, D)), full((1, D)),
            full((1, D)), full((1, D)),
        ],
        out_specs=rowb((R, D)),
        out_shape=jax.ShapeDtypeStruct((N, D), jnp.float32),
    )(s0, s1, cnt, na, pre_node, we2, be2, wb, wn2, bn2, gamma, beta)


def kernel(x, pre_node, edge_index, edge_attr, We1, be1, We2, be2,
           Wn1, bn1, Wn2, bn2, gamma, beta):
    src = edge_index[0].astype(jnp.int32)
    dst = edge_index[1].astype(jnp.int32)
    w12 = jnp.concatenate([We1[0:D], We1[D:2 * D]], axis=1)
    pa0, pa1, pb0, pb1 = _t1(pre_node, w12)
    ea0, ea1 = _t2(edge_attr, We1[2 * D:], be1.reshape(1, D))
    s0, s1, cnt = _sc_edge(pa0, pa1, pb0, pb1, ea0, ea1, src, dst)
    na = _t3a(pre_node, x, Wn1[0:D], Wn1[2 * D:3 * D], bn1.reshape(1, D))
    return _t3b(s0, s1, cnt, na, pre_node,
                We2, be2.reshape(1, D), Wn1[D:2 * D],
                Wn2, bn2.reshape(1, D), gamma.reshape(1, D),
                beta.reshape(1, D))

# --- scband reference (transcript-rebuilt; emitter-appended) ---
"""Pipeline reference for scband-mpnn-90271622628176 (READ-ONLY COPY).

The authoritative reference and input builder live on the scoring server;
editing this copy changes nothing except your own understanding.
"""

import jax, jax.numpy as jnp
import numpy as np

N_NODES = 10000
N_EDGES = 160000
NODE_DIM = 256
EDGE_DIM = 16
HIDDEN_DIM = 256


def _mlp(h, W1, b1, W2, b2):
    h = jnp.dot(h, W1) + b1
    h = jax.nn.relu(h)
    return jnp.dot(h, W2) + b2


def _layernorm(h, gamma, beta, eps=1e-5):
    mu = jnp.mean(h, axis=-1, keepdims=True)
    var = jnp.mean((h - mu) ** 2, axis=-1, keepdims=True)
    return (h - mu) / jnp.sqrt(var + eps) * gamma + beta


def setup_inputs(seed: int = 0) -> dict:
    key = jax.random.key(seed)
    ks = [jax.random.fold_in(key, i) for i in range(16)]
    e_in = 2 * NODE_DIM + EDGE_DIM
    n_in = 2 * NODE_DIM + HIDDEN_DIM
    return {
        "x": jax.random.normal(ks[0], (N_NODES, NODE_DIM), dtype=jnp.float32),
        "pre_node": jax.random.normal(ks[1], (N_NODES, NODE_DIM), dtype=jnp.float32),
        "edge_index": jax.random.randint(ks[2], (2, N_EDGES), 0, N_NODES, dtype=jnp.int64),
        "edge_attr": jax.random.normal(ks[3], (N_EDGES, EDGE_DIM), dtype=jnp.float32),
        "We1": jax.random.normal(ks[4], (e_in, HIDDEN_DIM), dtype=jnp.float32) * (1.0 / np.sqrt(e_in)),
        "be1": jnp.zeros((HIDDEN_DIM,), dtype=jnp.float32),
        "We2": jax.random.normal(ks[5], (HIDDEN_DIM, HIDDEN_DIM), dtype=jnp.float32) * (1.0 / np.sqrt(HIDDEN_DIM)),
        "be2": jnp.zeros((HIDDEN_DIM,), dtype=jnp.float32),
        "Wn1": jax.random.normal(ks[6], (n_in, HIDDEN_DIM), dtype=jnp.float32) * (1.0 / np.sqrt(n_in)),
        "bn1": jnp.zeros((HIDDEN_DIM,), dtype=jnp.float32),
        "Wn2": jax.random.normal(ks[7], (HIDDEN_DIM, HIDDEN_DIM), dtype=jnp.float32) * (1.0 / np.sqrt(HIDDEN_DIM)),
        "bn2": jnp.zeros((HIDDEN_DIM,), dtype=jnp.float32),
        "gamma": jnp.ones((HIDDEN_DIM,), dtype=jnp.float32),
        "beta": jnp.zeros((HIDDEN_DIM,), dtype=jnp.float32),
    }


def reference(x, pre_node, edge_index, edge_attr, We1, be1, We2, be2, Wn1, bn1, Wn2, bn2, gamma, beta):
    # dropout in eval mode -> identity; node_dim == hidden_dim -> residual_project = Identity
    src = edge_index[0]
    dst = edge_index[1]
    h_i = jnp.take(pre_node, src, axis=0)
    h_j = jnp.take(pre_node, dst, axis=0)
    h_edge = _mlp(jnp.concatenate([h_i, h_j, edge_attr], axis=-1), We1, be1, We2, be2)
    h_msg = jax.ops.segment_sum(h_edge, dst, num_segments=x.shape[0])
    h_node = _mlp(jnp.concatenate([pre_node, h_msg, x], axis=-1), Wn1, bn1, Wn2, bn2)
    res = pre_node
    out = _layernorm(res + h_node, gamma, beta)
    return out

if __name__ == "__main__":
    import jax
    _d = setup_inputs()
    print(jax.jit(kernel)(*tuple(_d.values())))

</pallas_src>

<mosaic_0001>
#map = affine_map<(d0, d1) -> (0, 0)>
#map1 = affine_map<(d0, d1) -> (0)>
module attributes {stable_mosaic.version = 14 : i64} {
  func.func @_sc_edge_body(%arg0: i32, %arg1: i32, %arg2: memref<10000x128xf32, #tpu.memory_space<hbm>>, %arg3: memref<10000x128xf32, #tpu.memory_space<hbm>>, %arg4: memref<10000x128xf32, #tpu.memory_space<hbm>>, %arg5: memref<10000x128xf32, #tpu.memory_space<hbm>>, %arg6: memref<160000x128xf32, #tpu.memory_space<hbm>>, %arg7: memref<160000x128xf32, #tpu.memory_space<hbm>>, %arg8: memref<160000xi32, #tpu.memory_space<hbm>>, %arg9: memref<160000xi32, #tpu.memory_space<hbm>>, %arg10: memref<40x8xf32, #tpu.memory_space<hbm>>, %arg11: memref<625x128xf32, #tpu.memory_space<hbm>>, %arg12: memref<625x8xf32, #tpu.memory_space<hbm>>, %arg13: memref<10000x128xf32, #tpu.memory_space<hbm>>, %arg14: memref<10000x128xf32, #tpu.memory_space<hbm>>, %arg15: memref<10000x8xf32, #tpu.memory_space<hbm>>, %arg16: memref<40xi32, #tpu.memory_space<vmem>>, %arg17: memref<40xi32, #tpu.memory_space<vmem>>, %arg18: memref<40xi32, #tpu.memory_space<vmem>>, %arg19: memref<40xi32, #tpu.memory_space<vmem>>, %arg20: memref<40xi32, #tpu.memory_space<vmem>>, %arg21: memref<40xi32, #tpu.memory_space<vmem>>, %arg22: memref<40x128xf32, #tpu.memory_space<vmem>>, %arg23: memref<40x128xf32, #tpu.memory_space<vmem>>, %arg24: memref<40x128xf32, #tpu.memory_space<vmem>>, %arg25: memref<40x128xf32, #tpu.memory_space<vmem>>, %arg26: memref<40x128xf32, #tpu.memory_space<vmem>>, %arg27: memref<40x128xf32, #tpu.memory_space<vmem>>, %arg28: memref<40x128xf32, #tpu.memory_space<vmem>>, %arg29: memref<40x128xf32, #tpu.memory_space<vmem>>, %arg30: memref<40x8xf32, #tpu.memory_space<vmem>>, %arg31: memref<10000x128xf32, #tpu.memory_space<vmem_shared>>, %arg32: memref<10000x8xf32, #tpu.memory_space<vmem_shared>>, %arg33: memref<!tpu.dma_semaphore, #tpu.memory_space<semaphore_mem>>, %arg34: memref<!tpu.dma_semaphore, #tpu.memory_space<semaphore_mem>>, %arg35: memref<!tpu.dma_semaphore, #tpu.memory_space<semaphore_mem>>, %arg36: memref<!tpu.dma_semaphore, #tpu.memory_space<semaphore_mem>>, %arg37: memref<!tpu.dma_semaphore, #tpu.memory_space<semaphore_mem>>, %arg38: memref<!tpu.dma_semaphore, #tpu.memory_space<semaphore_mem>>, %arg39: memref<!tpu.dma_semaphore, #tpu.memory_space<semaphore_mem>>, %arg40: memref<!tpu.dma_semaphore, #tpu.memory_space<semaphore_mem>>, %arg41: memref<!tpu.dma_semaphore, #tpu.memory_space<semaphore_mem>>, %arg42: memref<!tpu.dma_semaphore, #tpu.memory_space<semaphore_mem>>, %arg43: memref<!tpu.dma_semaphore, #tpu.memory_space<semaphore_mem>>, %arg44: memref<!tpu.dma_semaphore, #tpu.memory_space<semaphore_mem>>, %arg45: memref<!tpu.dma_semaphore, #tpu.memory_space<semaphore_mem>>) attributes {dimension_semantics = [#tpu.dimension_semantics<core_parallel>, #tpu.dimension_semantics<subcore_parallel>], iteration_bounds = array<i64: 2, 16>, scalar_prefetch = 0 : i64, scratch_operands = 30 : i64, tpu.core_type = #tpu.core_type<sc_vector_subcore>, window_params = [{transform_indices = #map}, {transform_indices = #map}, {transform_indices = #map}, {transform_indices = #map}, {transform_indices = #map}, {transform_indices = #map}, {transform_indices = #map1}, {transform_indices = #map1}, {transform_indices = #map}, {transform_indices = #map}, {transform_indices = #map}, {transform_indices = #map}, {transform_indices = #map}, {transform_indices = #map}]} {
    %mul3A = arith.constant 625 : i32
    %mul3A_0 = arith.muli %arg1, %mul3A : i32
    "tpu.region"() ({
      %run_scoped3A = tpu.sem_alloc : memref<!tpu.dma_semaphore, #tpu.memory_space<semaphore_mem>>
      %dma_start3A = arith.constant 0 : i32
      %dma_start3A_21 = tpu.memref_slice %arg31[%mul3A_0, %dma_start3A] : memref<10000x128xf32, #tpu.memory_space<vmem_shared>> -> memref<625x128xf32, #tpu.memory_space<vmem_shared>>
      tpu.enqueue_dma source(%arg11 : memref<625x128xf32, #tpu.memory_space<hbm>>) target(%dma_start3A_21 : memref<625x128xf32, #tpu.memory_space<vmem_shared>>) target_semaphore(%run_scoped3A : memref<!tpu.dma_semaphore, #tpu.memory_space<semaphore_mem>>)
      %dma_wait3A = arith.constant 0 : i32
      %dma_wait3A_22 = tpu.memref_slice %arg31[%mul3A_0, %dma_wait3A] : memref<10000x128xf32, #tpu.memory_space<vmem_shared>> -> memref<625x128xf32, #tpu.memory_space<vmem_shared>>
      tpu.wait_dma2 semaphore(%run_scoped3A : memref<!tpu.dma_semaphore, #tpu.memory_space<semaphore_mem>>) src(%arg11 : memref<625x128xf32, #tpu.memory_space<hbm>>) dst(%dma_wait3A_22 : memref<625x128xf32, #tpu.memory_space<vmem_shared>>)
      tpu.yield
    }) : () -> ()
    "tpu.region"() ({
      %run_scoped3A = tpu.sem_alloc : memref<!tpu.dma_semaphore, #tpu.memory_space<semaphore_mem>>
      %dma_start3A = arith.constant 0 : i32
      %dma_start3A_21 = tpu.memref_slice %arg32[%mul3A_0, %dma_start3A] : memref<10000x8xf32, #tpu.memory_space<vmem_shared>> -> memref<625x8xf32, #tpu.memory_space<vmem_shared>>
      tpu.enqueue_dma source(%arg12 : memref<625x8xf32, #tpu.memory_space<hbm>>) target(%dma_start3A_21 : memref<625x8xf32, #tpu.memory_space<vmem_shared>>) target_semaphore(%run_scoped3A : memref<!tpu.dma_semaphore, #tpu.memory_space<semaphore_mem>>)
      %dma_wait3A = arith.constant 0 : i32
      %dma_wait3A_22 = tpu.memref_slice %arg32[%mul3A_0, %dma_wait3A] : memref<10000x8xf32, #tpu.memory_space<vmem_shared>> -> memref<625x8xf32, #tpu.memory_space<vmem_shared>>
      tpu.wait_dma2 semaphore(%run_scoped3A : memref<!tpu.dma_semaphore, #tpu.memory_space<semaphore_mem>>) src(%arg12 : memref<625x8xf32, #tpu.memory_space<hbm>>) dst(%dma_wait3A_22 : memref<625x8xf32, #tpu.memory_space<vmem_shared>>)
      tpu.yield
    }) : () -> ()
    "tpu.region"() ({
      %run_scoped3A = tpu.sem_alloc : memref<!tpu.dma_semaphore, #tpu.memory_space<semaphore_mem>>
      tpu.enqueue_dma source(%arg10 : memref<40x8xf32, #tpu.memory_space<hbm>>) target(%arg30 : memref<40x8xf32, #tpu.memory_space<vmem>>) target_semaphore(%run_scoped3A : memref<!tpu.dma_semaphore, #tpu.memory_space<semaphore_mem>>)
      tpu.wait_dma2 semaphore(%run_scoped3A : memref<!tpu.dma_semaphore, #tpu.memory_space<semaphore_mem>>) src(%arg10 : memref<40x8xf32, #tpu.memory_space<hbm>>) dst(%arg30 : memref<40x8xf32, #tpu.memory_space<vmem>>)
      tpu.yield
    }) : () -> ()
    %barrier3A = arith.constant 0 : index
    tpu.barrier barrier_id(%barrier3A)
    %mul3A_1 = arith.constant 10000 : i32
    %mul3A_2 = arith.muli %arg1, %mul3A_1 : i32
    %eq3A = arith.constant 0 : i32
    %eq3A_3 = arith.cmpi eq, %arg0, %eq3A : i32
    %convert_element_type3A = arith.extui %eq3A_3 : i1 to i32
    %cond3A = arith.constant 0 : i32
    %cond3A_4 = arith.cmpi ne, %convert_element_type3A, %cond3A : i32
    scf.if %cond3A_4 {
      %add3A = arith.constant 0 : i32
      %add3A_21 = arith.addi %mul3A_2, %add3A : i32
      %dma_start3A = tpu.memref_slice %arg8[%add3A_21] : memref<160000xi32, #tpu.memory_space<hbm>> -> memref<40xi32, #tpu.memory_space<hbm>>
      %dma_start3A_22 = tpu.memref_slice %arg8[%add3A_21] : memref<160000xi32, #tpu.memory_space<hbm>> -> memref<40xi32, #tpu.memory_space<hbm>>
      tpu.enqueue_dma source(%dma_start3A_22 : memref<40xi32, #tpu.memory_space<hbm>>) target(%arg16 : memref<40xi32, #tpu.memory_space<vmem>>) target_semaphore(%arg41 : memref<!tpu.dma_semaphore, #tpu.memory_space<semaphore_mem>>)
      %add3A_23 = arith.constant 0 : i32
      %add3A_24 = arith.addi %mul3A_2, %add3A_23 : i32
      %dma_start3A_25 = tpu.memref_slice %arg9[%add3A_24] : memref<160000xi32, #tpu.memory_space<hbm>> -> memref<40xi32, #tpu.memory_space<hbm>>
      %dma_start3A_26 = tpu.memref_slice %arg9[%add3A_24] : memref<160000xi32, #tpu.memory_space<hbm>> -> memref<40xi32, #tpu.memory_space<hbm>>
      tpu.enqueue_dma source(%dma_start3A_26 : memref<40xi32, #tpu.memory_space<hbm>>) target(%arg18 : memref<40xi32, #tpu.memory_space<vmem>>) target_semaphore(%arg41 : memref<!tpu.dma_semaphore, #tpu.memory_space<semaphore_mem>>)
      %add3A_27 = arith.constant 0 : i32
      %add3A_28 = arith.addi %mul3A_2, %add3A_27 : i32
      %dma_wait3A = tpu.memref_slice %arg8[%add3A_28] : memref<160000xi32, #tpu.memory_space<hbm>> -> memref<40xi32, #tpu.memory_space<hbm>>
      %dma_wait3A_29 = tpu.memref_slice %arg8[%add3A_28] : memref<160000xi32, #tpu.memory_space<hbm>> -> memref<40xi32, #tpu.memory_space<hbm>>
      tpu.wait_dma2 semaphore(%arg41 : memref<!tpu.dma_semaphore, #tpu.memory_space<semaphore_mem>>) src(%dma_wait3A_29 : memref<40xi32, #tpu.memory_space<hbm>>) dst(%arg16 : memref<40xi32, #tpu.memory_space<vmem>>)
      %add3A_30 = arith.constant 0 : i32
      %add3A_31 = arith.addi %mul3A_2, %add3A_30 : i32
      %dma_wait3A_32 = tpu.memref_slice %arg9[%add3A_31] : memref<160000xi32, #tpu.memory_space<hbm>> -> memref<40xi32, #tpu.memory_space<hbm>>
      %dma_wait3A_33 = tpu.memref_slice %arg9[%add3A_31] : memref<160000xi32, #tpu.memory_space<hbm>> -> memref<40xi32, #tpu.memory_space<hbm>>
      tpu.wait_dma2 semaphore(%arg41 : memref<!tpu.dma_semaphore, #tpu.memory_space<semaphore_mem>>) src(%dma_wait3A_33 : memref<40xi32, #tpu.memory_space<hbm>>) dst(%arg18 : memref<40xi32, #tpu.memory_space<vmem>>)
      %dma_start3A_34 = arith.constant 0 : i32
      %dma_start3A_35 = arith.constant 0 : i32
      %dma_start3A_36 = tpu.memref_slice %arg2[%dma_start3A_34, %dma_start3A_35] : memref<10000x128xf32, #tpu.memory_space<hbm>> -> memref<10000x128xf32, #tpu.memory_space<hbm>>
      tpu.enqueue_indirect_dma source(%dma_start3A_36 : memref<10000x128xf32, #tpu.memory_space<hbm>>) target(%arg22 : memref<40x128xf32, #tpu.memory_space<vmem>>) offsets(%arg16 : memref<40xi32, #tpu.memory_space<vmem>>) semaphore(%arg33 : memref<!tpu.dma_semaphore, #tpu.memory_space<semaphore_mem>>)
      %dma_start3A_37 = arith.constant 0 : i32
      %dma_start3A_38 = arith.constant 0 : i32
      %dma_start3A_39 = tpu.memref_slice %arg4[%dma_start3A_37, %dma_start3A_38] : memref<10000x128xf32, #tpu.memory_space<hbm>> -> memref<10000x128xf32, #tpu.memory_space<hbm>>
      tpu.enqueue_indirect_dma source(%dma_start3A_39 : memref<10000x128xf32, #tpu.memory_space<hbm>>) target(%arg24 : memref<40x128xf32, #tpu.memory_space<vmem>>) offsets(%arg18 : memref<40xi32, #tpu.memory_space<vmem>>) semaphore(%arg35 : memref<!tpu.dma_semaphore, #tpu.memory_space<semaphore_mem>>)
      %add3A_40 = arith.constant 0 : i32
      %add3A_41 = arith.addi %mul3A_2, %add3A_40 : i32
      %dma_start3A_42 = arith.constant 0 : i32
      %dma_start3A_43 = tpu.memref_slice %arg6[%add3A_41, %dma_start3A_42] : memref<160000x128xf32, #tpu.memory_space<hbm>> -> memref<40x128xf32, #tpu.memory_space<hbm>>
      %dma_start3A_44 = arith.constant 0 : i32
      %dma_start3A_45 = tpu.memref_slice %arg6[%add3A_41, %dma_start3A_44] : memref<160000x128xf32, #tpu.memory_space<hbm>> -> memref<40x128xf32, #tpu.memory_space<hbm>>
      tpu.enqueue_dma source(%dma_start3A_45 : memref<40x128xf32, #tpu.memory_space<hbm>>) target(%arg26 : memref<40x128xf32, #tpu.memory_space<vmem>>) target_semaphore(%arg37 : memref<!tpu.dma_semaphore, #tpu.memory_space<semaphore_mem>>)
      %add3A_46 = arith.constant 40 : i32
      %add3A_47 = arith.addi %mul3A_2, %add3A_46 : i32
      %dma_start3A_48 = tpu.memref_slice %arg8[%add3A_47] : memref<160000xi32, #tpu.memory_space<hbm>> -> memref<40xi32, #tpu.memory_space<hbm>>
      %dma_start3A_49 = tpu.memref_slice %arg8[%add3A_47] : memref<160000xi32, #tpu.memory_space<hbm>> -> memref<40xi32, #tpu.memory_space<hbm>>
      tpu.enqueue_dma source(%dma_start3A_49 : memref<40xi32, #tpu.memory_space<hbm>>) target(%arg17 : memref<40xi32, #tpu.memory_space<vmem>>) target_semaphore(%arg42 : memref<!tpu.dma_semaphore, #tpu.memory_space<semaphore_mem>>)
      %add3A_50 = arith.constant 40 : i32
      %add3A_51 = arith.addi %mul3A_2, %add3A_50 : i32
      %dma_start3A_52 = tpu.memref_slice %arg9[%add3A_51] : memref<160000xi32, #tpu.memory_space<hbm>> -> memref<40xi32, #tpu.memory_space<hbm>>
      %dma_start3A_53 = tpu.memref_slice %arg9[%add3A_51] : memref<160000xi32, #tpu.memory_space<hbm>> -> memref<40xi32, #tpu.memory_space<hbm>>
      tpu.enqueue_dma source(%dma_start3A_53 : memref<40xi32, #tpu.memory_space<hbm>>) target(%arg19 : memref<40xi32, #tpu.memory_space<vmem>>) target_semaphore(%arg42 : memref<!tpu.dma_semaphore, #tpu.memory_space<semaphore_mem>>)
      %add3A_54 = arith.constant 40 : i32
      %add3A_55 = arith.addi %mul3A_2, %add3A_54 : i32
      %dma_wait3A_56 = tpu.memref_slice %arg8[%add3A_55] : memref<160000xi32, #tpu.memory_space<hbm>> -> memref<40xi32, #tpu.memory_space<hbm>>
      %dma_wait3A_57 = tpu.memref_slice %arg8[%add3A_55] : memref<160000xi32, #tpu.memory_space<hbm>> -> memref<40xi32, #tpu.memory_space<hbm>>
      tpu.wait_dma2 semaphore(%arg42 : memref<!tpu.dma_semaphore, #tpu.memory_space<semaphore_mem>>) src(%dma_wait3A_57 : memref<40xi32, #tpu.memory_space<hbm>>) dst(%arg17 : memref<40xi32, #tpu.memory_space<vmem>>)
      %add3A_58 = arith.constant 40 : i32
      %add3A_59 = arith.addi %mul3A_2, %add3A_58 : i32
      %dma_wait3A_60 = tpu.memref_slice %arg9[%add3A_59] : memref<160000xi32, #tpu.memory_space<hbm>> -> memref<40xi32, #tpu.memory_space<hbm>>
      %dma_wait3A_61 = tpu.memref_slice %arg9[%add3A_59] : memref<160000xi32, #tpu.memory_space<hbm>> -> memref<40xi32, #tpu.memory_space<hbm>>
      tpu.wait_dma2 semaphore(%arg42 : memref<!tpu.dma_semaphore, #tpu.memory_space<semaphore_mem>>) src(%dma_wait3A_61 : memref<40xi32, #tpu.memory_space<hbm>>) dst(%arg19 : memref<40xi32, #tpu.memory_space<vmem>>)
      %dma_start3A_62 = arith.constant 0 : i32
      %dma_start3A_63 = arith.constant 0 : i32
      %dma_start3A_64 = tpu.memref_slice %arg2[%dma_start3A_62, %dma_start3A_63] : memref<10000x128xf32, #tpu.memory_space<hbm>> -> memref<10000x128xf32, #tpu.memory_space<hbm>>
      tpu.enqueue_indirect_dma source(%dma_start3A_64 : memref<10000x128xf32, #tpu.memory_space<hbm>>) target(%arg23 : memref<40x128xf32, #tpu.memory_space<vmem>>) offsets(%arg17 : memref<40xi32, #tpu.memory_space<vmem>>) semaphore(%arg34 : memref<!tpu.dma_semaphore, #tpu.memory_space<semaphore_mem>>)
      %dma_start3A_65 = arith.constant 0 : i32
      %dma_start3A_66 = arith.constant 0 : i32
      %dma_start3A_67 = tpu.memref_slice %arg4[%dma_start3A_65, %dma_start3A_66] : memref<10000x128xf32, #tpu.memory_space<hbm>> -> memref<10000x128xf32, #tpu.memory_space<hbm>>
      tpu.enqueue_indirect_dma source(%dma_start3A_67 : memref<10000x128xf32, #tpu.memory_space<hbm>>) target(%arg25 : memref<40x128xf32, #tpu.memory_space<vmem>>) offsets(%arg19 : memref<40xi32, #tpu.memory_space<vmem>>) semaphore(%arg36 : memref<!tpu.dma_semaphore, #tpu.memory_space<semaphore_mem>>)
      %add3A_68 = arith.constant 40 : i32
      %add3A_69 = arith.addi %mul3A_2, %add3A_68 : i32
      %dma_start3A_70 = arith.constant 0 : i32
      %dma_start3A_71 = tpu.memref_slice %arg6[%add3A_69, %dma_start3A_70] : memref<160000x128xf32, #tpu.memory_space<hbm>> -> memref<40x128xf32, #tpu.memory_space<hbm>>
      %dma_start3A_72 = arith.constant 0 : i32
      %dma_start3A_73 = tpu.memref_slice %arg6[%add3A_69, %dma_start3A_72] : memref<160000x128xf32, #tpu.memory_space<hbm>> -> memref<40x128xf32, #tpu.memory_space<hbm>>
      tpu.enqueue_dma source(%dma_start3A_73 : memref<40x128xf32, #tpu.memory_space<hbm>>) target(%arg27 : memref<40x128xf32, #tpu.memory_space<vmem>>) target_semaphore(%arg38 : memref<!tpu.dma_semaphore, #tpu.memory_space<semaphore_mem>>)
      %scan3A = arith.constant 0 : i32
      %scan3A_74 = arith.constant 0 : i32
      %scan3A_75 = arith.constant 125 : i32
      %scan3A_76 = arith.addi %scan3A_74, %scan3A_75 : i32
      %scan3A_77 = arith.constant 1 : i32
      scf.for %scan3A_91 = %scan3A_74 to %scan3A_76 step %scan3A_77  : i32 {
        %mul3A_92 = arith.constant 2 : i32
        %mul3A_93 = arith.muli %scan3A_91, %mul3A_92 : i32
        %add3A_94 = arith.constant 0 : i32
        %add3A_95 = arith.addi %mul3A_93, %add3A_94 : i32
        %dma_wait3A_96 = arith.constant 0 : i32
        %dma_wait3A_97 = arith.constant 0 : i32
        %dma_wait3A_98 = tpu.memref_slice %arg2[%dma_wait3A_96, %dma_wait3A_97] : memref<10000x128xf32, #tpu.memory_space<hbm>> -> memref<10000x128xf32, #tpu.memory_space<hbm>>
        tpu.wait_indirect_dma semaphore(%arg33 : memref<!tpu.dma_semaphore, #tpu.memory_space<semaphore_mem>>) src(%dma_wait3A_98 : memref<10000x128xf32, #tpu.memory_space<hbm>>) dst(%arg22 : memref<40x128xf32, #tpu.memory_space<vmem>>)
        %dma_wait3A_99 = arith.constant 0 : i32
        %dma_wait3A_100 = arith.constant 0 : i32
        %dma_wait3A_101 = tpu.memref_slice %arg4[%dma_wait3A_99, %dma_wait3A_100] : memref<10000x128xf32, #tpu.memory_space<hbm>> -> memref<10000x128xf32, #tpu.memory_space<hbm>>
        tpu.wait_indirect_dma semaphore(%arg35 : memref<!tpu.dma_semaphore, #tpu.memory_space<semaphore_mem>>) src(%dma_wait3A_101 : memref<10000x128xf32, #tpu.memory_space<hbm>>) dst(%arg24 : memref<40x128xf32, #tpu.memory_space<vmem>>)
        %mul3A_102 = arith.constant 40 : i32
        %mul3A_103 = arith.muli %add3A_95, %mul3A_102 : i32
        %add3A_104 = arith.addi %mul3A_2, %mul3A_103 : i32
        %dma_wait3A_105 = arith.constant 0 : i32
        %dma_wait3A_106 = tpu.memref_slice %arg6[%add3A_104, %dma_wait3A_105] : memref<160000x128xf32, #tpu.memory_space<hbm>> -> memref<40x128xf32, #tpu.memory_space<hbm>>
        %dma_wait3A_107 = arith.constant 0 : i32
        %dma_wait3A_108 = tpu.memref_slice %arg6[%add3A_104, %dma_wait3A_107] : memref<160000x128xf32, #tpu.memory_space<hbm>> -> memref<40x128xf32, #tpu.memory_space<hbm>>
        tpu.wait_dma2 semaphore(%arg37 : memref<!tpu.dma_semaphore, #tpu.memory_space<semaphore_mem>>) src(%dma_wait3A_108 : memref<40x128xf32, #tpu.memory_space<hbm>>) dst(%arg26 : memref<40x128xf32, #tpu.memory_space<vmem>>)
        %add3A_109 = arith.constant 2 : i32
        %add3A_110 = arith.addi %add3A_95, %add3A_109 : i32
        %lt3A = arith.constant 250 : i32
        %lt3A_111 = arith.cmpi slt, %add3A_110, %lt3A : i32
        %convert_element_type3A_112 = arith.extui %lt3A_111 : i1 to i32
        %cond3A_113 = arith.constant 0 : i32
        %cond3A_114 = arith.cmpi ne, %convert_element_type3A_112, %cond3A_113 : i32
        scf.if %cond3A_114 {
          %add3A_206 = arith.constant 2 : i32
          %add3A_207 = arith.addi %add3A_95, %add3A_206 : i32
          %mul3A_208 = arith.constant 40 : i32
          %mul3A_209 = arith.muli %add3A_207, %mul3A_208 : i32
          %add3A_210 = arith.addi %mul3A_2, %mul3A_209 : i32
          %dma_start3A_211 = tpu.memref_slice %arg8[%add3A_210] : memref<160000xi32, #tpu.memory_space<hbm>> -> memref<40xi32, #tpu.memory_space<hbm>>
          %dma_start3A_212 = tpu.memref_slice %arg8[%add3A_210] : memref<160000xi32, #tpu.memory_space<hbm>> -> memref<40xi32, #tpu.memory_space<hbm>>
          tpu.enqueue_dma source(%dma_start3A_212 : memref<40xi32, #tpu.memory_space<hbm>>) target(%arg16 : memref<40xi32, #tpu.memory_space<vmem>>) target_semaphore(%arg41 : memref<!tpu.dma_semaphore, #tpu.memory_space<semaphore_mem>>)
          %mul3A_213 = arith.constant 40 : i32
          %mul3A_214 = arith.muli %add3A_207, %mul3A_213 : i32
          %add3A_215 = arith.addi %mul3A_2, %mul3A_214 : i32
          %dma_start3A_216 = tpu.memref_slice %arg9[%add3A_215] : memref<160000xi32, #tpu.memory_space<hbm>> -> memref<40xi32, #tpu.memory_space<hbm>>
          %dma_start3A_217 = tpu.memref_slice %arg9[%add3A_215] : memref<160000xi32, #tpu.memory_space<hbm>> -> memref<40xi32, #tpu.memory_space<hbm>>
          tpu.enqueue_dma source(%dma_start3A_217 : memref<40xi32, #tpu.memory_space<hbm>>) target(%arg18 : memref<40xi32, #tpu.memory_space<vmem>>) target_semaphore(%arg41 : memref<!tpu.dma_semaphore, #tpu.memory_space<semaphore_mem>>)
        } else {
        }
        %ge3A = arith.constant 2 : i32
        %ge3A_115 = arith.cmpi sge, %add3A_95, %ge3A : i32
        %convert_element_type3A_116 = arith.extui %ge3A_115 : i1 to i32
        %cond3A_117 = arith.constant 0 : i32
        %cond3A_118 = arith.cmpi ne, %convert_element_type3A_116, %cond3A_117 : i32
        scf.if %cond3A_118 {
          %sub3A = arith.constant 2 : i32
          %sub3A_206 = arith.subi %add3A_95, %sub3A : i32
          %dma_wait3A_207 = arith.constant 0 : i32
          %dma_wait3A_208 = arith.constant 0 : i32
          %dma_wait3A_209 = tpu.memref_slice %arg31[%dma_wait3A_207, %dma_wait3A_208] : memref<10000x128xf32, #tpu.memory_space<vmem_shared>> -> memref<10000x128xf32, #tpu.memory_space<vmem_shared>>
          tpu.wait_indirect_dma semaphore(%arg39 : memref<!tpu.dma_semaphore, #tpu.memory_space<semaphore_mem>>) src(%arg28 : memref<40x128xf32, #tpu.memory_space<vmem>>) dst(%dma_wait3A_209 : memref<10000x128xf32, #tpu.memory_space<vmem_shared>>)
        } else {
        }
        %mul3A_119 = arith.constant 40 : i32
        %mul3A_120 = arith.muli %add3A_95, %mul3A_119 : i32
        %add3A_121 = arith.addi %mul3A_2, %mul3A_120 : i32
        %dma_start3A_122 = tpu.memref_slice %arg9[%add3A_121] : memref<160000xi32, #tpu.memory_space<hbm>> -> memref<40xi32, #tpu.memory_space<hbm>>
        %dma_start3A_123 = tpu.memref_slice %arg9[%add3A_121] : memref<160000xi32, #tpu.memory_space<hbm>> -> memref<40xi32, #tpu.memory_space<hbm>>
        tpu.enqueue_dma source(%dma_start3A_123 : memref<40xi32, #tpu.memory_space<hbm>>) target(%arg20 : memref<40xi32, #tpu.memory_space<vmem>>) target_semaphore(%arg43 : memref<!tpu.dma_semaphore, #tpu.memory_space<semaphore_mem>>)
        %scan3A_124 = arith.constant 0 : i32
        %scan3A_125 = arith.constant 0 : i32
        %scan3A_126 = arith.constant 40 : i32
        %scan3A_127 = arith.addi %scan3A_125, %scan3A_126 : i32
        %scan3A_128 = arith.constant 1 : i32
        scf.for %scan3A_206 = %scan3A_125 to %scan3A_127 step %scan3A_128  : i32 {
          %get3A = arith.index_cast %scan3A_206 : i32 to index
          %get3A_207 = arith.constant 0 : index
          %get3A_208 = tpu.vector_load %arg22[%get3A, %get3A_207] {strides = array<i32>} : memref<40x128xf32, #tpu.memory_space<vmem>>, vector<1x16xf32>,
          %get3A_209 = vector.shape_cast %get3A_208 : vector<1x16xf32> to vector<16xf32>
          %get3A_210 = arith.index_cast %scan3A_206 : i32 to index
          %get3A_211 = arith.constant 0 : index
          %get3A_212 = tpu.vector_load %arg24[%get3A_210, %get3A_211] {strides = array<i32>} : memref<40x128xf32, #tpu.memory_space<vmem>>, vector<1x16xf32>,
          %get3A_213 = vector.shape_cast %get3A_212 : vector<1x16xf32> to vector<16xf32>
          %add3A_214 = arith.addf %get3A_209, %get3A_213 : vector<16xf32>
          %get3A_215 = arith.index_cast %scan3A_206 : i32 to index
          %get3A_216 = arith.constant 0 : index
          %get3A_217 = tpu.vector_load %arg26[%get3A_215, %get3A_216] {strides = array<i32>} : memref<40x128xf32, #tpu.memory_space<vmem>>, vector<1x16xf32>,
          %get3A_218 = vector.shape_cast %get3A_217 : vector<1x16xf32> to vector<16xf32>
          %add3A_219 = arith.addf %add3A_214, %get3A_218 : vector<16xf32>
          %max3A = arith.constant 0.000000e+00 : f32
          %max3A_220 = vector.broadcast %max3A : f32 to vector<16xf32>
          %max3A_221 = arith.maximumf %add3A_219, %max3A_220 : vector<16xf32>
          %swap3A = arith.index_cast %scan3A_206 : i32 to index
          %swap3A_222 = arith.constant 0 : index
          %swap3A_223 = tpu.vector_load %arg28[%swap3A, %swap3A_222] {strides = array<i32>} : memref<40x128xf32, #tpu.memory_space<vmem>>, vector<1x16xf32>,
          %swap3A_224 = vector.shape_cast %swap3A_223 : vector<1x16xf32> to vector<16xf32>
          %swap3A_225 = vector.shape_cast %max3A_221 : vector<16xf32> to vector<1x16xf32>
          tpu.vector_store %arg28[%swap3A, %swap3A_222], %swap3A_225 {strides = array<i32>} : memref<40x128xf32, #tpu.memory_space<vmem>>, vector<1x16xf32>,
          %get3A_226 = arith.index_cast %scan3A_206 : i32 to index
          %get3A_227 = arith.constant 16 : index
          %get3A_228 = tpu.vector_load %arg22[%get3A_226, %get3A_227] {strides = array<i32>} : memref<40x128xf32, #tpu.memory_space<vmem>>, vector<1x16xf32>,
          %get3A_229 = vector.shape_cast %get3A_228 : vector<1x16xf32> to vector<16xf32>
          %get3A_230 = arith.index_cast %scan3A_206 : i32 to index
          %get3A_231 = arith.constant 16 : index
          %get3A_232 = tpu.vector_load %arg24[%get3A_230, %get3A_231] {strides = array<i32>} : memref<40x128xf32, #tpu.memory_space<vmem>>, vector<1x16xf32>,
          %get3A_233 = vector.shape_cast %get3A_232 : vector<1x16xf32> to vector<16xf32>
          %add3A_234 = arith.addf %get3A_229, %get3A_233 : vector<16xf32>
          %get3A_235 = arith.index_cast %scan3A_206 : i32 to index
          %get3A_236 = arith.constant 16 : index
          %get3A_237 = tpu.vector_load %arg26[%get3A_235, %get3A_236] {strides = array<i32>} : memref<40x128xf32, #tpu.memory_space<vmem>>, vector<1x16xf32>,
          %get3A_238 = vector.shape_cast %get3A_237 : vector<1x16xf32> to vector<16xf32>
          %add3A_239 = arith.addf %add3A_234, %get3A_238 : vector<16xf32>
          %max3A_240 = arith.constant 0.000000e+00 : f32
          %max3A_241 = vector.broadcast %max3A_240 : f32 to vector<16xf32>
          %max3A_242 = arith.maximumf %add3A_239, %max3A_241 : vector<16xf32>
          %swap3A_243 = arith.index_cast %scan3A_206 : i32 to index
          %swap3A_244 = arith.constant 16 : index
          %swap3A_245 = tpu.vector_load %arg28[%swap3A_243, %swap3A_244] {strides = array<i32>} : memref<40x128xf32, #tpu.memory_space<vmem>>, vector<1x16xf32>,
          %swap3A_246 = vector.shape_cast %swap3A_245 : vector<1x16xf32> to vector<16xf32>
          %swap3A_247 = vector.shape_cast %max3A_242 : vector<16xf32> to vector<1x16xf32>
          tpu.vector_store %arg28[%swap3A_243, %swap3A_244], %swap3A_247 {strides = array<i32>} : memref<40x128xf32, #tpu.memory_space<vmem>>, vector<1x16xf32>,
          %get3A_248 = arith.index_cast %scan3A_206 : i32 to index
          %get3A_249 = arith.constant 32 : index
          %get3A_250 = tpu.vector_load %arg22[%get3A_248, %get3A_249] {strides = array<i32>} : memref<40x128xf32, #tpu.memory_space<vmem>>, vector<1x16xf32>,
          %get3A_251 = vector.shape_cast %get3A_250 : vector<1x16xf32> to vector<16xf32>
          %get3A_252 = arith.index_cast %scan3A_206 : i32 to index
          %get3A_253 = arith.constant 32 : index
          %get3A_254 = tpu.vector_load %arg24[%get3A_252, %get3A_253] {strides = array<i32>} : memref<40x128xf32, #tpu.memory_space<vmem>>, vector<1x16xf32>,
          %get3A_255 = vector.shape_cast %get3A_254 : vector<1x16xf32> to vector<16xf32>
          %add3A_256 = arith.addf %get3A_251, %get3A_255 : vector<16xf32>
          %get3A_257 = arith.index_cast %scan3A_206 : i32 to index
          %get3A_258 = arith.constant 32 : index
          %get3A_259 = tpu.vector_load %arg26[%get3A_257, %get3A_258] {strides = array<i32>} : memref<40x128xf32, #tpu.memory_space<vmem>>, vector<1x16xf32>,
          %get3A_260 = vector.shape_cast %get3A_259 : vector<1x16xf32> to vector<16xf32>
          %add3A_261 = arith.addf %add3A_256, %get3A_260 : vector<16xf32>
          %max3A_262 = arith.constant 0.000000e+00 : f32
          %max3A_263 = vector.broadcast %max3A_262 : f32 to vector<16xf32>
          %max3A_264 = arith.maximumf %add3A_261, %max3A_263 : vector<16xf32>
          %swap3A_265 = arith.index_cast %scan3A_206 : i32 to index
          %swap3A_266 = arith.constant 32 : index
          %swap3A_267 = tpu.vector_load %arg28[%swap3A_265, %swap3A_266] {strides = array<i32>} : memref<40x128xf32, #tpu.memory_space<vmem>>, vector<1x16xf32>,
          %swap3A_268 = vector.shape_cast %swap3A_267 : vector<1x16xf32> to vector<16xf32>
          %swap3A_269 = vector.shape_cast %max3A_264 : vector<16xf32> to vector<1x16xf32>
          tpu.vector_store %arg28[%swap3A_265, %swap3A_266], %swap3A_269 {strides = array<i32>} : memref<40x128xf32, #tpu.memory_space<vmem>>, vector<1x16xf32>,
          %get3A_270 = arith.index_cast %scan3A_206 : i32 to index
          %get3A_271 = arith.constant 48 : index
          %get3A_272 = tpu.vector_load %arg22[%get3A_270, %get3A_271] {strides = array<i32>} : memref<40x128xf32, #tpu.memory_space<vmem>>, vector<1x16xf32>,
          %get3A_273 = vector.shape_cast %get3A_272 : vector<1x16xf32> to vector<16xf32>
          %get3A_274 = arith.index_cast %scan3A_206 : i32 to index
          %get3A_275 = arith.constant 48 : index
          %get3A_276 = tpu.vector_load %arg24[%get3A_274, %get3A_275] {strides = array<i32>} : memref<40x128xf32, #tpu.memory_space<vmem>>, vector<1x16xf32>,
          %get3A_277 = vector.shape_cast %get3A_276 : vector<1x16xf32> to vector<16xf32>
          %add3A_278 = arith.addf %get3A_273, %get3A_277 : vector<16xf32>
          %get3A_279 = arith.index_cast %scan3A_206 : i32 to index
          %get3A_280 = arith.constant 48 : index
          %get3A_281 = tpu.vector_load %arg26[%get3A_279, %get3A_280] {strides = array<i32>} : memref<40x128xf32, #tpu.memory_space<vmem>>, vector<1x16xf32>,
          %get3A_282 = vector.shape_cast %get3A_281 : vector<1x16xf32> to vector<16xf32>
          %add3A_283 = arith.addf %add3A_278, %get3A_282 : vector<16xf32>
          %max3A_284 = arith.constant 0.000000e+00 : f32
          %max3A_285 = vector.broadcast %max3A_284 : f32 to vector<16xf32>
          %max3A_286 = arith.maximumf %add3A_283, %max3A_285 : vector<16xf32>
          %swap3A_287 = arith.index_cast %scan3A_206 : i32 to index
          %swap3A_288 = arith.constant 48 : index
          %swap3A_289 = tpu.vector_load %arg28[%swap3A_287, %swap3A_288] {strides = array<i32>} : memref<40x128xf32, #tpu.memory_space<vmem>>, vector<1x16xf32>,
          %swap3A_290 = vector.shape_cast %swap3A_289 : vector<1x16xf32> to vector<16xf32>
          %swap3A_291 = vector.shape_cast %max3A_286 : vector<16xf32> to vector<1x16xf32>
          tpu.vector_store %arg28[%swap3A_287, %swap3A_288], %swap3A_291 {strides = array<i32>} : memref<40x128xf32, #tpu.memory_space<vmem>>, vector<1x16xf32>,
          %get3A_292 = arith.index_cast %scan3A_206 : i32 to index
          %get3A_293 = arith.constant 64 : index
          %get3A_294 = tpu.vector_load %arg22[%get3A_292, %get3A_293] {strides = array<i32>} : memref<40x128xf32, #tpu.memory_space<vmem>>, vector<1x16xf32>,
          %get3A_295 = vector.shape_cast %get3A_294 : vector<1x16xf32> to vector<16xf32>
          %get3A_296 = arith.index_cast %scan3A_206 : i32 to index
          %get3A_297 = arith.constant 64 : index
          %get3A_298 = tpu.vector_load %arg24[%get3A_296, %get3A_297] {strides = array<i32>} : memref<40x128xf32, #tpu.memory_space<vmem>>, vector<1x16xf32>,
          %get3A_299 = vector.shape_cast %get3A_298 : vector<1x16xf32> to vector<16xf32>
          %add3A_300 = arith.addf %get3A_295, %get3A_299 : vector<16xf32>
          %get3A_301 = arith.index_cast %scan3A_206 : i32 to index
          %get3A_302 = arith.constant 64 : index
          %get3A_303 = tpu.vector_load %arg26[%get3A_301, %get3A_302] {strides = array<i32>} : memref<40x128xf32, #tpu.memory_space<vmem>>, vector<1x16xf32>,
          %get3A_304 = vector.shape_cast %get3A_303 : vector<1x16xf32> to vector<16xf32>
          %add3A_305 = arith.addf %add3A_300, %get3A_304 : vector<16xf32>
          %max3A_306 = arith.constant 0.000000e+00 : f32
          %max3A_307 = vector.broadcast %max3A_306 : f32 to vector<16xf32>
          %max3A_308 = arith.maximumf %add3A_305, %max3A_307 : vector<16xf32>
          %swap3A_309 = arith.index_cast %scan3A_206 : i32 to index
          %swap3A_310 = arith.constant 64 : index
          %swap3A_311 = tpu.vector_load %arg28[%swap3A_309, %swap3A_310] {strides = array<i32>} : memref<40x128xf32, #tpu.memory_space<vmem>>, vector<1x16xf32>,
          %swap3A_312 = vector.shape_cast %swap3A_311 : vector<1x16xf32> to vector<16xf32>
          %swap3A_313 = vector.shape_cast %max3A_308 : vector<16xf32> to vector<1x16xf32>
          tpu.vector_store %arg28[%swap3A_309, %swap3A_310], %swap3A_313 {strides = array<i32>} : memref<40x128xf32, #tpu.memory_space<vmem>>, vector<1x16xf32>,
          %get3A_314 = arith.index_cast %scan3A_206 : i32 to index
          %get3A_315 = arith.constant 80 : index
          %get3A_316 = tpu.vector_load %arg22[%get3A_314, %get3A_315] {strides = array<i32>} : memref<40x128xf32, #tpu.memory_space<vmem>>, vector<1x16xf32>,
          %get3A_317 = vector.shape_cast %get3A_316 : vector<1x16xf32> to vector<16xf32>
          %get3A_318 = arith.index_cast %scan3A_206 : i32 to index
          %get3A_319 = arith.constant 80 : index
          %get3A_320 = tpu.vector_load %arg24[%get3A_318, %get3A_319] {strides = array<i32>} : memref<40x128xf32, #tpu.memory_space<vmem>>, vector<1x16xf32>,
          %get3A_321 = vector.shape_cast %get3A_320 : vector<1x16xf32> to vector<16xf32>
          %add3A_322 = arith.addf %get3A_317, %get3A_321 : vector<16xf32>
          %get3A_323 = arith.index_cast %scan3A_206 : i32 to index
          %get3A_324 = arith.constant 80 : index
          %get3A_325 = tpu.vector_load %arg26[%get3A_323, %get3A_324] {strides = array<i32>} : memref<40x128xf32, #tpu.memory_space<vmem>>, vector<1x16xf32>,
          %get3A_326 = vector.shape_cast %get3A_325 : vector<1x16xf32> to vector<16xf32>
          %add3A_327 = arith.addf %add3A_322, %get3A_326 : vector<16xf32>
          %max3A_328 = arith.constant 0.000000e+00 : f32
          %max3A_329 = vector.broadcast %max3A_328 : f32 to vector<16xf32>
          %max3A_330 = arith.maximumf %add3A_327, %max3A_329 : vector<16xf32>
          %swap3A_331 = arith.index_cast %scan3A_206 : i32 to index
          %swap3A_332 = arith.constant 80 : index
          %swap3A_333 = tpu.vector_load %arg28[%swap3A_331, %swap3A_332] {strides = array<i32>} : memref<40x128xf32, #tpu.memory_space<vmem>>, vector<1x16xf32>,
          %swap3A_334 = vector.shape_cast %swap3A_333 : vector<1x16xf32> to vector<16xf32>
          %swap3A_335 = vector.shape_cast %max3A_330 : vector<16xf32> to vector<1x16xf32>
          tpu.vector_store %arg28[%swap3A_331, %swap3A_332], %swap3A_335 {strides = array<i32>} : memref<40x128xf32, #tpu.memory_space<vmem>>, vector<1x16xf32>,
          %get3A_336 = arith.index_cast %scan3A_206 : i32 to index
          %get3A_337 = arith.constant 96 : index
          %get3A_338 = tpu.vector_load %arg22[%get3A_336, %get3A_337] {strides = array<i32>} : memref<40x128xf32, #tpu.memory_space<vmem>>, vector<1x16xf32>,
          %get3A_339 = vector.shape_cast %get3A_338 : vector<1x16xf32> to vector<16xf32>
          %get3A_340 = arith.index_cast %scan3A_206 : i32 to index
          %get3A_341 = arith.constant 96 : index
          %get3A_342 = tpu.vector_load %arg24[%get3A_340, %get3A_341] {strides = array<i32>} : memref<40x128xf32, #tpu.memory_space<vmem>>, vector<1x16xf32>,
          %get3A_343 = vector.shape_cast %get3A_342 : vector<1x16xf32> to vector<16xf32>
          %add3A_344 = arith.addf %get3A_339, %get3A_343 : vector<16xf32>
          %get3A_345 = arith.index_cast %scan3A_206 : i32 to index
          %get3A_346 = arith.constant 96 : index
          %get3A_347 = tpu.vector_load %arg26[%get3A_345, %get3A_346] {strides = array<i32>} : memref<40x128xf32, #tpu.memory_space<vmem>>, vector<1x16xf32>,
          %get3A_348 = vector.shape_cast %get3A_347 : vector<1x16xf32> to vector<16xf32>
          %add3A_349 = arith.addf %add3A_344, %get3A_348 : vector<16xf32>
          %max3A_350 = arith.constant 0.000000e+00 : f32
          %max3A_351 = vector.broadcast %max3A_350 : f32 to vector<16xf32>
          %max3A_352 = arith.maximumf %add3A_349, %max3A_351 : vector<16xf32>
          %swap3A_353 = arith.index_cast %scan3A_206 : i32 to index
          %swap3A_354 = arith.constant 96 : index
          %swap3A_355 = tpu.vector_load %arg28[%swap3A_353, %swap3A_354] {strides = array<i32>} : memref<40x128xf32, #tpu.memory_space<vmem>>, vector<1x16xf32>,
          %swap3A_356 = vector.shape_cast %swap3A_355 : vector<1x16xf32> to vector<16xf32>
          %swap3A_357 = vector.shape_cast %max3A_352 : vector<16xf32> to vector<1x16xf32>
          tpu.vector_store %arg28[%swap3A_353, %swap3A_354], %swap3A_357 {strides = array<i32>} : memref<40x128xf32, #tpu.memory_space<vmem>>, vector<1x16xf32>,
          %get3A_358 = arith.index_cast %scan3A_206 : i32 to index
          %get3A_359 = arith.constant 112 : index
          %get3A_360 = tpu.vector_load %arg22[%get3A_358, %get3A_359] {strides = array<i32>} : memref<40x128xf32, #tpu.memory_space<vmem>>, vector<1x16xf32>,
          %get3A_361 = vector.shape_cast %get3A_360 : vector<1x16xf32> to vector<16xf32>
          %get3A_362 = arith.index_cast %scan3A_206 : i32 to index
          %get3A_363 = arith.constant 112 : index
          %get3A_364 = tpu.vector_load %arg24[%get3A_362, %get3A_363] {strides = array<i32>} : memref<40x128xf32, #tpu.memory_space<vmem>>, vector<1x16xf32>,
          %get3A_365 = vector.shape_cast %get3A_364 : vector<1x16xf32> to vector<16xf32>
          %add3A_366 = arith.addf %get3A_361, %get3A_365 : vector<16xf32>
          %get3A_367 = arith.index_cast %scan3A_206 : i32 to index
          %get3A_368 = arith.constant 112 : index
          %get3A_369 = tpu.vector_load %arg26[%get3A_367, %get3A_368] {strides = array<i32>} : memref<40x128xf32, #tpu.memory_space<vmem>>, vector<1x16xf32>,
          %get3A_370 = vector.shape_cast %get3A_369 : vector<1x16xf32> to vector<16xf32>
          %add3A_371 = arith.addf %add3A_366, %get3A_370 : vector<16xf32>
          %max3A_372 = arith.constant 0.000000e+00 : f32
          %max3A_373 = vector.broadcast %max3A_372 : f32 to vector<16xf32>
          %max3A_374 = arith.maximumf %add3A_371, %max3A_373 : vector<16xf32>
          %swap3A_375 = arith.index_cast %scan3A_206 : i32 to index
          %swap3A_376 = arith.constant 112 : index
          %swap3A_377 = tpu.vector_load %arg28[%swap3A_375, %swap3A_376] {strides = array<i32>} : memref<40x128xf32, #tpu.memory_space<vmem>>, vector<1x16xf32>,
          %swap3A_378 = vector.shape_cast %swap3A_377 : vector<1x16xf32> to vector<16xf32>
          %swap3A_379 = vector.shape_cast %max3A_374 : vector<16xf32> to vector<1x16xf32>
          tpu.vector_store %arg28[%swap3A_375, %swap3A_376], %swap3A_379 {strides = array<i32>} : memref<40x128xf32, #tpu.memory_space<vmem>>, vector<1x16xf32>,
        }
        %scan3A_129 = arith.constant 40 : i32
        %mul3A_130 = arith.constant 40 : i32
        %mul3A_131 = arith.muli %add3A_95, %mul3A_130 : i32
        %add3A_132 = arith.addi %mul3A_2, %mul3A_131 : i32
        %dma_wait3A_133 = tpu.memref_slice %arg9[%add3A_132] : memref<160000xi32, #tpu.memory_space<hbm>> -> memref<40xi32, #tpu.memory_space<hbm>>
        %dma_wait3A_134 = tpu.memref_slice %arg9[%add3A_132] : memref<160000xi32, #tpu.memory_space<hbm>> -> memref<40xi32, #tpu.memory_space<hbm>>
        tpu.wait_dma2 semaphore(%arg43 : memref<!tpu.dma_semaphore, #tpu.memory_space<semaphore_mem>>) src(%dma_wait3A_134 : memref<40xi32, #tpu.memory_space<hbm>>) dst(%arg20 : memref<40xi32, #tpu.memory_space<vmem>>)
        %dma_start3A_135 = arith.constant 0 : i32
        %dma_start3A_136 = arith.constant 0 : i32
        %dma_start3A_137 = tpu.memref_slice %arg31[%dma_start3A_135, %dma_start3A_136] : memref<10000x128xf32, #tpu.memory_space<vmem_shared>> -> memref<10000x128xf32, #tpu.memory_space<vmem_shared>>
        tpu.enqueue_indirect_dma source(%arg28 : memref<40x128xf32, #tpu.memory_space<vmem>>) target(%dma_start3A_137 : memref<10000x128xf32, #tpu.memory_space<vmem_shared>>) offsets(%arg20 : memref<40xi32, #tpu.memory_space<vmem>>) semaphore(%arg39 : memref<!tpu.dma_semaphore, #tpu.memory_space<semaphore_mem>>) {add = true}
        %dma_start3A_138 = arith.constant 0 : i32
        %dma_start3A_139 = arith.constant 0 : i32
        %dma_start3A_140 = tpu.memref_slice %arg32[%dma_start3A_138, %dma_start3A_139] : memref<10000x8xf32, #tpu.memory_space<vmem_shared>> -> memref<10000x8xf32, #tpu.memory_space<vmem_shared>>
        tpu.enqueue_indirect_dma source(%arg30 : memref<40x8xf32, #tpu.memory_space<vmem>>) target(%dma_start3A_140 : memref<10000x8xf32, #tpu.memory_space<vmem_shared>>) offsets(%arg20 : memref<40xi32, #tpu.memory_space<vmem>>) semaphore(%arg45 : memref<!tpu.dma_semaphore, #tpu.memory_space<semaphore_mem>>) {add = true}
        %add3A_141 = arith.constant 2 : i32
        %add3A_142 = arith.addi %add3A_95, %add3A_141 : i32
        %lt3A_143 = arith.constant 250 : i32
        %lt3A_144 = arith.cmpi slt, %add3A_142, %lt3A_143 : i32
        %convert_element_type3A_145 = arith.extui %lt3A_144 : i1 to i32
        %cond3A_146 = arith.constant 0 : i32
        %cond3A_147 = arith.cmpi ne, %convert_element_type3A_145, %cond3A_146 : i32
        scf.if %cond3A_147 {
          %add3A_206 = arith.constant 2 : i32
          %add3A_207 = arith.addi %add3A_95, %add3A_206 : i32
          %mul3A_208 = arith.constant 40 : i32
          %mul3A_209 = arith.muli %add3A_207, %mul3A_208 : i32
          %add3A_210 = arith.addi %mul3A_2, %mul3A_209 : i32
          %dma_wait3A_211 = tpu.memref_slice %arg8[%add3A_210] : memref<160000xi32, #tpu.memory_space<hbm>> -> memref<40xi32, #tpu.memory_space<hbm>>
          %dma_wait3A_212 = tpu.memref_slice %arg8[%add3A_210] : memref<160000xi32, #tpu.memory_space<hbm>> -> memref<40xi32, #tpu.memory_space<hbm>>
          tpu.wait_dma2 semaphore(%arg41 : memref<!tpu.dma_semaphore, #tpu.memory_space<semaphore_mem>>) src(%dma_wait3A_212 : memref<40xi32, #tpu.memory_space<hbm>>) dst(%arg16 : memref<40xi32, #tpu.memory_space<vmem>>)
          %mul3A_213 = arith.constant 40 : i32
          %mul3A_214 = arith.muli %add3A_207, %mul3A_213 : i32
          %add3A_215 = arith.addi %mul3A_2, %mul3A_214 : i32
          %dma_wait3A_216 = tpu.memref_slice %arg9[%add3A_215] : memref<160000xi32, #tpu.memory_space<hbm>> -> memref<40xi32, #tpu.memory_space<hbm>>
          %dma_wait3A_217 = tpu.memref_slice %arg9[%add3A_215] : memref<160000xi32, #tpu.memory_space<hbm>> -> memref<40xi32, #tpu.memory_space<hbm>>
          tpu.wait_dma2 semaphore(%arg41 : memref<!tpu.dma_semaphore, #tpu.memory_space<semaphore_mem>>) src(%dma_wait3A_217 : memref<40xi32, #tpu.memory_space<hbm>>) dst(%arg18 : memref<40xi32, #tpu.memory_space<vmem>>)
          %add3A_218 = arith.constant 2 : i32
          %add3A_219 = arith.addi %add3A_95, %add3A_218 : i32
          %dma_start3A_220 = arith.constant 0 : i32
          %dma_start3A_221 = arith.constant 0 : i32
          %dma_start3A_222 = tpu.memref_slice %arg2[%dma_start3A_220, %dma_start3A_221] : memref<10000x128xf32, #tpu.memory_space<hbm>> -> memref<10000x128xf32, #tpu.memory_space<hbm>>
          tpu.enqueue_indirect_dma source(%dma_start3A_222 : memref<10000x128xf32, #tpu.memory_space<hbm>>) target(%arg22 : memref<40x128xf32, #tpu.memory_space<vmem>>) offsets(%arg16 : memref<40xi32, #tpu.memory_space<vmem>>) semaphore(%arg33 : memref<!tpu.dma_semaphore, #tpu.memory_space<semaphore_mem>>)
          %dma_start3A_223 = arith.constant 0 : i32
          %dma_start3A_224 = arith.constant 0 : i32
          %dma_start3A_225 = tpu.memref_slice %arg4[%dma_start3A_223, %dma_start3A_224] : memref<10000x128xf32, #tpu.memory_space<hbm>> -> memref<10000x128xf32, #tpu.memory_space<hbm>>
          tpu.enqueue_indirect_dma source(%dma_start3A_225 : memref<10000x128xf32, #tpu.memory_space<hbm>>) target(%arg24 : memref<40x128xf32, #tpu.memory_space<vmem>>) offsets(%arg18 : memref<40xi32, #tpu.memory_space<vmem>>) semaphore(%arg35 : memref<!tpu.dma_semaphore, #tpu.memory_space<semaphore_mem>>)
          %mul3A_226 = arith.constant 40 : i32
          %mul3A_227 = arith.muli %add3A_219, %mul3A_226 : i32
          %add3A_228 = arith.addi %mul3A_2, %mul3A_227 : i32
          %dma_start3A_229 = arith.constant 0 : i32
          %dma_start3A_230 = tpu.memref_slice %arg6[%add3A_228, %dma_start3A_229] : memref<160000x128xf32, #tpu.memory_space<hbm>> -> memref<40x128xf32, #tpu.memory_space<hbm>>
          %dma_start3A_231 = arith.constant 0 : i32
          %dma_start3A_232 = tpu.memref_slice %arg6[%add3A_228, %dma_start3A_231] : memref<160000x128xf32, #tpu.memory_space<hbm>> -> memref<40x128xf32, #tpu.memory_space<hbm>>
          tpu.enqueue_dma source(%dma_start3A_232 : memref<40x128xf32, #tpu.memory_space<hbm>>) target(%arg26 : memref<40x128xf32, #tpu.memory_space<vmem>>) target_semaphore(%arg37 : memref<!tpu.dma_semaphore, #tpu.memory_space<semaphore_mem>>)
        } else {
        }
        %mul3A_148 = arith.constant 2 : i32
        %mul3A_149 = arith.muli %scan3A_91, %mul3A_148 : i32
        %add3A_150 = arith.constant 1 : i32
        %add3A_151 = arith.addi %mul3A_149, %add3A_150 : i32
        %dma_wait3A_152 = arith.constant 0 : i32
        %dma_wait3A_153 = arith.constant 0 : i32
        %dma_wait3A_154 = tpu.memref_slice %arg2[%dma_wait3A_152, %dma_wait3A_153] : memref<10000x128xf32, #tpu.memory_space<hbm>> -> memref<10000x128xf32, #tpu.memory_space<hbm>>
        tpu.wait_indirect_dma semaphore(%arg34 : memref<!tpu.dma_semaphore, #tpu.memory_space<semaphore_mem>>) src(%dma_wait3A_154 : memref<10000x128xf32, #tpu.memory_space<hbm>>) dst(%arg23 : memref<40x128xf32, #tpu.memory_space<vmem>>)
        %dma_wait3A_155 = arith.constant 0 : i32
        %dma_wait3A_156 = arith.constant 0 : i32
        %dma_wait3A_157 = tpu.memref_slice %arg4[%dma_wait3A_155, %dma_wait3A_156] : memref<10000x128xf32, #tpu.memory_space<hbm>> -> memref<10000x128xf32, #tpu.memory_space<hbm>>
        tpu.wait_indirect_dma semaphore(%arg36 : memref<!tpu.dma_semaphore, #tpu.memory_space<semaphore_mem>>) src(%dma_wait3A_157 : memref<10000x128xf32, #tpu.memory_space<hbm>>) dst(%arg25 : memref<40x128xf32, #tpu.memory_space<vmem>>)
        %mul3A_158 = arith.constant 40 : i32
        %mul3A_159 = arith.muli %add3A_151, %mul3A_158 : i32
        %add3A_160 = arith.addi %mul3A_2, %mul3A_159 : i32
        %dma_wait3A_161 = arith.constant 0 : i32
        %dma_wait3A_162 = tpu.memref_slice %arg6[%add3A_160, %dma_wait3A_161] : memref<160000x128xf32, #tpu.memory_space<hbm>> -> memref<40x128xf32, #tpu.memory_space<hbm>>
        %dma_wait3A_163 = arith.constant 0 : i32
        %dma_wait3A_164 = tpu.memref_slice %arg6[%add3A_160, %dma_wait3A_163] : memref<160000x128xf32, #tpu.memory_space<hbm>> -> memref<40x128xf32, #tpu.memory_space<hbm>>
        tpu.wait_dma2 semaphore(%arg38 : memref<!tpu.dma_semaphore, #tpu.memory_space<semaphore_mem>>) src(%dma_wait3A_164 : memref<40x128xf32, #tpu.memory_space<hbm>>) dst(%arg27 : memref<40x128xf32, #tpu.memory_space<vmem>>)
        %add3A_165 = arith.constant 2 : i32
        %add3A_166 = arith.addi %add3A_151, %add3A_165 : i32
        %lt3A_167 = arith.constant 250 : i32
        %lt3A_168 = arith.cmpi slt, %add3A_166, %lt3A_167 : i32
        %convert_element_type3A_169 = arith.extui %lt3A_168 : i1 to i32
        %cond3A_170 = arith.constant 0 : i32
        %cond3A_171 = arith.cmpi ne, %convert_element_type3A_169, %cond3A_170 : i32
        scf.if %cond3A_171 {
          %add3A_206 = arith.constant 2 : i32
          %add3A_207 = arith.addi %add3A_151, %add3A_206 : i32
          %mul3A_208 = arith.constant 40 : i32
          %mul3A_209 = arith.muli %add3A_207, %mul3A_208 : i32
          %add3A_210 = arith.addi %mul3A_2, %mul3A_209 : i32
          %dma_start3A_211 = tpu.memref_slice %arg8[%add3A_210] : memref<160000xi32, #tpu.memory_space<hbm>> -> memref<40xi32, #tpu.memory_space<hbm>>
          %dma_start3A_212 = tpu.memref_slice %arg8[%add3A_210] : memref<160000xi32, #tpu.memory_space<hbm>> -> memref<40xi32, #tpu.memory_space<hbm>>
          tpu.enqueue_dma source(%dma_start3A_212 : memref<40xi32, #tpu.memory_space<hbm>>) target(%arg17 : memref<40xi32, #tpu.memory_space<vmem>>) target_semaphore(%arg42 : memref<!tpu.dma_semaphore, #tpu.memory_space<semaphore_mem>>)
          %mul3A_213 = arith.constant 40 : i32
          %mul3A_214 = arith.muli %add3A_207, %mul3A_213 : i32
          %add3A_215 = arith.addi %mul3A_2, %mul3A_214 : i32
          %dma_start3A_216 = tpu.memref_slice %arg9[%add3A_215] : memref<160000xi32, #tpu.memory_space<hbm>> -> memref<40xi32, #tpu.memory_space<hbm>>
          %dma_start3A_217 = tpu.memref_slice %arg9[%add3A_215] : memref<160000xi32, #tpu.memory_space<hbm>> -> memref<40xi32, #tpu.memory_space<hbm>>
          tpu.enqueue_dma source(%dma_start3A_217 : memref<40xi32, #tpu.memory_space<hbm>>) target(%arg19 : memref<40xi32, #tpu.memory_space<vmem>>) target_semaphore(%arg42 : memref<!tpu.dma_semaphore, #tpu.memory_space<semaphore_mem>>)
        } else {
        }
        %ge3A_172 = arith.constant 2 : i32
        %ge3A_173 = arith.cmpi sge, %add3A_151, %ge3A_172 : i32
        %convert_element_type3A_174 = arith.extui %ge3A_173 : i1 to i32
        %cond3A_175 = arith.constant 0 : i32
        %cond3A_176 = arith.cmpi ne, %convert_element_type3A_174, %cond3A_175 : i32
        scf.if %cond3A_176 {
          %sub3A = arith.constant 2 : i32
          %sub3A_206 = arith.subi %add3A_151, %sub3A : i32
          %dma_wait3A_207 = arith.constant 0 : i32
          %dma_wait3A_208 = arith.constant 0 : i32
          %dma_wait3A_209 = tpu.memref_slice %arg31[%dma_wait3A_207, %dma_wait3A_208] : memref<10000x128xf32, #tpu.memory_space<vmem_shared>> -> memref<10000x128xf32, #tpu.memory_space<vmem_shared>>
          tpu.wait_indirect_dma semaphore(%arg40 : memref<!tpu.dma_semaphore, #tpu.memory_space<semaphore_mem>>) src(%arg29 : memref<40x128xf32, #tpu.memory_space<vmem>>) dst(%dma_wait3A_209 : memref<10000x128xf32, #tpu.memory_space<vmem_shared>>)
        } else {
        }
        %mul3A_177 = arith.constant 40 : i32
        %mul3A_178 = arith.muli %add3A_151, %mul3A_177 : i32
        %add3A_179 = arith.addi %mul3A_2, %mul3A_178 : i32
        %dma_start3A_180 = tpu.memref_slice %arg9[%add3A_179] : memref<160000xi32, #tpu.memory_space<hbm>> -> memref<40xi32, #tpu.memory_space<hbm>>
        %dma_start3A_181 = tpu.memref_slice %arg9[%add3A_179] : memref<160000xi32, #tpu.memory_space<hbm>> -> memref<40xi32, #tpu.memory_space<hbm>>
        tpu.enqueue_dma source(%dma_start3A_181 : memref<40xi32, #tpu.memory_space<hbm>>) target(%arg21 : memref<40xi32, #tpu.memory_space<vmem>>) target_semaphore(%arg44 : memref<!tpu.dma_semaphore, #tpu.memory_space<semaphore_mem>>)
        %scan3A_182 = arith.constant 0 : i32
        %scan3A_183 = arith.constant 0 : i32
        %scan3A_184 = arith.constant 40 : i32
        %scan3A_185 = arith.addi %scan3A_183, %scan3A_184 : i32
        %scan3A_186 = arith.constant 1 : i32
        scf.for %scan3A_206 = %scan3A_183 to %scan3A_185 step %scan3A_186  : i32 {
          %get3A = arith.index_cast %scan3A_206 : i32 to index
          %get3A_207 = arith.constant 0 : index
          %get3A_208 = tpu.vector_load %arg23[%get3A, %get3A_207] {strides = array<i32>} : memref<40x128xf32, #tpu.memory_space<vmem>>, vector<1x16xf32>,
          %get3A_209 = vector.shape_cast %get3A_208 : vector<1x16xf32> to vector<16xf32>
          %get3A_210 = arith.index_cast %scan3A_206 : i32 to index
          %get3A_211 = arith.constant 0 : index
          %get3A_212 = tpu.vector_load %arg25[%get3A_210, %get3A_211] {strides = array<i32>} : memref<40x128xf32, #tpu.memory_space<vmem>>, vector<1x16xf32>,
          %get3A_213 = vector.shape_cast %get3A_212 : vector<1x16xf32> to vector<16xf32>
          %add3A_214 = arith.addf %get3A_209, %get3A_213 : vector<16xf32>
          %get3A_215 = arith.index_cast %scan3A_206 : i32 to index
          %get3A_216 = arith.constant 0 : index
          %get3A_217 = tpu.vector_load %arg27[%get3A_215, %get3A_216] {strides = array<i32>} : memref<40x128xf32, #tpu.memory_space<vmem>>, vector<1x16xf32>,
          %get3A_218 = vector.shape_cast %get3A_217 : vector<1x16xf32> to vector<16xf32>
          %add3A_219 = arith.addf %add3A_214, %get3A_218 : vector<16xf32>
          %max3A = arith.constant 0.000000e+00 : f32
          %max3A_220 = vector.broadcast %max3A : f32 to vector<16xf32>
          %max3A_221 = arith.maximumf %add3A_219, %max3A_220 : vector<16xf32>
          %swap3A = arith.index_cast %scan3A_206 : i32 to index
          %swap3A_222 = arith.constant 0 : index
          %swap3A_223 = tpu.vector_load %arg29[%swap3A, %swap3A_222] {strides = array<i32>} : memref<40x128xf32, #tpu.memory_space<vmem>>, vector<1x16xf32>,
          %swap3A_224 = vector.shape_cast %swap3A_223 : vector<1x16xf32> to vector<16xf32>
          %swap3A_225 = vector.shape_cast %max3A_221 : vector<16xf32> to vector<1x16xf32>
          tpu.vector_store %arg29[%swap3A, %swap3A_222], %swap3A_225 {strides = array<i32>} : memref<40x128xf32, #tpu.memory_space<vmem>>, vector<1x16xf32>,
          %get3A_226 = arith.index_cast %scan3A_206 : i32 to index
          %get3A_227 = arith.constant 16 : index
          %get3A_228 = tpu.vector_load %arg23[%get3A_226, %get3A_227] {strides = array<i32>} : memref<40x128xf32, #tpu.memory_space<vmem>>, vector<1x16xf32>,
          %get3A_229 = vector.shape_cast %get3A_228 : vector<1x16xf32> to vector<16xf32>
          %get3A_230 = arith.index_cast %scan3A_206 : i32 to index
          %get3A_231 = arith.constant 16 : index
          %get3A_232 = tpu.vector_load %arg25[%get3A_230, %get3A_231] {strides = array<i32>} : memref<40x128xf32, #tpu.memory_space<vmem>>, vector<1x16xf32>,
          %get3A_233 = vector.shape_cast %get3A_232 : vector<1x16xf32> to vector<16xf32>
          %add3A_234 = arith.addf %get3A_229, %get3A_233 : vector<16xf32>
          %get3A_235 = arith.index_cast %scan3A_206 : i32 to index
          %get3A_236 = arith.constant 16 : index
          %get3A_237 = tpu.vector_load %arg27[%get3A_235, %get3A_236] {strides = array<i32>} : memref<40x128xf32, #tpu.memory_space<vmem>>, vector<1x16xf32>,
          %get3A_238 = vector.shape_cast %get3A_237 : vector<1x16xf32> to vector<16xf32>
          %add3A_239 = arith.addf %add3A_234, %get3A_238 : vector<16xf32>
          %max3A_240 = arith.constant 0.000000e+00 : f32
          %max3A_241 = vector.broadcast %max3A_240 : f32 to vector<16xf32>
          %max3A_242 = arith.maximumf %add3A_239, %max3A_241 : vector<16xf32>
          %swap3A_243 = arith.index_cast %scan3A_206 : i32 to index
          %swap3A_244 = arith.constant 16 : index
          %swap3A_245 = tpu.vector_load %arg29[%swap3A_243, %swap3A_244] {strides = array<i32>} : memref<40x128xf32, #tpu.memory_space<vmem>>, vector<1x16xf32>,
          %swap3A_246 = vector.shape_cast %swap3A_245 : vector<1x16xf32> to vector<16xf32>
          %swap3A_247 = vector.shape_cast %max3A_242 : vector<16xf32> to vector<1x16xf32>
          tpu.vector_store %arg29[%swap3A_243, %swap3A_244], %swap3A_247 {strides = array<i32>} : memref<40x128xf32, #tpu.memory_space<vmem>>, vector<1x16xf32>,
          %get3A_248 = arith.index_cast %scan3A_206 : i32 to index
          %get3A_249 = arith.constant 32 : index
          %get3A_250 = tpu.vector_load %arg23[%get3A_248, %get3A_249] {strides = array<i32>} : memref<40x128xf32, #tpu.memory_space<vmem>>, vector<1x16xf32>,
          %get3A_251 = vector.shape_cast %get3A_250 : vector<1x16xf32> to vector<16xf32>
          %get3A_252 = arith.index_cast %scan3A_206 : i32 to index
          %get3A_253 = arith.constant 32 : index
          %get3A_254 = tpu.vector_load %arg25[%get3A_252, %get3A_253] {strides = array<i32>} : memref<40x128xf32, #tpu.memory_space<vmem>>, vector<1x16xf32>,
          %get3A_255 = vector.shape_cast %get3A_254 : vector<1x16xf32> to vector<16xf32>
          %add3A_256 = arith.addf %get3A_251, %get3A_255 : vector<16xf32>
          %get3A_257 = arith.index_cast %scan3A_206 : i32 to index
          %get3A_258 = arith.constant 32 : index
          %get3A_259 = tpu.vector_load %arg27[%get3A_257, %get3A_258] {strides = array<i32>} : memref<40x128xf32, #tpu.memory_space<vmem>>, vector<1x16xf32>,
          %get3A_260 = vector.shape_cast %get3A_259 : vector<1x16xf32> to vector<16xf32>
          %add3A_261 = arith.addf %add3A_256, %get3A_260 : vector<16xf32>
          %max3A_262 = arith.constant 0.000000e+00 : f32
          %max3A_263 = vector.broadcast %max3A_262 : f32 to vector<16xf32>
          %max3A_264 = arith.maximumf %add3A_261, %max3A_263 : vector<16xf32>
          %swap3A_265 = arith.index_cast %scan3A_206 : i32 to index
          %swap3A_266 = arith.constant 32 : index
          %swap3A_267 = tpu.vector_load %arg29[%swap3A_265, %swap3A_266] {strides = array<i32>} : memref<40x128xf32, #tpu.memory_space<vmem>>, vector<1x16xf32>,
          %swap3A_268 = vector.shape_cast %swap3A_267 : vector<1x16xf32> to vector<16xf32>
          %swap3A_269 = vector.shape_cast %max3A_264 : vector<16xf32> to vector<1x16xf32>
          tpu.vector_store %arg29[%swap3A_265, %swap3A_266], %swap3A_269 {strides = array<i32>} : memref<40x128xf32, #tpu.memory_space<vmem>>, vector<1x16xf32>,
          %get3A_270 = arith.index_cast %scan3A_206 : i32 to index
          %get3A_271 = arith.constant 48 : index
          %get3A_272 = tpu.vector_load %arg23[%get3A_270, %get3A_271] {strides = array<i32>} : memref<40x128xf32, #tpu.memory_space<vmem>>, vector<1x16xf32>,
          %get3A_273 = vector.shape_cast %get3A_272 : vector<1x16xf32> to vector<16xf32>
          %get3A_274 = arith.index_cast %scan3A_206 : i32 to index
          %get3A_275 = arith.constant 48 : index
          %get3A_276 = tpu.vector_load %arg25[%get3A_274, %get3A_275] {strides = array<i32>} : memref<40x128xf32, #tpu.memory_space<vmem>>, vector<1x16xf32>,
          %get3A_277 = vector.shape_cast %get3A_276 : vector<1x16xf32> to vector<16xf32>
          %add3A_278 = arith.addf %get3A_273, %get3A_277 : vector<16xf32>
          %get3A_279 = arith.index_cast %scan3A_206 : i32 to index
          %get3A_280 = arith.constant 48 : index
          %get3A_281 = tpu.vector_load %arg27[%get3A_279, %get3A_280] {strides = array<i32>} : memref<40x128xf32, #tpu.memory_space<vmem>>, vector<1x16xf32>,
          %get3A_282 = vector.shape_cast %get3A_281 : vector<1x16xf32> to vector<16xf32>
          %add3A_283 = arith.addf %add3A_278, %get3A_282 : vector<16xf32>
          %max3A_284 = arith.constant 0.000000e+00 : f32
          %max3A_285 = vector.broadcast %max3A_284 : f32 to vector<16xf32>
          %max3A_286 = arith.maximumf %add3A_283, %max3A_285 : vector<16xf32>
          %swap3A_287 = arith.index_cast %scan3A_206 : i32 to index
          %swap3A_288 = arith.constant 48 : index
          %swap3A_289 = tpu.vector_load %arg29[%swap3A_287, %swap3A_288] {strides = array<i32>} : memref<40x128xf32, #tpu.memory_space<vmem>>, vector<1x16xf32>,
          %swap3A_290 = vector.shape_cast %swap3A_289 : vector<1x16xf32> to vector<16xf32>
          %swap3A_291 = vector.shape_cast %max3A_286 : vector<16xf32> to vector<1x16xf32>
          tpu.vector_store %arg29[%swap3A_287, %swap3A_288], %swap3A_291 {strides = array<i32>} : memref<40x128xf32, #tpu.memory_space<vmem>>, vector<1x16xf32>,
          %get3A_292 = arith.index_cast %scan3A_206 : i32 to index
          %get3A_293 = arith.constant 64 : index
          %get3A_294 = tpu.vector_load %arg23[%get3A_292, %get3A_293] {strides = array<i32>} : memref<40x128xf32, #tpu.memory_space<vmem>>, vector<1x16xf32>,
          %get3A_295 = vector.shape_cast %get3A_294 : vector<1x16xf32> to vector<16xf32>
          %get3A_296 = arith.index_cast %scan3A_206 : i32 to index
          %get3A_297 = arith.constant 64 : index
          %get3A_298 = tpu.vector_load %arg25[%get3A_296, %get3A_297] {strides = array<i32>} : memref<40x128xf32, #tpu.memory_space<vmem>>, vector<1x16xf32>,
          %get3A_299 = vector.shape_cast %get3A_298 : vector<1x16xf32> to vector<16xf32>
          %add3A_300 = arith.addf %get3A_295, %get3A_299 : vector<16xf32>
          %get3A_301 = arith.index_cast %scan3A_206 : i32 to index
          %get3A_302 = arith.constant 64 : index
          %get3A_303 = tpu.vector_load %arg27[%get3A_301, %get3A_302] {strides = array<i32>} : memref<40x128xf32, #tpu.memory_space<vmem>>, vector<1x16xf32>,
          %get3A_304 = vector.shape_cast %get3A_303 : vector<1x16xf32> to vector<16xf32>
          %add3A_305 = arith.addf %add3A_300, %get3A_304 : vector<16xf32>
          %max3A_306 = arith.constant 0.000000e+00 : f32
          %max3A_307 = vector.broadcast %max3A_306 : f32 to vector<16xf32>
          %max3A_308 = arith.maximumf %add3A_305, %max3A_307 : vector<16xf32>
          %swap3A_309 = arith.index_cast %scan3A_206 : i32 to index
          %swap3A_310 = arith.constant 64 : index
          %swap3A_311 = tpu.vector_load %arg29[%swap3A_309, %swap3A_310] {strides = array<i32>} : memref<40x128xf32, #tpu.memory_space<vmem>>, vector<1x16xf32>,
          %swap3A_312 = vector.shape_cast %swap3A_311 : vector<1x16xf32> to vector<16xf32>
          %swap3A_313 = vector.shape_cast %max3A_308 : vector<16xf32> to vector<1x16xf32>
          tpu.vector_store %arg29[%swap3A_309, %swap3A_310], %swap3A_313 {strides = array<i32>} : memref<40x128xf32, #tpu.memory_space<vmem>>, vector<1x16xf32>,
          %get3A_314 = arith.index_cast %scan3A_206 : i32 to index
          %get3A_315 = arith.constant 80 : index
          %get3A_316 = tpu.vector_load %arg23[%get3A_314, %get3A_315] {strides = array<i32>} : memref<40x128xf32, #tpu.memory_space<vmem>>, vector<1x16xf32>,
          %get3A_317 = vector.shape_cast %get3A_316 : vector<1x16xf32> to vector<16xf32>
          %get3A_318 = arith.index_cast %scan3A_206 : i32 to index
          %get3A_319 = arith.constant 80 : index
          %get3A_320 = tpu.vector_load %arg25[%get3A_318, %get3A_319] {strides = array<i32>} : memref<40x128xf32, #tpu.memory_space<vmem>>, vector<1x16xf32>,
          %get3A_321 = vector.shape_cast %get3A_320 : vector<1x16xf32> to vector<16xf32>
          %add3A_322 = arith.addf %get3A_317, %get3A_321 : vector<16xf32>
          %get3A_323 = arith.index_cast %scan3A_206 : i32 to index
          %get3A_324 = arith.constant 80 : index
          %get3A_325 = tpu.vector_load %arg27[%get3A_323, %get3A_324] {strides = array<i32>} : memref<40x128xf32, #tpu.memory_space<vmem>>, vector<1x16xf32>,
          %get3A_326 = vector.shape_cast %get3A_325 : vector<1x16xf32> to vector<16xf32>
          %add3A_327 = arith.addf %add3A_322, %get3A_326 : vector<16xf32>
          %max3A_328 = arith.constant 0.000000e+00 : f32
          %max3A_329 = vector.broadcast %max3A_328 : f32 to vector<16xf32>
          %max3A_330 = arith.maximumf %add3A_327, %max3A_329 : vector<16xf32>
          %swap3A_331 = arith.index_cast %scan3A_206 : i32 to index
          %swap3A_332 = arith.constant 80 : index
          %swap3A_333 = tpu.vector_load %arg29[%swap3A_331, %swap3A_332] {strides = array<i32>} : memref<40x128xf32, #tpu.memory_space<vmem>>, vector<1x16xf32>,
          %swap3A_334 = vector.shape_cast %swap3A_333 : vector<1x16xf32> to vector<16xf32>
          %swap3A_335 = vector.shape_cast %max3A_330 : vector<16xf32> to vector<1x16xf32>
          tpu.vector_store %arg29[%swap3A_331, %swap3A_332], %swap3A_335 {strides = array<i32>} : memref<40x128xf32, #tpu.memory_space<vmem>>, vector<1x16xf32>,
          %get3A_336 = arith.index_cast %scan3A_206 : i32 to index
          %get3A_337 = arith.constant 96 : index
          %get3A_338 = tpu.vector_load %arg23[%get3A_336, %get3A_337] {strides = array<i32>} : memref<40x128xf32, #tpu.memory_space<vmem>>, vector<1x16xf32>,
          %get3A_339 = vector.shape_cast %get3A_338 : vector<1x16xf32> to vector<16xf32>
          %get3A_340 = arith.index_cast %scan3A_206 : i32 to index
          %get3A_341 = arith.constant 96 : index
          %get3A_342 = tpu.vector_load %arg25[%get3A_340, %get3A_341] {strides = array<i32>} : memref<40x128xf32, #tpu.memory_space<vmem>>, vector<1x16xf32>,
          %get3A_343 = vector.shape_cast %get3A_342 : vector<1x16xf32> to vector<16xf32>
          %add3A_344 = arith.addf %get3A_339, %get3A_343 : vector<16xf32>
          %get3A_345 = arith.index_cast %scan3A_206 : i32 to index
          %get3A_346 = arith.constant 96 : index
          %get3A_347 = tpu.vector_load %arg27[%get3A_345, %get3A_346] {strides = array<i32>} : memref<40x128xf32, #tpu.memory_space<vmem>>, vector<1x16xf32>,
          %get3A_348 = vector.shape_cast %get3A_347 : vector<1x16xf32> to vector<16xf32>
          %add3A_349 = arith.addf %add3A_344, %get3A_348 : vector<16xf32>
          %max3A_350 = arith.constant 0.000000e+00 : f32
          %max3A_351 = vector.broadcast %max3A_350 : f32 to vector<16xf32>
          %max3A_352 = arith.maximumf %add3A_349, %max3A_351 : vector<16xf32>
          %swap3A_353 = arith.index_cast %scan3A_206 : i32 to index
          %swap3A_354 = arith.constant 96 : index
          %swap3A_355 = tpu.vector_load %arg29[%swap3A_353, %swap3A_354] {strides = array<i32>} : memref<40x128xf32, #tpu.memory_space<vmem>>, vector<1x16xf32>,
          %swap3A_356 = vector.shape_cast %swap3A_355 : vector<1x16xf32> to vector<16xf32>
          %swap3A_357 = vector.shape_cast %max3A_352 : vector<16xf32> to vector<1x16xf32>
          tpu.vector_store %arg29[%swap3A_353, %swap3A_354], %swap3A_357 {strides = array<i32>} : memref<40x128xf32, #tpu.memory_space<vmem>>, vector<1x16xf32>,
          %get3A_358 = arith.index_cast %scan3A_206 : i32 to index
          %get3A_359 = arith.constant 112 : index
          %get3A_360 = tpu.vector_load %arg23[%get3A_358, %get3A_359] {strides = array<i32>} : memref<40x128xf32, #tpu.memory_space<vmem>>, vector<1x16xf32>,
          %get3A_361 = vector.shape_cast %get3A_360 : vector<1x16xf32> to vector<16xf32>
          %get3A_362 = arith.index_cast %scan3A_206 : i32 to index
          %get3A_363 = arith.constant 112 : index
          %get3A_364 = tpu.vector_load %arg25[%get3A_362, %get3A_363] {strides = array<i32>} : memref<40x128xf32, #tpu.memory_space<vmem>>, vector<1x16xf32>,
          %get3A_365 = vector.shape_cast %get3A_364 : vector<1x16xf32> to vector<16xf32>
          %add3A_366 = arith.addf %get3A_361, %get3A_365 : vector<16xf32>
          %get3A_367 = arith.index_cast %scan3A_206 : i32 to index
          %get3A_368 = arith.constant 112 : index
          %get3A_369 = tpu.vector_load %arg27[%get3A_367, %get3A_368] {strides = array<i32>} : memref<40x128xf32, #tpu.memory_space<vmem>>, vector<1x16xf32>,
          %get3A_370 = vector.shape_cast %get3A_369 : vector<1x16xf32> to vector<16xf32>
          %add3A_371 = arith.addf %add3A_366, %get3A_370 : vector<16xf32>
          %max3A_372 = arith.constant 0.000000e+00 : f32
          %max3A_373 = vector.broadcast %max3A_372 : f32 to vector<16xf32>
          %max3A_374 = arith.maximumf %add3A_371, %max3A_373 : vector<16xf32>
          %swap3A_375 = arith.index_cast %scan3A_206 : i32 to index
          %swap3A_376 = arith.constant 112 : index
          %swap3A_377 = tpu.vector_load %arg29[%swap3A_375, %swap3A_376] {strides = array<i32>} : memref<40x128xf32, #tpu.memory_space<vmem>>, vector<1x16xf32>,
          %swap3A_378 = vector.shape_cast %swap3A_377 : vector<1x16xf32> to vector<16xf32>
          %swap3A_379 = vector.shape_cast %max3A_374 : vector<16xf32> to vector<1x16xf32>
          tpu.vector_store %arg29[%swap3A_375, %swap3A_376], %swap3A_379 {strides = array<i32>} : memref<40x128xf32, #tpu.memory_space<vmem>>, vector<1x16xf32>,
        }
        %scan3A_187 = arith.constant 40 : i32
        %mul3A_188 = arith.constant 40 : i32
        %mul3A_189 = arith.muli %add3A_151, %mul3A_188 : i32
        %add3A_190 = arith.addi %mul3A_2, %mul3A_189 : i32
        %dma_wait3A_191 = tpu.memref_slice %arg9[%add3A_190] : memref<160000xi32, #tpu.memory_space<hbm>> -> memref<40xi32, #tpu.memory_space<hbm>>
        %dma_wait3A_192 = tpu.memref_slice %arg9[%add3A_190] : memref<160000xi32, #tpu.memory_space<hbm>> -> memref<40xi32, #tpu.memory_space<hbm>>
        tpu.wait_dma2 semaphore(%arg44 : memref<!tpu.dma_semaphore, #tpu.memory_space<semaphore_mem>>) src(%dma_wait3A_192 : memref<40xi32, #tpu.memory_space<hbm>>) dst(%arg21 : memref<40xi32, #tpu.memory_space<vmem>>)
        %dma_start3A_193 = arith.constant 0 : i32
        %dma_start3A_194 = arith.constant 0 : i32
        %dma_start3A_195 = tpu.memref_slice %arg31[%dma_start3A_193, %dma_start3A_194] : memref<10000x128xf32, #tpu.memory_space<vmem_shared>> -> memref<10000x128xf32, #tpu.memory_space<vmem_shared>>
        tpu.enqueue_indirect_dma source(%arg29 : memref<40x128xf32, #tpu.memory_space<vmem>>) target(%dma_start3A_195 : memref<10000x128xf32, #tpu.memory_space<vmem_shared>>) offsets(%arg21 : memref<40xi32, #tpu.memory_space<vmem>>) semaphore(%arg40 : memref<!tpu.dma_semaphore, #tpu.memory_space<semaphore_mem>>) {add = true}
        %dma_start3A_196 = arith.constant 0 : i32
        %dma_start3A_197 = arith.constant 0 : i32
        %dma_start3A_198 = tpu.memref_slice %arg32[%dma_start3A_196, %dma_start3A_197] : memref<10000x8xf32, #tpu.memory_space<vmem_shared>> -> memref<10000x8xf32, #tpu.memory_space<vmem_shared>>
        tpu.enqueue_indirect_dma source(%arg30 : memref<40x8xf32, #tpu.memory_space<vmem>>) target(%dma_start3A_198 : memref<10000x8xf32, #tpu.memory_space<vmem_shared>>) offsets(%arg21 : memref<40xi32, #tpu.memory_space<vmem>>) semaphore(%arg45 : memref<!tpu.dma_semaphore, #tpu.memory_space<semaphore_mem>>) {add = true}
        %add3A_199 = arith.constant 2 : i32
        %add3A_200 = arith.addi %add3A_151, %add3A_199 : i32
        %lt3A_201 = arith.constant 250 : i32
        %lt3A_202 = arith.cmpi slt, %add3A_200, %lt3A_201 : i32
        %convert_element_type3A_203 = arith.extui %lt3A_202 : i1 to i32
        %cond3A_204 = arith.constant 0 : i32
        %cond3A_205 = arith.cmpi ne, %convert_element_type3A_203, %cond3A_204 : i32
        scf.if %cond3A_205 {
          %add3A_206 = arith.constant 2 : i32
          %add3A_207 = arith.addi %add3A_151, %add3A_206 : i32
          %mul3A_208 = arith.constant 40 : i32
          %mul3A_209 = arith.muli %add3A_207, %mul3A_208 : i32
          %add3A_210 = arith.addi %mul3A_2, %mul3A_209 : i32
          %dma_wait3A_211 = tpu.memref_slice %arg8[%add3A_210] : memref<160000xi32, #tpu.memory_space<hbm>> -> memref<40xi32, #tpu.memory_space<hbm>>
          %dma_wait3A_212 = tpu.memref_slice %arg8[%add3A_210] : memref<160000xi32, #tpu.memory_space<hbm>> -> memref<40xi32, #tpu.memory_space<hbm>>
          tpu.wait_dma2 semaphore(%arg42 : memref<!tpu.dma_semaphore, #tpu.memory_space<semaphore_mem>>) src(%dma_wait3A_212 : memref<40xi32, #tpu.memory_space<hbm>>) dst(%arg17 : memref<40xi32, #tpu.memory_space<vmem>>)
          %mul3A_213 = arith.constant 40 : i32
          %mul3A_214 = arith.muli %add3A_207, %mul3A_213 : i32
          %add3A_215 = arith.addi %mul3A_2, %mul3A_214 : i32
          %dma_wait3A_216 = tpu.memref_slice %arg9[%add3A_215] : memref<160000xi32, #tpu.memory_space<hbm>> -> memref<40xi32, #tpu.memory_space<hbm>>
          %dma_wait3A_217 = tpu.memref_slice %arg9[%add3A_215] : memref<160000xi32, #tpu.memory_space<hbm>> -> memref<40xi32, #tpu.memory_space<hbm>>
          tpu.wait_dma2 semaphore(%arg42 : memref<!tpu.dma_semaphore, #tpu.memory_space<semaphore_mem>>) src(%dma_wait3A_217 : memref<40xi32, #tpu.memory_space<hbm>>) dst(%arg19 : memref<40xi32, #tpu.memory_space<vmem>>)
          %add3A_218 = arith.constant 2 : i32
          %add3A_219 = arith.addi %add3A_151, %add3A_218 : i32
          %dma_start3A_220 = arith.constant 0 : i32
          %dma_start3A_221 = arith.constant 0 : i32
          %dma_start3A_222 = tpu.memref_slice %arg2[%dma_start3A_220, %dma_start3A_221] : memref<10000x128xf32, #tpu.memory_space<hbm>> -> memref<10000x128xf32, #tpu.memory_space<hbm>>
          tpu.enqueue_indirect_dma source(%dma_start3A_222 : memref<10000x128xf32, #tpu.memory_space<hbm>>) target(%arg23 : memref<40x128xf32, #tpu.memory_space<vmem>>) offsets(%arg17 : memref<40xi32, #tpu.memory_space<vmem>>) semaphore(%arg34 : memref<!tpu.dma_semaphore, #tpu.memory_space<semaphore_mem>>)
          %dma_start3A_223 = arith.constant 0 : i32
          %dma_start3A_224 = arith.constant 0 : i32
          %dma_start3A_225 = tpu.memref_slice %arg4[%dma_start3A_223, %dma_start3A_224] : memref<10000x128xf32, #tpu.memory_space<hbm>> -> memref<10000x128xf32, #tpu.memory_space<hbm>>
          tpu.enqueue_indirect_dma source(%dma_start3A_225 : memref<10000x128xf32, #tpu.memory_space<hbm>>) target(%arg25 : memref<40x128xf32, #tpu.memory_space<vmem>>) offsets(%arg19 : memref<40xi32, #tpu.memory_space<vmem>>) semaphore(%arg36 : memref<!tpu.dma_semaphore, #tpu.memory_space<semaphore_mem>>)
          %mul3A_226 = arith.constant 40 : i32
          %mul3A_227 = arith.muli %add3A_219, %mul3A_226 : i32
          %add3A_228 = arith.addi %mul3A_2, %mul3A_227 : i32
          %dma_start3A_229 = arith.constant 0 : i32
          %dma_start3A_230 = tpu.memref_slice %arg6[%add3A_228, %dma_start3A_229] : memref<160000x128xf32, #tpu.memory_space<hbm>> -> memref<40x128xf32, #tpu.memory_space<hbm>>
          %dma_start3A_231 = arith.constant 0 : i32
          %dma_start3A_232 = tpu.memref_slice %arg6[%add3A_228, %dma_start3A_231] : memref<160000x128xf32, #tpu.memory_space<hbm>> -> memref<40x128xf32, #tpu.memory_space<hbm>>
          tpu.enqueue_dma source(%dma_start3A_232 : memref<40x128xf32, #tpu.memory_space<hbm>>) target(%arg27 : memref<40x128xf32, #tpu.memory_space<vmem>>) target_semaphore(%arg38 : memref<!tpu.dma_semaphore, #tpu.memory_space<semaphore_mem>>)
        } else {
        }
      }
      %scan3A_78 = arith.constant 125 : i32
      %dma_wait3A_79 = arith.constant 0 : i32
      %dma_wait3A_80 = arith.constant 0 : i32
      %dma_wait3A_81 = tpu.memref_slice %arg31[%dma_wait3A_79, %dma_wait3A_80] : memref<10000x128xf32, #tpu.memory_space<vmem_shared>> -> memref<10000x128xf32, #tpu.memory_space<vmem_shared>>
      tpu.wait_indirect_dma semaphore(%arg39 : memref<!tpu.dma_semaphore, #tpu.memory_space<semaphore_mem>>) src(%arg28 : memref<40x128xf32, #tpu.memory_space<vmem>>) dst(%dma_wait3A_81 : memref<10000x128xf32, #tpu.memory_space<vmem_shared>>)
      %dma_wait3A_82 = arith.constant 0 : i32
      %dma_wait3A_83 = arith.constant 0 : i32
      %dma_wait3A_84 = tpu.memref_slice %arg31[%dma_wait3A_82, %dma_wait3A_83] : memref<10000x128xf32, #tpu.memory_space<vmem_shared>> -> memref<10000x128xf32, #tpu.memory_space<vmem_shared>>
      tpu.wait_indirect_dma semaphore(%arg40 : memref<!tpu.dma_semaphore, #tpu.memory_space<semaphore_mem>>) src(%arg29 : memref<40x128xf32, #tpu.memory_space<vmem>>) dst(%dma_wait3A_84 : memref<10000x128xf32, #tpu.memory_space<vmem_shared>>)
      %scan3A_85 = arith.constant 0 : i32
      %scan3A_86 = arith.constant 0 : i32
      %scan3A_87 = arith.constant 250 : i32
      %scan3A_88 = arith.addi %scan3A_86, %scan3A_87 : i32
      %scan3A_89 = arith.constant 1 : i32
      scf.for %scan3A_91 = %scan3A_86 to %scan3A_88 step %scan3A_89  : i32 {
        %dma_wait3A_92 = arith.constant 0 : i32
        %dma_wait3A_93 = arith.constant 0 : i32
        %dma_wait3A_94 = tpu.memref_slice %arg32[%dma_wait3A_92, %dma_wait3A_93] : memref<10000x8xf32, #tpu.memory_space<vmem_shared>> -> memref<10000x8xf32, #tpu.memory_space<vmem_shared>>
        tpu.wait_indirect_dma semaphore(%arg45 : memref<!tpu.dma_semaphore, #tpu.memory_space<semaphore_mem>>) src(%arg30 : memref<40x8xf32, #tpu.memory_space<vmem>>) dst(%dma_wait3A_94 : memref<10000x8xf32, #tpu.memory_space<vmem_shared>>)
      }
      %scan3A_90 = arith.constant 250 : i32
    } else {
    }
    %eq3A_5 = arith.constant 1 : i32
    %eq3A_6 = arith.cmpi eq, %arg0, %eq3A_5 : i32
    %convert_element_type3A_7 = arith.extui %eq3A_6 : i1 to i32
    %cond3A_8 = arith.constant 0 : i32
    %cond3A_9 = arith.cmpi ne, %convert_element_type3A_7, %cond3A_8 : i32
    scf.if %cond3A_9 {
      %add3A = arith.constant 0 : i32
      %add3A_21 = arith.addi %mul3A_2, %add3A : i32
      %dma_start3A = tpu.memref_slice %arg8[%add3A_21] : memref<160000xi32, #tpu.memory_space<hbm>> -> memref<40xi32, #tpu.memory_space<hbm>>
      %dma_start3A_22 = tpu.memref_slice %arg8[%add3A_21] : memref<160000xi32, #tpu.memory_space<hbm>> -> memref<40xi32, #tpu.memory_space<hbm>>
      tpu.enqueue_dma source(%dma_start3A_22 : memref<40xi32, #tpu.memory_space<hbm>>) target(%arg16 : memref<40xi32, #tpu.memory_space<vmem>>) target_semaphore(%arg41 : memref<!tpu.dma_semaphore, #tpu.memory_space<semaphore_mem>>)
      %add3A_23 = arith.constant 0 : i32
      %add3A_24 = arith.addi %mul3A_2, %add3A_23 : i32
      %dma_start3A_25 = tpu.memref_slice %arg9[%add3A_24] : memref<160000xi32, #tpu.memory_space<hbm>> -> memref<40xi32, #tpu.memory_space<hbm>>
      %dma_start3A_26 = tpu.memref_slice %arg9[%add3A_24] : memref<160000xi32, #tpu.memory_space<hbm>> -> memref<40xi32, #tpu.memory_space<hbm>>
      tpu.enqueue_dma source(%dma_start3A_26 : memref<40xi32, #tpu.memory_space<hbm>>) target(%arg18 : memref<40xi32, #tpu.memory_space<vmem>>) target_semaphore(%arg41 : memref<!tpu.dma_semaphore, #tpu.memory_space<semaphore_mem>>)
      %add3A_27 = arith.constant 0 : i32
      %add3A_28 = arith.addi %mul3A_2, %add3A_27 : i32
      %dma_wait3A = tpu.memref_slice %arg8[%add3A_28] : memref<160000xi32, #tpu.memory_space<hbm>> -> memref<40xi32, #tpu.memory_space<hbm>>
      %dma_wait3A_29 = tpu.memref_slice %arg8[%add3A_28] : memref<160000xi32, #tpu.memory_space<hbm>> -> memref<40xi32, #tpu.memory_space<hbm>>
      tpu.wait_dma2 semaphore(%arg41 : memref<!tpu.dma_semaphore, #tpu.memory_space<semaphore_mem>>) src(%dma_wait3A_29 : memref<40xi32, #tpu.memory_space<hbm>>) dst(%arg16 : memref<40xi32, #tpu.memory_space<vmem>>)
      %add3A_30 = arith.constant 0 : i32
      %add3A_31 = arith.addi %mul3A_2, %add3A_30 : i32
      %dma_wait3A_32 = tpu.memref_slice %arg9[%add3A_31] : memref<160000xi32, #tpu.memory_space<hbm>> -> memref<40xi32, #tpu.memory_space<hbm>>
      %dma_wait3A_33 = tpu.memref_slice %arg9[%add3A_31] : memref<160000xi32, #tpu.memory_space<hbm>> -> memref<40xi32, #tpu.memory_space<hbm>>
      tpu.wait_dma2 semaphore(%arg41 : memref<!tpu.dma_semaphore, #tpu.memory_space<semaphore_mem>>) src(%dma_wait3A_33 : memref<40xi32, #tpu.memory_space<hbm>>) dst(%arg18 : memref<40xi32, #tpu.memory_space<vmem>>)
      %dma_start3A_34 = arith.constant 0 : i32
      %dma_start3A_35 = arith.constant 0 : i32
      %dma_start3A_36 = tpu.memref_slice %arg3[%dma_start3A_34, %dma_start3A_35] : memref<10000x128xf32, #tpu.memory_space<hbm>> -> memref<10000x128xf32, #tpu.memory_space<hbm>>
      tpu.enqueue_indirect_dma source(%dma_start3A_36 : memref<10000x128xf32, #tpu.memory_space<hbm>>) target(%arg22 : memref<40x128xf32, #tpu.memory_space<vmem>>) offsets(%arg16 : memref<40xi32, #tpu.memory_space<vmem>>) semaphore(%arg33 : memref<!tpu.dma_semaphore, #tpu.memory_space<semaphore_mem>>)
      %dma_start3A_37 = arith.constant 0 : i32
      %dma_start3A_38 = arith.constant 0 : i32
      %dma_start3A_39 = tpu.memref_slice %arg5[%dma_start3A_37, %dma_start3A_38] : memref<10000x128xf32, #tpu.memory_space<hbm>> -> memref<10000x128xf32, #tpu.memory_space<hbm>>
      tpu.enqueue_indirect_dma source(%dma_start3A_39 : memref<10000x128xf32, #tpu.memory_space<hbm>>) target(%arg24 : memref<40x128xf32, #tpu.memory_space<vmem>>) offsets(%arg18 : memref<40xi32, #tpu.memory_space<vmem>>) semaphore(%arg35 : memref<!tpu.dma_semaphore, #tpu.memory_space<semaphore_mem>>)
      %add3A_40 = arith.constant 0 : i32
      %add3A_41 = arith.addi %mul3A_2, %add3A_40 : i32
      %dma_start3A_42 = arith.constant 0 : i32
      %dma_start3A_43 = tpu.memref_slice %arg7[%add3A_41, %dma_start3A_42] : memref<160000x128xf32, #tpu.memory_space<hbm>> -> memref<40x128xf32, #tpu.memory_space<hbm>>
      %dma_start3A_44 = arith.constant 0 : i32
      %dma_start3A_45 = tpu.memref_slice %arg7[%add3A_41, %dma_start3A_44] : memref<160000x128xf32, #tpu.memory_space<hbm>> -> memref<40x128xf32, #tpu.memory_space<hbm>>
      tpu.enqueue_dma source(%dma_start3A_45 : memref<40x128xf32, #tpu.memory_space<hbm>>) target(%arg26 : memref<40x128xf32, #tpu.memory_space<vmem>>) target_semaphore(%arg37 : memref<!tpu.dma_semaphore, #tpu.memory_space<semaphore_mem>>)
      %add3A_46 = arith.constant 40 : i32
      %add3A_47 = arith.addi %mul3A_2, %add3A_46 : i32
      %dma_start3A_48 = tpu.memref_slice %arg8[%add3A_47] : memref<160000xi32, #tpu.memory_space<hbm>> -> memref<40xi32, #tpu.memory_space<hbm>>
      %dma_start3A_49 = tpu.memref_slice %arg8[%add3A_47] : memref<160000xi32, #tpu.memory_space<hbm>> -> memref<40xi32, #tpu.memory_space<hbm>>
      tpu.enqueue_dma source(%dma_start3A_49 : memref<40xi32, #tpu.memory_space<hbm>>) target(%arg17 : memref<40xi32, #tpu.memory_space<vmem>>) target_semaphore(%arg42 : memref<!tpu.dma_semaphore, #tpu.memory_space<semaphore_mem>>)
      %add3A_50 = arith.constant 40 : i32
      %add3A_51 = arith.addi %mul3A_2, %add3A_50 : i32
      %dma_start3A_52 = tpu.memref_slice %arg9[%add3A_51] : memref<160000xi32, #tpu.memory_space<hbm>> -> memref<40xi32, #tpu.memory_space<hbm>>
      %dma_start3A_53 = tpu.memref_slice %arg9[%add3A_51] : memref<160000xi32, #tpu.memory_space<hbm>> -> memref<40xi32, #tpu.memory_space<hbm>>
      tpu.enqueue_dma source(%dma_start3A_53 : memref<40xi32, #tpu.memory_space<hbm>>) target(%arg19 : memref<40xi32, #tpu.memory_space<vmem>>) target_semaphore(%arg42 : memref<!tpu.dma_semaphore, #tpu.memory_space<semaphore_mem>>)
      %add3A_54 = arith.constant 40 : i32
      %add3A_55 = arith.addi %mul3A_2, %add3A_54 : i32
      %dma_wait3A_56 = tpu.memref_slice %arg8[%add3A_55] : memref<160000xi32, #tpu.memory_space<hbm>> -> memref<40xi32, #tpu.memory_space<hbm>>
      %dma_wait3A_57 = tpu.memref_slice %arg8[%add3A_55] : memref<160000xi32, #tpu.memory_space<hbm>> -> memref<40xi32, #tpu.memory_space<hbm>>
      tpu.wait_dma2 semaphore(%arg42 : memref<!tpu.dma_semaphore, #tpu.memory_space<semaphore_mem>>) src(%dma_wait3A_57 : memref<40xi32, #tpu.memory_space<hbm>>) dst(%arg17 : memref<40xi32, #tpu.memory_space<vmem>>)
      %add3A_58 = arith.constant 40 : i32
      %add3A_59 = arith.addi %mul3A_2, %add3A_58 : i32
      %dma_wait3A_60 = tpu.memref_slice %arg9[%add3A_59] : memref<160000xi32, #tpu.memory_space<hbm>> -> memref<40xi32, #tpu.memory_space<hbm>>
      %dma_wait3A_61 = tpu.memref_slice %arg9[%add3A_59] : memref<160000xi32, #tpu.memory_space<hbm>> -> memref<40xi32, #tpu.memory_space<hbm>>
      tpu.wait_dma2 semaphore(%arg42 : memref<!tpu.dma_semaphore, #tpu.memory_space<semaphore_mem>>) src(%dma_wait3A_61 : memref<40xi32, #tpu.memory_space<hbm>>) dst(%arg19 : memref<40xi32, #tpu.memory_space<vmem>>)
      %dma_start3A_62 = arith.constant 0 : i32
      %dma_start3A_63 = arith.constant 0 : i32
      %dma_start3A_64 = tpu.memref_slice %arg3[%dma_start3A_62, %dma_start3A_63] : memref<10000x128xf32, #tpu.memory_space<hbm>> -> memref<10000x128xf32, #tpu.memory_space<hbm>>
      tpu.enqueue_indirect_dma source(%dma_start3A_64 : memref<10000x128xf32, #tpu.memory_space<hbm>>) target(%arg23 : memref<40x128xf32, #tpu.memory_space<vmem>>) offsets(%arg17 : memref<40xi32, #tpu.memory_space<vmem>>) semaphore(%arg34 : memref<!tpu.dma_semaphore, #tpu.memory_space<semaphore_mem>>)
      %dma_start3A_65 = arith.constant 0 : i32
      %dma_start3A_66 = arith.constant 0 : i32
      %dma_start3A_67 = tpu.memref_slice %arg5[%dma_start3A_65, %dma_start3A_66] : memref<10000x128xf32, #tpu.memory_space<hbm>> -> memref<10000x128xf32, #tpu.memory_space<hbm>>
      tpu.enqueue_indirect_dma source(%dma_start3A_67 : memref<10000x128xf32, #tpu.memory_space<hbm>>) target(%arg25 : memref<40x128xf32, #tpu.memory_space<vmem>>) offsets(%arg19 : memref<40xi32, #tpu.memory_space<vmem>>) semaphore(%arg36 : memref<!tpu.dma_semaphore, #tpu.memory_space<semaphore_mem>>)
      %add3A_68 = arith.constant 40 : i32
      %add3A_69 = arith.addi %mul3A_2, %add3A_68 : i32
      %dma_start3A_70 = arith.constant 0 : i32
      %dma_start3A_71 = tpu.memref_slice %arg7[%add3A_69, %dma_start3A_70] : memref<160000x128xf32, #tpu.memory_space<hbm>> -> memref<40x128xf32, #tpu.memory_space<hbm>>
      %dma_start3A_72 = arith.constant 0 : i32
      %dma_start3A_73 = tpu.memref_slice %arg7[%add3A_69, %dma_start3A_72] : memref<160000x128xf32, #tpu.memory_space<hbm>> -> memref<40x128xf32, #tpu.memory_space<hbm>>
      tpu.enqueue_dma source(%dma_start3A_73 : memref<40x128xf32, #tpu.memory_space<hbm>>) target(%arg27 : memref<40x128xf32, #tpu.memory_space<vmem>>) target_semaphore(%arg38 : memref<!tpu.dma_semaphore, #tpu.memory_space<semaphore_mem>>)
      %scan3A = arith.constant 0 : i32
      %scan3A_74 = arith.constant 0 : i32
      %scan3A_75 = arith.constant 125 : i32
      %scan3A_76 = arith.addi %scan3A_74, %scan3A_75 : i32
      %scan3A_77 = arith.constant 1 : i32
      scf.for %scan3A_85 = %scan3A_74 to %scan3A_76 step %scan3A_77  : i32 {
        %mul3A_86 = arith.constant 2 : i32
        %mul3A_87 = arith.muli %scan3A_85, %mul3A_86 : i32
        %add3A_88 = arith.constant 0 : i32
        %add3A_89 = arith.addi %mul3A_87, %add3A_88 : i32
        %dma_wait3A_90 = arith.constant 0 : i32
        %dma_wait3A_91 = arith.constant 0 : i32
        %dma_wait3A_92 = tpu.memref_slice %arg3[%dma_wait3A_90, %dma_wait3A_91] : memref<10000x128xf32, #tpu.memory_space<hbm>> -> memref<10000x128xf32, #tpu.memory_space<hbm>>
        tpu.wait_indirect_dma semaphore(%arg33 : memref<!tpu.dma_semaphore, #tpu.memory_space<semaphore_mem>>) src(%dma_wait3A_92 : memref<10000x128xf32, #tpu.memory_space<hbm>>) dst(%arg22 : memref<40x128xf32, #tpu.memory_space<vmem>>)
        %dma_wait3A_93 = arith.constant 0 : i32
        %dma_wait3A_94 = arith.constant 0 : i32
        %dma_wait3A_95 = tpu.memref_slice %arg5[%dma_wait3A_93, %dma_wait3A_94] : memref<10000x128xf32, #tpu.memory_space<hbm>> -> memref<10000x128xf32, #tpu.memory_space<hbm>>
        tpu.wait_indirect_dma semaphore(%arg35 : memref<!tpu.dma_semaphore, #tpu.memory_space<semaphore_mem>>) src(%dma_wait3A_95 : memref<10000x128xf32, #tpu.memory_space<hbm>>) dst(%arg24 : memref<40x128xf32, #tpu.memory_space<vmem>>)
        %mul3A_96 = arith.constant 40 : i32
        %mul3A_97 = arith.muli %add3A_89, %mul3A_96 : i32
        %add3A_98 = arith.addi %mul3A_2, %mul3A_97 : i32
        %dma_wait3A_99 = arith.constant 0 : i32
        %dma_wait3A_100 = tpu.memref_slice %arg7[%add3A_98, %dma_wait3A_99] : memref<160000x128xf32, #tpu.memory_space<hbm>> -> memref<40x128xf32, #tpu.memory_space<hbm>>
        %dma_wait3A_101 = arith.constant 0 : i32
        %dma_wait3A_102 = tpu.memref_slice %arg7[%add3A_98, %dma_wait3A_101] : memref<160000x128xf32, #tpu.memory_space<hbm>> -> memref<40x128xf32, #tpu.memory_space<hbm>>
        tpu.wait_dma2 semaphore(%arg37 : memref<!tpu.dma_semaphore, #tpu.memory_space<semaphore_mem>>) src(%dma_wait3A_102 : memref<40x128xf32, #tpu.memory_space<hbm>>) dst(%arg26 : memref<40x128xf32, #tpu.memory_space<vmem>>)
        %add3A_103 = arith.constant 2 : i32
        %add3A_104 = arith.addi %add3A_89, %add3A_103 : i32
        %lt3A = arith.constant 250 : i32
        %lt3A_105 = arith.cmpi slt, %add3A_104, %lt3A : i32
        %convert_element_type3A_106 = arith.extui %lt3A_105 : i1 to i32
        %cond3A_107 = arith.constant 0 : i32
        %cond3A_108 = arith.cmpi ne, %convert_element_type3A_106, %cond3A_107 : i32
        scf.if %cond3A_108 {
          %add3A_194 = arith.constant 2 : i32
          %add3A_195 = arith.addi %add3A_89, %add3A_194 : i32
          %mul3A_196 = arith.constant 40 : i32
          %mul3A_197 = arith.muli %add3A_195, %mul3A_196 : i32
          %add3A_198 = arith.addi %mul3A_2, %mul3A_197 : i32
          %dma_start3A_199 = tpu.memref_slice %arg8[%add3A_198] : memref<160000xi32, #tpu.memory_space<hbm>> -> memref<40xi32, #tpu.memory_space<hbm>>
          %dma_start3A_200 = tpu.memref_slice %arg8[%add3A_198] : memref<160000xi32, #tpu.memory_space<hbm>> -> memref<40xi32, #tpu.memory_space<hbm>>
          tpu.enqueue_dma source(%dma_start3A_200 : memref<40xi32, #tpu.memory_space<hbm>>) target(%arg16 : memref<40xi32, #tpu.memory_space<vmem>>) target_semaphore(%arg41 : memref<!tpu.dma_semaphore, #tpu.memory_space<semaphore_mem>>)
          %mul3A_201 = arith.constant 40 : i32
          %mul3A_202 = arith.muli %add3A_195, %mul3A_201 : i32
          %add3A_203 = arith.addi %mul3A_2, %mul3A_202 : i32
          %dma_start3A_204 = tpu.memref_slice %arg9[%add3A_203] : memref<160000xi32, #tpu.memory_space<hbm>> -> memref<40xi32, #tpu.memory_space<hbm>>
          %dma_start3A_205 = tpu.memref_slice %arg9[%add3A_203] : memref<160000xi32, #tpu.memory_space<hbm>> -> memref<40xi32, #tpu.memory_space<hbm>>
          tpu.enqueue_dma source(%dma_start3A_205 : memref<40xi32, #tpu.memory_space<hbm>>) target(%arg18 : memref<40xi32, #tpu.memory_space<vmem>>) target_semaphore(%arg41 : memref<!tpu.dma_semaphore, #tpu.memory_space<semaphore_mem>>)
        } else {
        }
        %ge3A = arith.constant 2 : i32
        %ge3A_109 = arith.cmpi sge, %add3A_89, %ge3A : i32
        %convert_element_type3A_110 = arith.extui %ge3A_109 : i1 to i32
        %cond3A_111 = arith.constant 0 : i32
        %cond3A_112 = arith.cmpi ne, %convert_element_type3A_110, %cond3A_111 : i32
        scf.if %cond3A_112 {
          %sub3A = arith.constant 2 : i32
          %sub3A_194 = arith.subi %add3A_89, %sub3A : i32
          %dma_wait3A_195 = arith.constant 0 : i32
          %dma_wait3A_196 = arith.constant 0 : i32
          %dma_wait3A_197 = tpu.memref_slice %arg31[%dma_wait3A_195, %dma_wait3A_196] : memref<10000x128xf32, #tpu.memory_space<vmem_shared>> -> memref<10000x128xf32, #tpu.memory_space<vmem_shared>>
          tpu.wait_indirect_dma semaphore(%arg39 : memref<!tpu.dma_semaphore, #tpu.memory_space<semaphore_mem>>) src(%arg28 : memref<40x128xf32, #tpu.memory_space<vmem>>) dst(%dma_wait3A_197 : memref<10000x128xf32, #tpu.memory_space<vmem_shared>>)
        } else {
        }
        %mul3A_113 = arith.constant 40 : i32
        %mul3A_114 = arith.muli %add3A_89, %mul3A_113 : i32
        %add3A_115 = arith.addi %mul3A_2, %mul3A_114 : i32
        %dma_start3A_116 = tpu.memref_slice %arg9[%add3A_115] : memref<160000xi32, #tpu.memory_space<hbm>> -> memref<40xi32, #tpu.memory_space<hbm>>
        %dma_start3A_117 = tpu.memref_slice %arg9[%add3A_115] : memref<160000xi32, #tpu.memory_space<hbm>> -> memref<40xi32, #tpu.memory_space<hbm>>
        tpu.enqueue_dma source(%dma_start3A_117 : memref<40xi32, #tpu.memory_space<hbm>>) target(%arg20 : memref<40xi32, #tpu.memory_space<vmem>>) target_semaphore(%arg43 : memref<!tpu.dma_semaphore, #tpu.memory_space<semaphore_mem>>)
        %scan3A_118 = arith.constant 0 : i32
        %scan3A_119 = arith.constant 0 : i32
        %scan3A_120 = arith.constant 40 : i32
        %scan3A_121 = arith.addi %scan3A_119, %scan3A_120 : i32
        %scan3A_122 = arith.constant 1 : i32
        scf.for %scan3A_194 = %scan3A_119 to %scan3A_121 step %scan3A_122  : i32 {
          %get3A = arith.index_cast %scan3A_194 : i32 to index
          %get3A_195 = arith.constant 0 : index
          %get3A_196 = tpu.vector_load %arg22[%get3A, %get3A_195] {strides = array<i32>} : memref<40x128xf32, #tpu.memory_space<vmem>>, vector<1x16xf32>,
          %get3A_197 = vector.shape_cast %get3A_196 : vector<1x16xf32> to vector<16xf32>
          %get3A_198 = arith.index_cast %scan3A_194 : i32 to index
          %get3A_199 = arith.constant 0 : index
          %get3A_200 = tpu.vector_load %arg24[%get3A_198, %get3A_199] {strides = array<i32>} : memref<40x128xf32, #tpu.memory_space<vmem>>, vector<1x16xf32>,
          %get3A_201 = vector.shape_cast %get3A_200 : vector<1x16xf32> to vector<16xf32>
          %add3A_202 = arith.addf %get3A_197, %get3A_201 : vector<16xf32>
          %get3A_203 = arith.index_cast %scan3A_194 : i32 to index
          %get3A_204 = arith.constant 0 : index
          %get3A_205 = tpu.vector_load %arg26[%get3A_203, %get3A_204] {strides = array<i32>} : memref<40x128xf32, #tpu.memory_space<vmem>>, vector<1x16xf32>,
          %get3A_206 = vector.shape_cast %get3A_205 : vector<1x16xf32> to vector<16xf32>
          %add3A_207 = arith.addf %add3A_202, %get3A_206 : vector<16xf32>
          %max3A = arith.constant 0.000000e+00 : f32
          %max3A_208 = vector.broadcast %max3A : f32 to vector<16xf32>
          %max3A_209 = arith.maximumf %add3A_207, %max3A_208 : vector<16xf32>
          %swap3A = arith.index_cast %scan3A_194 : i32 to index
          %swap3A_210 = arith.constant 0 : index
          %swap3A_211 = tpu.vector_load %arg28[%swap3A, %swap3A_210] {strides = array<i32>} : memref<40x128xf32, #tpu.memory_space<vmem>>, vector<1x16xf32>,
          %swap3A_212 = vector.shape_cast %swap3A_211 : vector<1x16xf32> to vector<16xf32>
          %swap3A_213 = vector.shape_cast %max3A_209 : vector<16xf32> to vector<1x16xf32>
          tpu.vector_store %arg28[%swap3A, %swap3A_210], %swap3A_213 {strides = array<i32>} : memref<40x128xf32, #tpu.memory_space<vmem>>, vector<1x16xf32>,
          %get3A_214 = arith.index_cast %scan3A_194 : i32 to index
          %get3A_215 = arith.constant 16 : index
          %get3A_216 = tpu.vector_load %arg22[%get3A_214, %get3A_215] {strides = array<i32>} : memref<40x128xf32, #tpu.memory_space<vmem>>, vector<1x16xf32>,
          %get3A_217 = vector.shape_cast %get3A_216 : vector<1x16xf32> to vector<16xf32>
          %get3A_218 = arith.index_cast %scan3A_194 : i32 to index
          %get3A_219 = arith.constant 16 : index
          %get3A_220 = tpu.vector_load %arg24[%get3A_218, %get3A_219] {strides = array<i32>} : memref<40x128xf32, #tpu.memory_space<vmem>>, vector<1x16xf32>,
          %get3A_221 = vector.shape_cast %get3A_220 : vector<1x16xf32> to vector<16xf32>
          %add3A_222 = arith.addf %get3A_217, %get3A_221 : vector<16xf32>
          %get3A_223 = arith.index_cast %scan3A_194 : i32 to index
          %get3A_224 = arith.constant 16 : index
          %get3A_225 = tpu.vector_load %arg26[%get3A_223, %get3A_224] {strides = array<i32>} : memref<40x128xf32, #tpu.memory_space<vmem>>, vector<1x16xf32>,
          %get3A_226 = vector.shape_cast %get3A_225 : vector<1x16xf32> to vector<16xf32>
          %add3A_227 = arith.addf %add3A_222, %get3A_226 : vector<16xf32>
          %max3A_228 = arith.constant 0.000000e+00 : f32
          %max3A_229 = vector.broadcast %max3A_228 : f32 to vector<16xf32>
          %max3A_230 = arith.maximumf %add3A_227, %max3A_229 : vector<16xf32>
          %swap3A_231 = arith.index_cast %scan3A_194 : i32 to index
          %swap3A_232 = arith.constant 16 : index
          %swap3A_233 = tpu.vector_load %arg28[%swap3A_231, %swap3A_232] {strides = array<i32>} : memref<40x128xf32, #tpu.memory_space<vmem>>, vector<1x16xf32>,
          %swap3A_234 = vector.shape_cast %swap3A_233 : vector<1x16xf32> to vector<16xf32>
          %swap3A_235 = vector.shape_cast %max3A_230 : vector<16xf32> to vector<1x16xf32>
          tpu.vector_store %arg28[%swap3A_231, %swap3A_232], %swap3A_235 {strides = array<i32>} : memref<40x128xf32, #tpu.memory_space<vmem>>, vector<1x16xf32>,
          %get3A_236 = arith.index_cast %scan3A_194 : i32 to index
          %get3A_237 = arith.constant 32 : index
          %get3A_238 = tpu.vector_load %arg22[%get3A_236, %get3A_237] {strides = array<i32>} : memref<40x128xf32, #tpu.memory_space<vmem>>, vector<1x16xf32>,
          %get3A_239 = vector.shape_cast %get3A_238 : vector<1x16xf32> to vector<16xf32>
          %get3A_240 = arith.index_cast %scan3A_194 : i32 to index
          %get3A_241 = arith.constant 32 : index
          %get3A_242 = tpu.vector_load %arg24[%get3A_240, %get3A_241] {strides = array<i32>} : memref<40x128xf32, #tpu.memory_space<vmem>>, vector<1x16xf32>,
          %get3A_243 = vector.shape_cast %get3A_242 : vector<1x16xf32> to vector<16xf32>
          %add3A_244 = arith.addf %get3A_239, %get3A_243 : vector<16xf32>
          %get3A_245 = arith.index_cast %scan3A_194 : i32 to index
          %get3A_246 = arith.constant 32 : index
          %get3A_247 = tpu.vector_load %arg26[%get3A_245, %get3A_246] {strides = array<i32>} : memref<40x128xf32, #tpu.memory_space<vmem>>, vector<1x16xf32>,
          %get3A_248 = vector.shape_cast %get3A_247 : vector<1x16xf32> to vector<16xf32>
          %add3A_249 = arith.addf %add3A_244, %get3A_248 : vector<16xf32>
          %max3A_250 = arith.constant 0.000000e+00 : f32
          %max3A_251 = vector.broadcast %max3A_250 : f32 to vector<16xf32>
          %max3A_252 = arith.maximumf %add3A_249, %max3A_251 : vector<16xf32>
          %swap3A_253 = arith.index_cast %scan3A_194 : i32 to index
          %swap3A_254 = arith.constant 32 : index
          %swap3A_255 = tpu.vector_load %arg28[%swap3A_253, %swap3A_254] {strides = array<i32>} : memref<40x128xf32, #tpu.memory_space<vmem>>, vector<1x16xf32>,
          %swap3A_256 = vector.shape_cast %swap3A_255 : vector<1x16xf32> to vector<16xf32>
          %swap3A_257 = vector.shape_cast %max3A_252 : vector<16xf32> to vector<1x16xf32>
          tpu.vector_store %arg28[%swap3A_253, %swap3A_254], %swap3A_257 {strides = array<i32>} : memref<40x128xf32, #tpu.memory_space<vmem>>, vector<1x16xf32>,
          %get3A_258 = arith.index_cast %scan3A_194 : i32 to index
          %get3A_259 = arith.constant 48 : index
          %get3A_260 = tpu.vector_load %arg22[%get3A_258, %get3A_259] {strides = array<i32>} : memref<40x128xf32, #tpu.memory_space<vmem>>, vector<1x16xf32>,
          %get3A_261 = vector.shape_cast %get3A_260 : vector<1x16xf32> to vector<16xf32>
          %get3A_262 = arith.index_cast %scan3A_194 : i32 to index
          %get3A_263 = arith.constant 48 : index
          %get3A_264 = tpu.vector_load %arg24[%get3A_262, %get3A_263] {strides = array<i32>} : memref<40x128xf32, #tpu.memory_space<vmem>>, vector<1x16xf32>,
          %get3A_265 = vector.shape_cast %get3A_264 : vector<1x16xf32> to vector<16xf32>
          %add3A_266 = arith.addf %get3A_261, %get3A_265 : vector<16xf32>
          %get3A_267 = arith.index_cast %scan3A_194 : i32 to index
          %get3A_268 = arith.constant 48 : index
          %get3A_269 = tpu.vector_load %arg26[%get3A_267, %get3A_268] {strides = array<i32>} : memref<40x128xf32, #tpu.memory_space<vmem>>, vector<1x16xf32>,
          %get3A_270 = vector.shape_cast %get3A_269 : vector<1x16xf32> to vector<16xf32>
          %add3A_271 = arith.addf %add3A_266, %get3A_270 : vector<16xf32>
          %max3A_272 = arith.constant 0.000000e+00 : f32
          %max3A_273 = vector.broadcast %max3A_272 : f32 to vector<16xf32>
          %max3A_274 = arith.maximumf %add3A_271, %max3A_273 : vector<16xf32>
          %swap3A_275 = arith.index_cast %scan3A_194 : i32 to index
          %swap3A_276 = arith.constant 48 : index
          %swap3A_277 = tpu.vector_load %arg28[%swap3A_275, %swap3A_276] {strides = array<i32>} : memref<40x128xf32, #tpu.memory_space<vmem>>, vector<1x16xf32>,
          %swap3A_278 = vector.shape_cast %swap3A_277 : vector<1x16xf32> to vector<16xf32>
          %swap3A_279 = vector.shape_cast %max3A_274 : vector<16xf32> to vector<1x16xf32>
          tpu.vector_store %arg28[%swap3A_275, %swap3A_276], %swap3A_279 {strides = array<i32>} : memref<40x128xf32, #tpu.memory_space<vmem>>, vector<1x16xf32>,
          %get3A_280 = arith.index_cast %scan3A_194 : i32 to index
          %get3A_281 = arith.constant 64 : index
          %get3A_282 = tpu.vector_load %arg22[%get3A_280, %get3A_281] {strides = array<i32>} : memref<40x128xf32, #tpu.memory_space<vmem>>, vector<1x16xf32>,
          %get3A_283 = vector.shape_cast %get3A_282 : vector<1x16xf32> to vector<16xf32>
          %get3A_284 = arith.index_cast %scan3A_194 : i32 to index
          %get3A_285 = arith.constant 64 : index
          %get3A_286 = tpu.vector_load %arg24[%get3A_284, %get3A_285] {strides = array<i32>} : memref<40x128xf32, #tpu.memory_space<vmem>>, vector<1x16xf32>,
          %get3A_287 = vector.shape_cast %get3A_286 : vector<1x16xf32> to vector<16xf32>
          %add3A_288 = arith.addf %get3A_283, %get3A_287 : vector<16xf32>
          %get3A_289 = arith.index_cast %scan3A_194 : i32 to index
          %get3A_290 = arith.constant 64 : index
          %get3A_291 = tpu.vector_load %arg26[%get3A_289, %get3A_290] {strides = array<i32>} : memref<40x128xf32, #tpu.memory_space<vmem>>, vector<1x16xf32>,
          %get3A_292 = vector.shape_cast %get3A_291 : vector<1x16xf32> to vector<16xf32>
          %add3A_293 = arith.addf %add3A_288, %get3A_292 : vector<16xf32>
          %max3A_294 = arith.constant 0.000000e+00 : f32
          %max3A_295 = vector.broadcast %max3A_294 : f32 to vector<16xf32>
          %max3A_296 = arith.maximumf %add3A_293, %max3A_295 : vector<16xf32>
          %swap3A_297 = arith.index_cast %scan3A_194 : i32 to index
          %swap3A_298 = arith.constant 64 : index
          %swap3A_299 = tpu.vector_load %arg28[%swap3A_297, %swap3A_298] {strides = array<i32>} : memref<40x128xf32, #tpu.memory_space<vmem>>, vector<1x16xf32>,
          %swap3A_300 = vector.shape_cast %swap3A_299 : vector<1x16xf32> to vector<16xf32>
          %swap3A_301 = vector.shape_cast %max3A_296 : vector<16xf32> to vector<1x16xf32>
          tpu.vector_store %arg28[%swap3A_297, %swap3A_298], %swap3A_301 {strides = array<i32>} : memref<40x128xf32, #tpu.memory_space<vmem>>, vector<1x16xf32>,
          %get3A_302 = arith.index_cast %scan3A_194 : i32 to index
          %get3A_303 = arith.constant 80 : index
          %get3A_304 = tpu.vector_load %arg22[%get3A_302, %get3A_303] {strides = array<i32>} : memref<40x128xf32, #tpu.memory_space<vmem>>, vector<1x16xf32>,
          %get3A_305 = vector.shape_cast %get3A_304 : vector<1x16xf32> to vector<16xf32>
          %get3A_306 = arith.index_cast %scan3A_194 : i32 to index
          %get3A_307 = arith.constant 80 : index
          %get3A_308 = tpu.vector_load %arg24[%get3A_306, %get3A_307] {strides = array<i32>} : memref<40x128xf32, #tpu.memory_space<vmem>>, vector<1x16xf32>,
          %get3A_309 = vector.shape_cast %get3A_308 : vector<1x16xf32> to vector<16xf32>
          %add3A_310 = arith.addf %get3A_305, %get3A_309 : vector<16xf32>
          %get3A_311 = arith.index_cast %scan3A_194 : i32 to index
          %get3A_312 = arith.constant 80 : index
          %get3A_313 = tpu.vector_load %arg26[%get3A_311, %get3A_312] {strides = array<i32>} : memref<40x128xf32, #tpu.memory_space<vmem>>, vector<1x16xf32>,
          %get3A_314 = vector.shape_cast %get3A_313 : vector<1x16xf32> to vector<16xf32>
          %add3A_315 = arith.addf %add3A_310, %get3A_314 : vector<16xf32>
          %max3A_316 = arith.constant 0.000000e+00 : f32
          %max3A_317 = vector.broadcast %max3A_316 : f32 to vector<16xf32>
          %max3A_318 = arith.maximumf %add3A_315, %max3A_317 : vector<16xf32>
          %swap3A_319 = arith.index_cast %scan3A_194 : i32 to index
          %swap3A_320 = arith.constant 80 : index
          %swap3A_321 = tpu.vector_load %arg28[%swap3A_319, %swap3A_320] {strides = array<i32>} : memref<40x128xf32, #tpu.memory_space<vmem>>, vector<1x16xf32>,
          %swap3A_322 = vector.shape_cast %swap3A_321 : vector<1x16xf32> to vector<16xf32>
          %swap3A_323 = vector.shape_cast %max3A_318 : vector<16xf32> to vector<1x16xf32>
          tpu.vector_store %arg28[%swap3A_319, %swap3A_320], %swap3A_323 {strides = array<i32>} : memref<40x128xf32, #tpu.memory_space<vmem>>, vector<1x16xf32>,
          %get3A_324 = arith.index_cast %scan3A_194 : i32 to index
          %get3A_325 = arith.constant 96 : index
          %get3A_326 = tpu.vector_load %arg22[%get3A_324, %get3A_325] {strides = array<i32>} : memref<40x128xf32, #tpu.memory_space<vmem>>, vector<1x16xf32>,
          %get3A_327 = vector.shape_cast %get3A_326 : vector<1x16xf32> to vector<16xf32>
          %get3A_328 = arith.index_cast %scan3A_194 : i32 to index
          %get3A_329 = arith.constant 96 : index
          %get3A_330 = tpu.vector_load %arg24[%get3A_328, %get3A_329] {strides = array<i32>} : memref<40x128xf32, #tpu.memory_space<vmem>>, vector<1x16xf32>,
          %get3A_331 = vector.shape_cast %get3A_330 : vector<1x16xf32> to vector<16xf32>
          %add3A_332 = arith.addf %get3A_327, %get3A_331 : vector<16xf32>
          %get3A_333 = arith.index_cast %scan3A_194 : i32 to index
          %get3A_334 = arith.constant 96 : index
          %get3A_335 = tpu.vector_load %arg26[%get3A_333, %get3A_334] {strides = array<i32>} : memref<40x128xf32, #tpu.memory_space<vmem>>, vector<1x16xf32>,
          %get3A_336 = vector.shape_cast %get3A_335 : vector<1x16xf32> to vector<16xf32>
          %add3A_337 = arith.addf %add3A_332, %get3A_336 : vector<16xf32>
          %max3A_338 = arith.constant 0.000000e+00 : f32
          %max3A_339 = vector.broadcast %max3A_338 : f32 to vector<16xf32>
          %max3A_340 = arith.maximumf %add3A_337, %max3A_339 : vector<16xf32>
          %swap3A_341 = arith.index_cast %scan3A_194 : i32 to index
          %swap3A_342 = arith.constant 96 : index
          %swap3A_343 = tpu.vector_load %arg28[%swap3A_341, %swap3A_342] {strides = array<i32>} : memref<40x128xf32, #tpu.memory_space<vmem>>, vector<1x16xf32>,
          %swap3A_344 = vector.shape_cast %swap3A_343 : vector<1x16xf32> to vector<16xf32>
          %swap3A_345 = vector.shape_cast %max3A_340 : vector<16xf32> to vector<1x16xf32>
          tpu.vector_store %arg28[%swap3A_341, %swap3A_342], %swap3A_345 {strides = array<i32>} : memref<40x128xf32, #tpu.memory_space<vmem>>, vector<1x16xf32>,
          %get3A_346 = arith.index_cast %scan3A_194 : i32 to index
          %get3A_347 = arith.constant 112 : index
          %get3A_348 = tpu.vector_load %arg22[%get3A_346, %get3A_347] {strides = array<i32>} : memref<40x128xf32, #tpu.memory_space<vmem>>, vector<1x16xf32>,
          %get3A_349 = vector.shape_cast %get3A_348 : vector<1x16xf32> to vector<16xf32>
          %get3A_350 = arith.index_cast %scan3A_194 : i32 to index
          %get3A_351 = arith.constant 112 : index
          %get3A_352 = tpu.vector_load %arg24[%get3A_350, %get3A_351] {strides = array<i32>} : memref<40x128xf32, #tpu.memory_space<vmem>>, vector<1x16xf32>,
          %get3A_353 = vector.shape_cast %get3A_352 : vector<1x16xf32> to vector<16xf32>
          %add3A_354 = arith.addf %get3A_349, %get3A_353 : vector<16xf32>
          %get3A_355 = arith.index_cast %scan3A_194 : i32 to index
          %get3A_356 = arith.constant 112 : index
          %get3A_357 = tpu.vector_load %arg26[%get3A_355, %get3A_356] {strides = array<i32>} : memref<40x128xf32, #tpu.memory_space<vmem>>, vector<1x16xf32>,
          %get3A_358 = vector.shape_cast %get3A_357 : vector<1x16xf32> to vector<16xf32>
          %add3A_359 = arith.addf %add3A_354, %get3A_358 : vector<16xf32>
          %max3A_360 = arith.constant 0.000000e+00 : f32
          %max3A_361 = vector.broadcast %max3A_360 : f32 to vector<16xf32>
          %max3A_362 = arith.maximumf %add3A_359, %max3A_361 : vector<16xf32>
          %swap3A_363 = arith.index_cast %scan3A_194 : i32 to index
          %swap3A_364 = arith.constant 112 : index
          %swap3A_365 = tpu.vector_load %arg28[%swap3A_363, %swap3A_364] {strides = array<i32>} : memref<40x128xf32, #tpu.memory_space<vmem>>, vector<1x16xf32>,
          %swap3A_366 = vector.shape_cast %swap3A_365 : vector<1x16xf32> to vector<16xf32>
          %swap3A_367 = vector.shape_cast %max3A_362 : vector<16xf32> to vector<1x16xf32>
          tpu.vector_store %arg28[%swap3A_363, %swap3A_364], %swap3A_367 {strides = array<i32>} : memref<40x128xf32, #tpu.memory_space<vmem>>, vector<1x16xf32>,
        }
        %scan3A_123 = arith.constant 40 : i32
        %mul3A_124 = arith.constant 40 : i32
        %mul3A_125 = arith.muli %add3A_89, %mul3A_124 : i32
        %add3A_126 = arith.addi %mul3A_2, %mul3A_125 : i32
        %dma_wait3A_127 = tpu.memref_slice %arg9[%add3A_126] : memref<160000xi32, #tpu.memory_space<hbm>> -> memref<40xi32, #tpu.memory_space<hbm>>
        %dma_wait3A_128 = tpu.memref_slice %arg9[%add3A_126] : memref<160000xi32, #tpu.memory_space<hbm>> -> memref<40xi32, #tpu.memory_space<hbm>>
        tpu.wait_dma2 semaphore(%arg43 : memref<!tpu.dma_semaphore, #tpu.memory_space<semaphore_mem>>) src(%dma_wait3A_128 : memref<40xi32, #tpu.memory_space<hbm>>) dst(%arg20 : memref<40xi32, #tpu.memory_space<vmem>>)
        %dma_start3A_129 = arith.constant 0 : i32
        %dma_start3A_130 = arith.constant 0 : i32
        %dma_start3A_131 = tpu.memref_slice %arg31[%dma_start3A_129, %dma_start3A_130] : memref<10000x128xf32, #tpu.memory_space<vmem_shared>> -> memref<10000x128xf32, #tpu.memory_space<vmem_shared>>
        tpu.enqueue_indirect_dma source(%arg28 : memref<40x128xf32, #tpu.memory_space<vmem>>) target(%dma_start3A_131 : memref<10000x128xf32, #tpu.memory_space<vmem_shared>>) offsets(%arg20 : memref<40xi32, #tpu.memory_space<vmem>>) semaphore(%arg39 : memref<!tpu.dma_semaphore, #tpu.memory_space<semaphore_mem>>) {add = true}
        %add3A_132 = arith.constant 2 : i32
        %add3A_133 = arith.addi %add3A_89, %add3A_132 : i32
        %lt3A_134 = arith.constant 250 : i32
        %lt3A_135 = arith.cmpi slt, %add3A_133, %lt3A_134 : i32
        %convert_element_type3A_136 = arith.extui %lt3A_135 : i1 to i32
        %cond3A_137 = arith.constant 0 : i32
        %cond3A_138 = arith.cmpi ne, %convert_element_type3A_136, %cond3A_137 : i32
        scf.if %cond3A_138 {
          %add3A_194 = arith.constant 2 : i32
          %add3A_195 = arith.addi %add3A_89, %add3A_194 : i32
          %mul3A_196 = arith.constant 40 : i32
          %mul3A_197 = arith.muli %add3A_195, %mul3A_196 : i32
          %add3A_198 = arith.addi %mul3A_2, %mul3A_197 : i32
          %dma_wait3A_199 = tpu.memref_slice %arg8[%add3A_198] : memref<160000xi32, #tpu.memory_space<hbm>> -> memref<40xi32, #tpu.memory_space<hbm>>
          %dma_wait3A_200 = tpu.memref_slice %arg8[%add3A_198] : memref<160000xi32, #tpu.memory_space<hbm>> -> memref<40xi32, #tpu.memory_space<hbm>>
          tpu.wait_dma2 semaphore(%arg41 : memref<!tpu.dma_semaphore, #tpu.memory_space<semaphore_mem>>) src(%dma_wait3A_200 : memref<40xi32, #tpu.memory_space<hbm>>) dst(%arg16 : memref<40xi32, #tpu.memory_space<vmem>>)
          %mul3A_201 = arith.constant 40 : i32
          %mul3A_202 = arith.muli %add3A_195, %mul3A_201 : i32
          %add3A_203 = arith.addi %mul3A_2, %mul3A_202 : i32
          %dma_wait3A_204 = tpu.memref_slice %arg9[%add3A_203] : memref<160000xi32, #tpu.memory_space<hbm>> -> memref<40xi32, #tpu.memory_space<hbm>>
          %dma_wait3A_205 = tpu.memref_slice %arg9[%add3A_203] : memref<160000xi32, #tpu.memory_space<hbm>> -> memref<40xi32, #tpu.memory_space<hbm>>
          tpu.wait_dma2 semaphore(%arg41 : memref<!tpu.dma_semaphore, #tpu.memory_space<semaphore_mem>>) src(%dma_wait3A_205 : memref<40xi32, #tpu.memory_space<hbm>>) dst(%arg18 : memref<40xi32, #tpu.memory_space<vmem>>)
          %add3A_206 = arith.constant 2 : i32
          %add3A_207 = arith.addi %add3A_89, %add3A_206 : i32
          %dma_start3A_208 = arith.constant 0 : i32
          %dma_start3A_209 = arith.constant 0 : i32
          %dma_start3A_210 = tpu.memref_slice %arg3[%dma_start3A_208, %dma_start3A_209] : memref<10000x128xf32, #tpu.memory_space<hbm>> -> memref<10000x128xf32, #tpu.memory_space<hbm>>
          tpu.enqueue_indirect_dma source(%dma_start3A_210 : memref<10000x128xf32, #tpu.memory_space<hbm>>) target(%arg22 : memref<40x128xf32, #tpu.memory_space<vmem>>) offsets(%arg16 : memref<40xi32, #tpu.memory_space<vmem>>) semaphore(%arg33 : memref<!tpu.dma_semaphore, #tpu.memory_space<semaphore_mem>>)
          %dma_start3A_211 = arith.constant 0 : i32
          %dma_start3A_212 = arith.constant 0 : i32
          %dma_start3A_213 = tpu.memref_slice %arg5[%dma_start3A_211, %dma_start3A_212] : memref<10000x128xf32, #tpu.memory_space<hbm>> -> memref<10000x128xf32, #tpu.memory_space<hbm>>
          tpu.enqueue_indirect_dma source(%dma_start3A_213 : memref<10000x128xf32, #tpu.memory_space<hbm>>) target(%arg24 : memref<40x128xf32, #tpu.memory_space<vmem>>) offsets(%arg18 : memref<40xi32, #tpu.memory_space<vmem>>) semaphore(%arg35 : memref<!tpu.dma_semaphore, #tpu.memory_space<semaphore_mem>>)
          %mul3A_214 = arith.constant 40 : i32
          %mul3A_215 = arith.muli %add3A_207, %mul3A_214 : i32
          %add3A_216 = arith.addi %mul3A_2, %mul3A_215 : i32
          %dma_start3A_217 = arith.constant 0 : i32
          %dma_start3A_218 = tpu.memref_slice %arg7[%add3A_216, %dma_start3A_217] : memref<160000x128xf32, #tpu.memory_space<hbm>> -> memref<40x128xf32, #tpu.memory_space<hbm>>
          %dma_start3A_219 = arith.constant 0 : i32
          %dma_start3A_220 = tpu.memref_slice %arg7[%add3A_216, %dma_start3A_219] : memref<160000x128xf32, #tpu.memory_space<hbm>> -> memref<40x128xf32, #tpu.memory_space<hbm>>
          tpu.enqueue_dma source(%dma_start3A_220 : memref<40x128xf32, #tpu.memory_space<hbm>>) target(%arg26 : memref<40x128xf32, #tpu.memory_space<vmem>>) target_semaphore(%arg37 : memref<!tpu.dma_semaphore, #tpu.memory_space<semaphore_mem>>)
        } else {
        }
        %mul3A_139 = arith.constant 2 : i32
        %mul3A_140 = arith.muli %scan3A_85, %mul3A_139 : i32
        %add3A_141 = arith.constant 1 : i32
        %add3A_142 = arith.addi %mul3A_140, %add3A_141 : i32
        %dma_wait3A_143 = arith.constant 0 : i32
        %dma_wait3A_144 = arith.constant 0 : i32
        %dma_wait3A_145 = tpu.memref_slice %arg3[%dma_wait3A_143, %dma_wait3A_144] : memref<10000x128xf32, #tpu.memory_space<hbm>> -> memref<10000x128xf32, #tpu.memory_space<hbm>>
        tpu.wait_indirect_dma semaphore(%arg34 : memref<!tpu.dma_semaphore, #tpu.memory_space<semaphore_mem>>) src(%dma_wait3A_145 : memref<10000x128xf32, #tpu.memory_space<hbm>>) dst(%arg23 : memref<40x128xf32, #tpu.memory_space<vmem>>)
        %dma_wait3A_146 = arith.constant 0 : i32
        %dma_wait3A_147 = arith.constant 0 : i32
        %dma_wait3A_148 = tpu.memref_slice %arg5[%dma_wait3A_146, %dma_wait3A_147] : memref<10000x128xf32, #tpu.memory_space<hbm>> -> memref<10000x128xf32, #tpu.memory_space<hbm>>
        tpu.wait_indirect_dma semaphore(%arg36 : memref<!tpu.dma_semaphore, #tpu.memory_space<semaphore_mem>>) src(%dma_wait3A_148 : memref<10000x128xf32, #tpu.memory_space<hbm>>) dst(%arg25 : memref<40x128xf32, #tpu.memory_space<vmem>>)
        %mul3A_149 = arith.constant 40 : i32
        %mul3A_150 = arith.muli %add3A_142, %mul3A_149 : i32
        %add3A_151 = arith.addi %mul3A_2, %mul3A_150 : i32
        %dma_wait3A_152 = arith.constant 0 : i32
        %dma_wait3A_153 = tpu.memref_slice %arg7[%add3A_151, %dma_wait3A_152] : memref<160000x128xf32, #tpu.memory_space<hbm>> -> memref<40x128xf32, #tpu.memory_space<hbm>>
        %dma_wait3A_154 = arith.constant 0 : i32
        %dma_wait3A_155 = tpu.memref_slice %arg7[%add3A_151, %dma_wait3A_154] : memref<160000x128xf32, #tpu.memory_space<hbm>> -> memref<40x128xf32, #tpu.memory_space<hbm>>
        tpu.wait_dma2 semaphore(%arg38 : memref<!tpu.dma_semaphore, #tpu.memory_space<semaphore_mem>>) src(%dma_wait3A_155 : memref<40x128xf32, #tpu.memory_space<hbm>>) dst(%arg27 : memref<40x128xf32, #tpu.memory_space<vmem>>)
        %add3A_156 = arith.constant 2 : i32
        %add3A_157 = arith.addi %add3A_142, %add3A_156 : i32
        %lt3A_158 = arith.constant 250 : i32
        %lt3A_159 = arith.cmpi slt, %add3A_157, %lt3A_158 : i32
        %convert_element_type3A_160 = arith.extui %lt3A_159 : i1 to i32
        %cond3A_161 = arith.constant 0 : i32
        %cond3A_162 = arith.cmpi ne, %convert_element_type3A_160, %cond3A_161 : i32
        scf.if %cond3A_162 {
          %add3A_194 = arith.constant 2 : i32
          %add3A_195 = arith.addi %add3A_142, %add3A_194 : i32
          %mul3A_196 = arith.constant 40 : i32
          %mul3A_197 = arith.muli %add3A_195, %mul3A_196 : i32
          %add3A_198 = arith.addi %mul3A_2, %mul3A_197 : i32
          %dma_start3A_199 = tpu.memref_slice %arg8[%add3A_198] : memref<160000xi32, #tpu.memory_space<hbm>> -> memref<40xi32, #tpu.memory_space<hbm>>
          %dma_start3A_200 = tpu.memref_slice %arg8[%add3A_198] : memref<160000xi32, #tpu.memory_space<hbm>> -> memref<40xi32, #tpu.memory_space<hbm>>
          tpu.enqueue_dma source(%dma_start3A_200 : memref<40xi32, #tpu.memory_space<hbm>>) target(%arg17 : memref<40xi32, #tpu.memory_space<vmem>>) target_semaphore(%arg42 : memref<!tpu.dma_semaphore, #tpu.memory_space<semaphore_mem>>)
          %mul3A_201 = arith.constant 40 : i32
          %mul3A_202 = arith.muli %add3A_195, %mul3A_201 : i32
          %add3A_203 = arith.addi %mul3A_2, %mul3A_202 : i32
          %dma_start3A_204 = tpu.memref_slice %arg9[%add3A_203] : memref<160000xi32, #tpu.memory_space<hbm>> -> memref<40xi32, #tpu.memory_space<hbm>>
          %dma_start3A_205 = tpu.memref_slice %arg9[%add3A_203] : memref<160000xi32, #tpu.memory_space<hbm>> -> memref<40xi32, #tpu.memory_space<hbm>>
          tpu.enqueue_dma source(%dma_start3A_205 : memref<40xi32, #tpu.memory_space<hbm>>) target(%arg19 : memref<40xi32, #tpu.memory_space<vmem>>) target_semaphore(%arg42 : memref<!tpu.dma_semaphore, #tpu.memory_space<semaphore_mem>>)
        } else {
        }
        %ge3A_163 = arith.constant 2 : i32
        %ge3A_164 = arith.cmpi sge, %add3A_142, %ge3A_163 : i32
        %convert_element_type3A_165 = arith.extui %ge3A_164 : i1 to i32
        %cond3A_166 = arith.constant 0 : i32
        %cond3A_167 = arith.cmpi ne, %convert_element_type3A_165, %cond3A_166 : i32
        scf.if %cond3A_167 {
          %sub3A = arith.constant 2 : i32
          %sub3A_194 = arith.subi %add3A_142, %sub3A : i32
          %dma_wait3A_195 = arith.constant 0 : i32
          %dma_wait3A_196 = arith.constant 0 : i32
          %dma_wait3A_197 = tpu.memref_slice %arg31[%dma_wait3A_195, %dma_wait3A_196] : memref<10000x128xf32, #tpu.memory_space<vmem_shared>> -> memref<10000x128xf32, #tpu.memory_space<vmem_shared>>
          tpu.wait_indirect_dma semaphore(%arg40 : memref<!tpu.dma_semaphore, #tpu.memory_space<semaphore_mem>>) src(%arg29 : memref<40x128xf32, #tpu.memory_space<vmem>>) dst(%dma_wait3A_197 : memref<10000x128xf32, #tpu.memory_space<vmem_shared>>)
        } else {
        }
        %mul3A_168 = arith.constant 40 : i32
        %mul3A_169 = arith.muli %add3A_142, %mul3A_168 : i32
        %add3A_170 = arith.addi %mul3A_2, %mul3A_169 : i32
        %dma_start3A_171 = tpu.memref_slice %arg9[%add3A_170] : memref<160000xi32, #tpu.memory_space<hbm>> -> memref<40xi32, #tpu.memory_space<hbm>>
        %dma_start3A_172 = tpu.memref_slice %arg9[%add3A_170] : memref<160000xi32, #tpu.memory_space<hbm>> -> memref<40xi32, #tpu.memory_space<hbm>>
        tpu.enqueue_dma source(%dma_start3A_172 : memref<40xi32, #tpu.memory_space<hbm>>) target(%arg21 : memref<40xi32, #tpu.memory_space<vmem>>) target_semaphore(%arg44 : memref<!tpu.dma_semaphore, #tpu.memory_space<semaphore_mem>>)
        %scan3A_173 = arith.constant 0 : i32
        %scan3A_174 = arith.constant 0 : i32
        %scan3A_175 = arith.constant 40 : i32
        %scan3A_176 = arith.addi %scan3A_174, %scan3A_175 : i32
        %scan3A_177 = arith.constant 1 : i32
        scf.for %scan3A_194 = %scan3A_174 to %scan3A_176 step %scan3A_177  : i32 {
          %get3A = arith.index_cast %scan3A_194 : i32 to index
          %get3A_195 = arith.constant 0 : index
          %get3A_196 = tpu.vector_load %arg23[%get3A, %get3A_195] {strides = array<i32>} : memref<40x128xf32, #tpu.memory_space<vmem>>, vector<1x16xf32>,
          %get3A_197 = vector.shape_cast %get3A_196 : vector<1x16xf32> to vector<16xf32>
          %get3A_198 = arith.index_cast %scan3A_194 : i32 to index
          %get3A_199 = arith.constant 0 : index
          %get3A_200 = tpu.vector_load %arg25[%get3A_198, %get3A_199] {strides = array<i32>} : memref<40x128xf32, #tpu.memory_space<vmem>>, vector<1x16xf32>,
          %get3A_201 = vector.shape_cast %get3A_200 : vector<1x16xf32> to vector<16xf32>
          %add3A_202 = arith.addf %get3A_197, %get3A_201 : vector<16xf32>
          %get3A_203 = arith.index_cast %scan3A_194 : i32 to index
          %get3A_204 = arith.constant 0 : index
          %get3A_205 = tpu.vector_load %arg27[%get3A_203, %get3A_204] {strides = array<i32>} : memref<40x128xf32, #tpu.memory_space<vmem>>, vector<1x16xf32>,
          %get3A_206 = vector.shape_cast %get3A_205 : vector<1x16xf32> to vector<16xf32>
          %add3A_207 = arith.addf %add3A_202, %get3A_206 : vector<16xf32>
          %max3A = arith.constant 0.000000e+00 : f32
          %max3A_208 = vector.broadcast %max3A : f32 to vector<16xf32>
          %max3A_209 = arith.maximumf %add3A_207, %max3A_208 : vector<16xf32>
          %swap3A = arith.index_cast %scan3A_194 : i32 to index
          %swap3A_210 = arith.constant 0 : index
          %swap3A_211 = tpu.vector_load %arg29[%swap3A, %swap3A_210] {strides = array<i32>} : memref<40x128xf32, #tpu.memory_space<vmem>>, vector<1x16xf32>,
          %swap3A_212 = vector.shape_cast %swap3A_211 : vector<1x16xf32> to vector<16xf32>
          %swap3A_213 = vector.shape_cast %max3A_209 : vector<16xf32> to vector<1x16xf32>
          tpu.vector_store %arg29[%swap3A, %swap3A_210], %swap3A_213 {strides = array<i32>} : memref<40x128xf32, #tpu.memory_space<vmem>>, vector<1x16xf32>,
          %get3A_214 = arith.index_cast %scan3A_194 : i32 to index
          %get3A_215 = arith.constant 16 : index
          %get3A_216 = tpu.vector_load %arg23[%get3A_214, %get3A_215] {strides = array<i32>} : memref<40x128xf32, #tpu.memory_space<vmem>>, vector<1x16xf32>,
          %get3A_217 = vector.shape_cast %get3A_216 : vector<1x16xf32> to vector<16xf32>
          %get3A_218 = arith.index_cast %scan3A_194 : i32 to index
          %get3A_219 = arith.constant 16 : index
          %get3A_220 = tpu.vector_load %arg25[%get3A_218, %get3A_219] {strides = array<i32>} : memref<40x128xf32, #tpu.memory_space<vmem>>, vector<1x16xf32>,
          %get3A_221 = vector.shape_cast %get3A_220 : vector<1x16xf32> to vector<16xf32>
          %add3A_222 = arith.addf %get3A_217, %get3A_221 : vector<16xf32>
          %get3A_223 = arith.index_cast %scan3A_194 : i32 to index
          %get3A_224 = arith.constant 16 : index
          %get3A_225 = tpu.vector_load %arg27[%get3A_223, %get3A_224] {strides = array<i32>} : memref<40x128xf32, #tpu.memory_space<vmem>>, vector<1x16xf32>,
          %get3A_226 = vector.shape_cast %get3A_225 : vector<1x16xf32> to vector<16xf32>
          %add3A_227 = arith.addf %add3A_222, %get3A_226 : vector<16xf32>
          %max3A_228 = arith.constant 0.000000e+00 : f32
          %max3A_229 = vector.broadcast %max3A_228 : f32 to vector<16xf32>
          %max3A_230 = arith.maximumf %add3A_227, %max3A_229 : vector<16xf32>
          %swap3A_231 = arith.index_cast %scan3A_194 : i32 to index
          %swap3A_232 = arith.constant 16 : index
          %swap3A_233 = tpu.vector_load %arg29[%swap3A_231, %swap3A_232] {strides = array<i32>} : memref<40x128xf32, #tpu.memory_space<vmem>>, vector<1x16xf32>,
          %swap3A_234 = vector.shape_cast %swap3A_233 : vector<1x16xf32> to vector<16xf32>
          %swap3A_235 = vector.shape_cast %max3A_230 : vector<16xf32> to vector<1x16xf32>
          tpu.vector_store %arg29[%swap3A_231, %swap3A_232], %swap3A_235 {strides = array<i32>} : memref<40x128xf32, #tpu.memory_space<vmem>>, vector<1x16xf32>,
          %get3A_236 = arith.index_cast %scan3A_194 : i32 to index
          %get3A_237 = arith.constant 32 : index
          %get3A_238 = tpu.vector_load %arg23[%get3A_236, %get3A_237] {strides = array<i32>} : memref<40x128xf32, #tpu.memory_space<vmem>>, vector<1x16xf32>,
          %get3A_239 = vector.shape_cast %get3A_238 : vector<1x16xf32> to vector<16xf32>
          %get3A_240 = arith.index_cast %scan3A_194 : i32 to index
          %get3A_241 = arith.constant 32 : index
          %get3A_242 = tpu.vector_load %arg25[%get3A_240, %get3A_241] {strides = array<i32>} : memref<40x128xf32, #tpu.memory_space<vmem>>, vector<1x16xf32>,
          %get3A_243 = vector.shape_cast %get3A_242 : vector<1x16xf32> to vector<16xf32>
          %add3A_244 = arith.addf %get3A_239, %get3A_243 : vector<16xf32>
          %get3A_245 = arith.index_cast %scan3A_194 : i32 to index
          %get3A_246 = arith.constant 32 : index
          %get3A_247 = tpu.vector_load %arg27[%get3A_245, %get3A_246] {strides = array<i32>} : memref<40x128xf32, #tpu.memory_space<vmem>>, vector<1x16xf32>,
          %get3A_248 = vector.shape_cast %get3A_247 : vector<1x16xf32> to vector<16xf32>
          %add3A_249 = arith.addf %add3A_244, %get3A_248 : vector<16xf32>
          %max3A_250 = arith.constant 0.000000e+00 : f32
          %max3A_251 = vector.broadcast %max3A_250 : f32 to vector<16xf32>
          %max3A_252 = arith.maximumf %add3A_249, %max3A_251 : vector<16xf32>
          %swap3A_253 = arith.index_cast %scan3A_194 : i32 to index
          %swap3A_254 = arith.constant 32 : index
          %swap3A_255 = tpu.vector_load %arg29[%swap3A_253, %swap3A_254] {strides = array<i32>} : memref<40x128xf32, #tpu.memory_space<vmem>>, vector<1x16xf32>,
          %swap3A_256 = vector.shape_cast %swap3A_255 : vector<1x16xf32> to vector<16xf32>
          %swap3A_257 = vector.shape_cast %max3A_252 : vector<16xf32> to vector<1x16xf32>
          tpu.vector_store %arg29[%swap3A_253, %swap3A_254], %swap3A_257 {strides = array<i32>} : memref<40x128xf32, #tpu.memory_space<vmem>>, vector<1x16xf32>,
          %get3A_258 = arith.index_cast %scan3A_194 : i32 to index
          %get3A_259 = arith.constant 48 : index
          %get3A_260 = tpu.vector_load %arg23[%get3A_258, %get3A_259] {strides = array<i32>} : memref<40x128xf32, #tpu.memory_space<vmem>>, vector<1x16xf32>,
          %get3A_261 = vector.shape_cast %get3A_260 : vector<1x16xf32> to vector<16xf32>
          %get3A_262 = arith.index_cast %scan3A_194 : i32 to index
          %get3A_263 = arith.constant 48 : index
          %get3A_264 = tpu.vector_load %arg25[%get3A_262, %get3A_263] {strides = array<i32>} : memref<40x128xf32, #tpu.memory_space<vmem>>, vector<1x16xf32>,
          %get3A_265 = vector.shape_cast %get3A_264 : vector<1x16xf32> to vector<16xf32>
          %add3A_266 = arith.addf %get3A_261, %get3A_265 : vector<16xf32>
          %get3A_267 = arith.index_cast %scan3A_194 : i32 to index
          %get3A_268 = arith.constant 48 : index
          %get3A_269 = tpu.vector_load %arg27[%get3A_267, %get3A_268] {strides = array<i32>} : memref<40x128xf32, #tpu.memory_space<vmem>>, vector<1x16xf32>,
          %get3A_270 = vector.shape_cast %get3A_269 : vector<1x16xf32> to vector<16xf32>
          %add3A_271 = arith.addf %add3A_266, %get3A_270 : vector<16xf32>
          %max3A_272 = arith.constant 0.000000e+00 : f32
          %max3A_273 = vector.broadcast %max3A_272 : f32 to vector<16xf32>
          %max3A_274 = arith.maximumf %add3A_271, %max3A_273 : vector<16xf32>
          %swap3A_275 = arith.index_cast %scan3A_194 : i32 to index
          %swap3A_276 = arith.constant 48 : index
          %swap3A_277 = tpu.vector_load %arg29[%swap3A_275, %swap3A_276] {strides = array<i32>} : memref<40x128xf32, #tpu.memory_space<vmem>>, vector<1x16xf32>,
          %swap3A_278 = vector.shape_cast %swap3A_277 : vector<1x16xf32> to vector<16xf32>
          %swap3A_279 = vector.shape_cast %max3A_274 : vector<16xf32> to vector<1x16xf32>
          tpu.vector_store %arg29[%swap3A_275, %swap3A_276], %swap3A_279 {strides = array<i32>} : memref<40x128xf32, #tpu.memory_space<vmem>>, vector<1x16xf32>,
          %get3A_280 = arith.index_cast %scan3A_194 : i32 to index
          %get3A_281 = arith.constant 64 : index
          %get3A_282 = tpu.vector_load %arg23[%get3A_280, %get3A_281] {strides = array<i32>} : memref<40x128xf32, #tpu.memory_space<vmem>>, vector<1x16xf32>,
          %get3A_283 = vector.shape_cast %get3A_282 : vector<1x16xf32> to vector<16xf32>
          %get3A_284 = arith.index_cast %scan3A_194 : i32 to index
          %get3A_285 = arith.constant 64 : index
          %get3A_286 = tpu.vector_load %arg25[%get3A_284, %get3A_285] {strides = array<i32>} : memref<40x128xf32, #tpu.memory_space<vmem>>, vector<1x16xf32>,
          %get3A_287 = vector.shape_cast %get3A_286 : vector<1x16xf32> to vector<16xf32>
          %add3A_288 = arith.addf %get3A_283, %get3A_287 : vector<16xf32>
          %get3A_289 = arith.index_cast %scan3A_194 : i32 to index
          %get3A_290 = arith.constant 64 : index
          %get3A_291 = tpu.vector_load %arg27[%get3A_289, %get3A_290] {strides = array<i32>} : memref<40x128xf32, #tpu.memory_space<vmem>>, vector<1x16xf32>,
          %get3A_292 = vector.shape_cast %get3A_291 : vector<1x16xf32> to vector<16xf32>
          %add3A_293 = arith.addf %add3A_288, %get3A_292 : vector<16xf32>
          %max3A_294 = arith.constant 0.000000e+00 : f32
          %max3A_295 = vector.broadcast %max3A_294 : f32 to vector<16xf32>
          %max3A_296 = arith.maximumf %add3A_293, %max3A_295 : vector<16xf32>
          %swap3A_297 = arith.index_cast %scan3A_194 : i32 to index
          %swap3A_298 = arith.constant 64 : index
          %swap3A_299 = tpu.vector_load %arg29[%swap3A_297, %swap3A_298] {strides = array<i32>} : memref<40x128xf32, #tpu.memory_space<vmem>>, vector<1x16xf32>,
          %swap3A_300 = vector.shape_cast %swap3A_299 : vector<1x16xf32> to vector<16xf32>
          %swap3A_301 = vector.shape_cast %max3A_296 : vector<16xf32> to vector<1x16xf32>
          tpu.vector_store %arg29[%swap3A_297, %swap3A_298], %swap3A_301 {strides = array<i32>} : memref<40x128xf32, #tpu.memory_space<vmem>>, vector<1x16xf32>,
          %get3A_302 = arith.index_cast %scan3A_194 : i32 to index
          %get3A_303 = arith.constant 80 : index
          %get3A_304 = tpu.vector_load %arg23[%get3A_302, %get3A_303] {strides = array<i32>} : memref<40x128xf32, #tpu.memory_space<vmem>>, vector<1x16xf32>,
          %get3A_305 = vector.shape_cast %get3A_304 : vector<1x16xf32> to vector<16xf32>
          %get3A_306 = arith.index_cast %scan3A_194 : i32 to index
          %get3A_307 = arith.constant 80 : index
          %get3A_308 = tpu.vector_load %arg25[%get3A_306, %get3A_307] {strides = array<i32>} : memref<40x128xf32, #tpu.memory_space<vmem>>, vector<1x16xf32>,
          %get3A_309 = vector.shape_cast %get3A_308 : vector<1x16xf32> to vector<16xf32>
          %add3A_310 = arith.addf %get3A_305, %get3A_309 : vector<16xf32>
          %get3A_311 = arith.index_cast %scan3A_194 : i32 to index
          %get3A_312 = arith.constant 80 : index
          %get3A_313 = tpu.vector_load %arg27[%get3A_311, %get3A_312] {strides = array<i32>} : memref<40x128xf32, #tpu.memory_space<vmem>>, vector<1x16xf32>,
          %get3A_314 = vector.shape_cast %get3A_313 : vector<1x16xf32> to vector<16xf32>
          %add3A_315 = arith.addf %add3A_310, %get3A_314 : vector<16xf32>
          %max3A_316 = arith.constant 0.000000e+00 : f32
          %max3A_317 = vector.broadcast %max3A_316 : f32 to vector<16xf32>
          %max3A_318 = arith.maximumf %add3A_315, %max3A_317 : vector<16xf32>
          %swap3A_319 = arith.index_cast %scan3A_194 : i32 to index
          %swap3A_320 = arith.constant 80 : index
          %swap3A_321 = tpu.vector_load %arg29[%swap3A_319, %swap3A_320] {strides = array<i32>} : memref<40x128xf32, #tpu.memory_space<vmem>>, vector<1x16xf32>,
          %swap3A_322 = vector.shape_cast %swap3A_321 : vector<1x16xf32> to vector<16xf32>
          %swap3A_323 = vector.shape_cast %max3A_318 : vector<16xf32> to vector<1x16xf32>
          tpu.vector_store %arg29[%swap3A_319, %swap3A_320], %swap3A_323 {strides = array<i32>} : memref<40x128xf32, #tpu.memory_space<vmem>>, vector<1x16xf32>,
          %get3A_324 = arith.index_cast %scan3A_194 : i32 to index
          %get3A_325 = arith.constant 96 : index
          %get3A_326 = tpu.vector_load %arg23[%get3A_324, %get3A_325] {strides = array<i32>} : memref<40x128xf32, #tpu.memory_space<vmem>>, vector<1x16xf32>,
          %get3A_327 = vector.shape_cast %get3A_326 : vector<1x16xf32> to vector<16xf32>
          %get3A_328 = arith.index_cast %scan3A_194 : i32 to index
          %get3A_329 = arith.constant 96 : index
          %get3A_330 = tpu.vector_load %arg25[%get3A_328, %get3A_329] {strides = array<i32>} : memref<40x128xf32, #tpu.memory_space<vmem>>, vector<1x16xf32>,
          %get3A_331 = vector.shape_cast %get3A_330 : vector<1x16xf32> to vector<16xf32>
          %add3A_332 = arith.addf %get3A_327, %get3A_331 : vector<16xf32>
          %get3A_333 = arith.index_cast %scan3A_194 : i32 to index
          %get3A_334 = arith.constant 96 : index
          %get3A_335 = tpu.vector_load %arg27[%get3A_333, %get3A_334] {strides = array<i32>} : memref<40x128xf32, #tpu.memory_space<vmem>>, vector<1x16xf32>,
          %get3A_336 = vector.shape_cast %get3A_335 : vector<1x16xf32> to vector<16xf32>
          %add3A_337 = arith.addf %add3A_332, %get3A_336 : vector<16xf32>
          %max3A_338 = arith.constant 0.000000e+00 : f32
          %max3A_339 = vector.broadcast %max3A_338 : f32 to vector<16xf32>
          %max3A_340 = arith.maximumf %add3A_337, %max3A_339 : vector<16xf32>
          %swap3A_341 = arith.index_cast %scan3A_194 : i32 to index
          %swap3A_342 = arith.constant 96 : index
          %swap3A_343 = tpu.vector_load %arg29[%swap3A_341, %swap3A_342] {strides = array<i32>} : memref<40x128xf32, #tpu.memory_space<vmem>>, vector<1x16xf32>,
          %swap3A_344 = vector.shape_cast %swap3A_343 : vector<1x16xf32> to vector<16xf32>
          %swap3A_345 = vector.shape_cast %max3A_340 : vector<16xf32> to vector<1x16xf32>
          tpu.vector_store %arg29[%swap3A_341, %swap3A_342], %swap3A_345 {strides = array<i32>} : memref<40x128xf32, #tpu.memory_space<vmem>>, vector<1x16xf32>,
          %get3A_346 = arith.index_cast %scan3A_194 : i32 to index
          %get3A_347 = arith.constant 112 : index
          %get3A_348 = tpu.vector_load %arg23[%get3A_346, %get3A_347] {strides = array<i32>} : memref<40x128xf32, #tpu.memory_space<vmem>>, vector<1x16xf32>,
          %get3A_349 = vector.shape_cast %get3A_348 : vector<1x16xf32> to vector<16xf32>
          %get3A_350 = arith.index_cast %scan3A_194 : i32 to index
          %get3A_351 = arith.constant 112 : index
          %get3A_352 = tpu.vector_load %arg25[%get3A_350, %get3A_351] {strides = array<i32>} : memref<40x128xf32, #tpu.memory_space<vmem>>, vector<1x16xf32>,
          %get3A_353 = vector.shape_cast %get3A_352 : vector<1x16xf32> to vector<16xf32>
          %add3A_354 = arith.addf %get3A_349, %get3A_353 : vector<16xf32>
          %get3A_355 = arith.index_cast %scan3A_194 : i32 to index
          %get3A_356 = arith.constant 112 : index
          %get3A_357 = tpu.vector_load %arg27[%get3A_355, %get3A_356] {strides = array<i32>} : memref<40x128xf32, #tpu.memory_space<vmem>>, vector<1x16xf32>,
          %get3A_358 = vector.shape_cast %get3A_357 : vector<1x16xf32> to vector<16xf32>
          %add3A_359 = arith.addf %add3A_354, %get3A_358 : vector<16xf32>
          %max3A_360 = arith.constant 0.000000e+00 : f32
          %max3A_361 = vector.broadcast %max3A_360 : f32 to vector<16xf32>
          %max3A_362 = arith.maximumf %add3A_359, %max3A_361 : vector<16xf32>
          %swap3A_363 = arith.index_cast %scan3A_194 : i32 to index
          %swap3A_364 = arith.constant 112 : index
          %swap3A_365 = tpu.vector_load %arg29[%swap3A_363, %swap3A_364] {strides = array<i32>} : memref<40x128xf32, #tpu.memory_space<vmem>>, vector<1x16xf32>,
          %swap3A_366 = vector.shape_cast %swap3A_365 : vector<1x16xf32> to vector<16xf32>
          %swap3A_367 = vector.shape_cast %max3A_362 : vector<16xf32> to vector<1x16xf32>
          tpu.vector_store %arg29[%swap3A_363, %swap3A_364], %swap3A_367 {strides = array<i32>} : memref<40x128xf32, #tpu.memory_space<vmem>>, vector<1x16xf32>,
        }
        %scan3A_178 = arith.constant 40 : i32
        %mul3A_179 = arith.constant 40 : i32
        %mul3A_180 = arith.muli %add3A_142, %mul3A_179 : i32
        %add3A_181 = arith.addi %mul3A_2, %mul3A_180 : i32
        %dma_wait3A_182 = tpu.memref_slice %arg9[%add3A_181] : memref<160000xi32, #tpu.memory_space<hbm>> -> memref<40xi32, #tpu.memory_space<hbm>>
        %dma_wait3A_183 = tpu.memref_slice %arg9[%add3A_181] : memref<160000xi32, #tpu.memory_space<hbm>> -> memref<40xi32, #tpu.memory_space<hbm>>
        tpu.wait_dma2 semaphore(%arg44 : memref<!tpu.dma_semaphore, #tpu.memory_space<semaphore_mem>>) src(%dma_wait3A_183 : memref<40xi32, #tpu.memory_space<hbm>>) dst(%arg21 : memref<40xi32, #tpu.memory_space<vmem>>)
        %dma_start3A_184 = arith.constant 0 : i32
        %dma_start3A_185 = arith.constant 0 : i32
        %dma_start3A_186 = tpu.memref_slice %arg31[%dma_start3A_184, %dma_start3A_185] : memref<10000x128xf32, #tpu.memory_space<vmem_shared>> -> memref<10000x128xf32, #tpu.memory_space<vmem_shared>>
        tpu.enqueue_indirect_dma source(%arg29 : memref<40x128xf32, #tpu.memory_space<vmem>>) target(%dma_start3A_186 : memref<10000x128xf32, #tpu.memory_space<vmem_shared>>) offsets(%arg21 : memref<40xi32, #tpu.memory_space<vmem>>) semaphore(%arg40 : memref<!tpu.dma_semaphore, #tpu.memory_space<semaphore_mem>>) {add = true}
        %add3A_187 = arith.constant 2 : i32
        %add3A_188 = arith.addi %add3A_142, %add3A_187 : i32
        %lt3A_189 = arith.constant 250 : i32
        %lt3A_190 = arith.cmpi slt, %add3A_188, %lt3A_189 : i32
        %convert_element_type3A_191 = arith.extui %lt3A_190 : i1 to i32
        %cond3A_192 = arith.constant 0 : i32
        %cond3A_193 = arith.cmpi ne, %convert_element_type3A_191, %cond3A_192 : i32
        scf.if %cond3A_193 {
          %add3A_194 = arith.constant 2 : i32
          %add3A_195 = arith.addi %add3A_142, %add3A_194 : i32
          %mul3A_196 = arith.constant 40 : i32
          %mul3A_197 = arith.muli %add3A_195, %mul3A_196 : i32
          %add3A_198 = arith.addi %mul3A_2, %mul3A_197 : i32
          %dma_wait3A_199 = tpu.memref_slice %arg8[%add3A_198] : memref<160000xi32, #tpu.memory_space<hbm>> -> memref<40xi32, #tpu.memory_space<hbm>>
          %dma_wait3A_200 = tpu.memref_slice %arg8[%add3A_198] : memref<160000xi32, #tpu.memory_space<hbm>> -> memref<40xi32, #tpu.memory_space<hbm>>
          tpu.wait_dma2 semaphore(%arg42 : memref<!tpu.dma_semaphore, #tpu.memory_space<semaphore_mem>>) src(%dma_wait3A_200 : memref<40xi32, #tpu.memory_space<hbm>>) dst(%arg17 : memref<40xi32, #tpu.memory_space<vmem>>)
          %mul3A_201 = arith.constant 40 : i32
          %mul3A_202 = arith.muli %add3A_195, %mul3A_201 : i32
          %add3A_203 = arith.addi %mul3A_2, %mul3A_202 : i32
          %dma_wait3A_204 = tpu.memref_slice %arg9[%add3A_203] : memref<160000xi32, #tpu.memory_space<hbm>> -> memref<40xi32, #tpu.memory_space<hbm>>
          %dma_wait3A_205 = tpu.memref_slice %arg9[%add3A_203] : memref<160000xi32, #tpu.memory_space<hbm>> -> memref<40xi32, #tpu.memory_space<hbm>>
          tpu.wait_dma2 semaphore(%arg42 : memref<!tpu.dma_semaphore, #tpu.memory_space<semaphore_mem>>) src(%dma_wait3A_205 : memref<40xi32, #tpu.memory_space<hbm>>) dst(%arg19 : memref<40xi32, #tpu.memory_space<vmem>>)
          %add3A_206 = arith.constant 2 : i32
          %add3A_207 = arith.addi %add3A_142, %add3A_206 : i32
          %dma_start3A_208 = arith.constant 0 : i32
          %dma_start3A_209 = arith.constant 0 : i32
          %dma_start3A_210 = tpu.memref_slice %arg3[%dma_start3A_208, %dma_start3A_209] : memref<10000x128xf32, #tpu.memory_space<hbm>> -> memref<10000x128xf32, #tpu.memory_space<hbm>>
          tpu.enqueue_indirect_dma source(%dma_start3A_210 : memref<10000x128xf32, #tpu.memory_space<hbm>>) target(%arg23 : memref<40x128xf32, #tpu.memory_space<vmem>>) offsets(%arg17 : memref<40xi32, #tpu.memory_space<vmem>>) semaphore(%arg34 : memref<!tpu.dma_semaphore, #tpu.memory_space<semaphore_mem>>)
          %dma_start3A_211 = arith.constant 0 : i32
          %dma_start3A_212 = arith.constant 0 : i32
          %dma_start3A_213 = tpu.memref_slice %arg5[%dma_start3A_211, %dma_start3A_212] : memref<10000x128xf32, #tpu.memory_space<hbm>> -> memref<10000x128xf32, #tpu.memory_space<hbm>>
          tpu.enqueue_indirect_dma source(%dma_start3A_213 : memref<10000x128xf32, #tpu.memory_space<hbm>>) target(%arg25 : memref<40x128xf32, #tpu.memory_space<vmem>>) offsets(%arg19 : memref<40xi32, #tpu.memory_space<vmem>>) semaphore(%arg36 : memref<!tpu.dma_semaphore, #tpu.memory_space<semaphore_mem>>)
          %mul3A_214 = arith.constant 40 : i32
          %mul3A_215 = arith.muli %add3A_207, %mul3A_214 : i32
          %add3A_216 = arith.addi %mul3A_2, %mul3A_215 : i32
          %dma_start3A_217 = arith.constant 0 : i32
          %dma_start3A_218 = tpu.memref_slice %arg7[%add3A_216, %dma_start3A_217] : memref<160000x128xf32, #tpu.memory_space<hbm>> -> memref<40x128xf32, #tpu.memory_space<hbm>>
          %dma_start3A_219 = arith.constant 0 : i32
          %dma_start3A_220 = tpu.memref_slice %arg7[%add3A_216, %dma_start3A_219] : memref<160000x128xf32, #tpu.memory_space<hbm>> -> memref<40x128xf32, #tpu.memory_space<hbm>>
          tpu.enqueue_dma source(%dma_start3A_220 : memref<40x128xf32, #tpu.memory_space<hbm>>) target(%arg27 : memref<40x128xf32, #tpu.memory_space<vmem>>) target_semaphore(%arg38 : memref<!tpu.dma_semaphore, #tpu.memory_space<semaphore_mem>>)
        } else {
        }
      }
      %scan3A_78 = arith.constant 125 : i32
      %dma_wait3A_79 = arith.constant 0 : i32
      %dma_wait3A_80 = arith.constant 0 : i32
      %dma_wait3A_81 = tpu.memref_slice %arg31[%dma_wait3A_79, %dma_wait3A_80] : memref<10000x128xf32, #tpu.memory_space<vmem_shared>> -> memref<10000x128xf32, #tpu.memory_space<vmem_shared>>
      tpu.wait_indirect_dma semaphore(%arg39 : memref<!tpu.dma_semaphore, #tpu.memory_space<semaphore_mem>>) src(%arg28 : memref<40x128xf32, #tpu.memory_space<vmem>>) dst(%dma_wait3A_81 : memref<10000x128xf32, #tpu.memory_space<vmem_shared>>)
      %dma_wait3A_82 = arith.constant 0 : i32
      %dma_wait3A_83 = arith.constant 0 : i32
      %dma_wait3A_84 = tpu.memref_slice %arg31[%dma_wait3A_82, %dma_wait3A_83] : memref<10000x128xf32, #tpu.memory_space<vmem_shared>> -> memref<10000x128xf32, #tpu.memory_space<vmem_shared>>
      tpu.wait_indirect_dma semaphore(%arg40 : memref<!tpu.dma_semaphore, #tpu.memory_space<semaphore_mem>>) src(%arg29 : memref<40x128xf32, #tpu.memory_space<vmem>>) dst(%dma_wait3A_84 : memref<10000x128xf32, #tpu.memory_space<vmem_shared>>)
    } else {
    }
    %barrier3A_10 = arith.constant 0 : index
    tpu.barrier barrier_id(%barrier3A_10)
    %eq3A_11 = arith.constant 0 : i32
    %eq3A_12 = arith.cmpi eq, %arg0, %eq3A_11 : i32
    %convert_element_type3A_13 = arith.extui %eq3A_12 : i1 to i32
    %cond3A_14 = arith.constant 0 : i32
    %cond3A_15 = arith.cmpi ne, %convert_element_type3A_13, %cond3A_14 : i32
    scf.if %cond3A_15 {
      "tpu.region"() ({
        %run_scoped3A = tpu.sem_alloc : memref<!tpu.dma_semaphore, #tpu.memory_space<semaphore_mem>>
        %dma_start3A = arith.constant 0 : i32
        %dma_start3A_21 = tpu.memref_slice %arg13[%mul3A_0, %dma_start3A] : memref<10000x128xf32, #tpu.memory_space<hbm>> -> memref<625x128xf32, #tpu.memory_space<hbm>>
        %dma_start3A_22 = arith.constant 0 : i32
        %dma_start3A_23 = tpu.memref_slice %arg31[%mul3A_0, %dma_start3A_22] : memref<10000x128xf32, #tpu.memory_space<vmem_shared>> -> memref<625x128xf32, #tpu.memory_space<vmem_shared>>
        tpu.enqueue_dma source(%dma_start3A_23 : memref<625x128xf32, #tpu.memory_space<vmem_shared>>) target(%dma_start3A_21 : memref<625x128xf32, #tpu.memory_space<hbm>>) target_semaphore(%run_scoped3A : memref<!tpu.dma_semaphore, #tpu.memory_space<semaphore_mem>>)
        %dma_wait3A = arith.constant 0 : i32
        %dma_wait3A_24 = tpu.memref_slice %arg13[%mul3A_0, %dma_wait3A] : memref<10000x128xf32, #tpu.memory_space<hbm>> -> memref<625x128xf32, #tpu.memory_space<hbm>>
        %dma_wait3A_25 = arith.constant 0 : i32
        %dma_wait3A_26 = tpu.memref_slice %arg31[%mul3A_0, %dma_wait3A_25] : memref<10000x128xf32, #tpu.memory_space<vmem_shared>> -> memref<625x128xf32, #tpu.memory_space<vmem_shared>>
        tpu.wait_dma2 semaphore(%run_scoped3A : memref<!tpu.dma_semaphore, #tpu.memory_space<semaphore_mem>>) src(%dma_wait3A_26 : memref<625x128xf32, #tpu.memory_space<vmem_shared>>) dst(%dma_wait3A_24 : memref<625x128xf32, #tpu.memory_space<hbm>>)
        tpu.yield
      }) : () -> ()
      "tpu.region"() ({
        %run_scoped3A = tpu.sem_alloc : memref<!tpu.dma_semaphore, #tpu.memory_space<semaphore_mem>>
        %dma_start3A = arith.constant 0 : i32
        %dma_start3A_21 = tpu.memref_slice %arg15[%mul3A_0, %dma_start3A] : memref<10000x8xf32, #tpu.memory_space<hbm>> -> memref<625x8xf32, #tpu.memory_space<hbm>>
        %dma_start3A_22 = arith.constant 0 : i32
        %dma_start3A_23 = tpu.memref_slice %arg32[%mul3A_0, %dma_start3A_22] : memref<10000x8xf32, #tpu.memory_space<vmem_shared>> -> memref<625x8xf32, #tpu.memory_space<vmem_shared>>
        tpu.enqueue_dma source(%dma_start3A_23 : memref<625x8xf32, #tpu.memory_space<vmem_shared>>) target(%dma_start3A_21 : memref<625x8xf32, #tpu.memory_space<hbm>>) target_semaphore(%run_scoped3A : memref<!tpu.dma_semaphore, #tpu.memory_space<semaphore_mem>>)
        %dma_wait3A = arith.constant 0 : i32
        %dma_wait3A_24 = tpu.memref_slice %arg15[%mul3A_0, %dma_wait3A] : memref<10000x8xf32, #tpu.memory_space<hbm>> -> memref<625x8xf32, #tpu.memory_space<hbm>>
        %dma_wait3A_25 = arith.constant 0 : i32
        %dma_wait3A_26 = tpu.memref_slice %arg32[%mul3A_0, %dma_wait3A_25] : memref<10000x8xf32, #tpu.memory_space<vmem_shared>> -> memref<625x8xf32, #tpu.memory_space<vmem_shared>>
        tpu.wait_dma2 semaphore(%run_scoped3A : memref<!tpu.dma_semaphore, #tpu.memory_space<semaphore_mem>>) src(%dma_wait3A_26 : memref<625x8xf32, #tpu.memory_space<vmem_shared>>) dst(%dma_wait3A_24 : memref<625x8xf32, #tpu.memory_space<hbm>>)
        tpu.yield
      }) : () -> ()
    } else {
    }
    %eq3A_16 = arith.constant 1 : i32
    %eq3A_17 = arith.cmpi eq, %arg0, %eq3A_16 : i32
    %convert_element_type3A_18 = arith.extui %eq3A_17 : i1 to i32
    %cond3A_19 = arith.constant 0 : i32
    %cond3A_20 = arith.cmpi ne, %convert_element_type3A_18, %cond3A_19 : i32
    scf.if %cond3A_20 {
      "tpu.region"() ({
        %run_scoped3A = tpu.sem_alloc : memref<!tpu.dma_semaphore, #tpu.memory_space<semaphore_mem>>
        %dma_start3A = arith.constant 0 : i32
        %dma_start3A_21 = tpu.memref_slice %arg14[%mul3A_0, %dma_start3A] : memref<10000x128xf32, #tpu.memory_space<hbm>> -> memref<625x128xf32, #tpu.memory_space<hbm>>
        %dma_start3A_22 = arith.constant 0 : i32
        %dma_start3A_23 = tpu.memref_slice %arg31[%mul3A_0, %dma_start3A_22] : memref<10000x128xf32, #tpu.memory_space<vmem_shared>> -> memref<625x128xf32, #tpu.memory_space<vmem_shared>>
        tpu.enqueue_dma source(%dma_start3A_23 : memref<625x128xf32, #tpu.memory_space<vmem_shared>>) target(%dma_start3A_21 : memref<625x128xf32, #tpu.memory_space<hbm>>) target_semaphore(%run_scoped3A : memref<!tpu.dma_semaphore, #tpu.memory_space<semaphore_mem>>)
        %dma_wait3A = arith.constant 0 : i32
        %dma_wait3A_24 = tpu.memref_slice %arg14[%mul3A_0, %dma_wait3A] : memref<10000x128xf32, #tpu.memory_space<hbm>> -> memref<625x128xf32, #tpu.memory_space<hbm>>
        %dma_wait3A_25 = arith.constant 0 : i32
        %dma_wait3A_26 = tpu.memref_slice %arg31[%mul3A_0, %dma_wait3A_25] : memref<10000x128xf32, #tpu.memory_space<vmem_shared>> -> memref<625x128xf32, #tpu.memory_space<vmem_shared>>
        tpu.wait_dma2 semaphore(%run_scoped3A : memref<!tpu.dma_semaphore, #tpu.memory_space<semaphore_mem>>) src(%dma_wait3A_26 : memref<625x128xf32, #tpu.memory_space<vmem_shared>>) dst(%dma_wait3A_24 : memref<625x128xf32, #tpu.memory_space<hbm>>)
        tpu.yield
      }) : () -> ()
    } else {
    }
    return
  }
}

module attributes {stable_mosaic.version = 14 : i64} {
  func.func @_t1_body(%arg0: i32, %arg1: memref<1000x256xf32, #tpu.memory_space<vmem>>, %arg2: memref<256x512xf32, #tpu.memory_space<vmem>>, %arg3: memref<1000x128xf32, #tpu.memory_space<vmem>>, %arg4: memref<1000x128xf32, #tpu.memory_space<vmem>>, %arg5: memref<1000x128xf32, #tpu.memory_space<vmem>>, %arg6: memref<1000x128xf32, #tpu.memory_space<vmem>>) attributes {dimension_semantics = [#tpu.dimension_semantics<arbitrary>], iteration_bounds = array<i64: 10>, scalar_prefetch = 0 : i64, scratch_operands = 0 : i64, tpu.core_type = #tpu.core_type<tc>, window_params = [{transform_indices = @transform_0, window_bounds = array<i64: 1000, 256>}, {pipeline_mode = #tpu.pipeline_mode<synchronous>, transform_indices = @transform_1, window_bounds = array<i64: 256, 512>}, {transform_indices = @transform_2, window_bounds = array<i64: 1000, 128>}, {transform_indices = @transform_3, window_bounds = array<i64: 1000, 128>}, {transform_indices = @transform_4, window_bounds = array<i64: 1000, 128>}, {transform_indices = @transform_5, window_bounds = array<i64: 1000, 128>}]} {
    %get3A = arith.constant 0 : index
    %get3A_0 = arith.constant 0 : index
    %get3A_1 = vector.load %arg1[%get3A, %get3A_0] : memref<1000x256xf32, #tpu.memory_space<vmem>>, vector<1000x256xf32>
    %get3A_2 = arith.constant 0 : index
    %get3A_3 = arith.constant 0 : index
    %get3A_4 = vector.load %arg2[%get3A_2, %get3A_3] : memref<256x512xf32, #tpu.memory_space<vmem>>, vector<256x512xf32>
    %dot_general3A = arith.constant dense<0.000000e+00> : vector<1000x512xf32>
    %dot_general3A_5 = tpu.matmul %get3A_1, %get3A_4, %dot_general3A {dimension_numbers = #tpu.dot_dimension_numbers<[1], [0], [0], [1], [0, 0, 1, 1], [], []>, transpose_lhs_hint = false} : vector<1000x256xf32>, vector<256x512xf32>, vector<1000x512xf32> -> vector<1000x512xf32>
    %slice3A = vector.extract_strided_slice %dot_general3A_5 {offsets = [0, 0], sizes = [1000, 128], strides = [1, 1]} : vector<1000x512xf32> to vector<1000x128xf32>
    %swap3A = arith.constant 0 : index
    %swap3A_6 = arith.constant 0 : index
    %swap3A_7 = vector.load %arg3[%swap3A, %swap3A_6] : memref<1000x128xf32, #tpu.memory_space<vmem>>, vector<1000x128xf32>
    tpu.vector_store %arg3[%swap3A, %swap3A_6], %slice3A {strides = array<i32>} : memref<1000x128xf32, #tpu.memory_space<vmem>>, vector<1000x128xf32>,
    %slice3A_8 = vector.extract_strided_slice %dot_general3A_5 {offsets = [0, 128], sizes = [1000, 128], strides = [1, 1]} : vector<1000x512xf32> to vector<1000x128xf32>
    %swap3A_9 = arith.constant 0 : index
    %swap3A_10 = arith.constant 0 : index
    %swap3A_11 = vector.load %arg4[%swap3A_9, %swap3A_10] : memref<1000x128xf32, #tpu.memory_space<vmem>>, vector<1000x128xf32>
    tpu.vector_store %arg4[%swap3A_9, %swap3A_10], %slice3A_8 {strides = array<i32>} : memref<1000x128xf32, #tpu.memory_space<vmem>>, vector<1000x128xf32>,
    %slice3A_12 = vector.extract_strided_slice %dot_general3A_5 {offsets = [0, 256], sizes = [1000, 128], strides = [1, 1]} : vector<1000x512xf32> to vector<1000x128xf32>
    %swap3A_13 = arith.constant 0 : index
    %swap3A_14 = arith.constant 0 : index
    %swap3A_15 = vector.load %arg5[%swap3A_13, %swap3A_14] : memref<1000x128xf32, #tpu.memory_space<vmem>>, vector<1000x128xf32>
    tpu.vector_store %arg5[%swap3A_13, %swap3A_14], %slice3A_12 {strides = array<i32>} : memref<1000x128xf32, #tpu.memory_space<vmem>>, vector<1000x128xf32>,
    %slice3A_16 = vector.extract_strided_slice %dot_general3A_5 {offsets = [0, 384], sizes = [1000, 128], strides = [1, 1]} : vector<1000x512xf32> to vector<1000x128xf32>
    %swap3A_17 = arith.constant 0 : index
    %swap3A_18 = arith.constant 0 : index
    %swap3A_19 = vector.load %arg6[%swap3A_17, %swap3A_18] : memref<1000x128xf32, #tpu.memory_space<vmem>>, vector<1000x128xf32>
    tpu.vector_store %arg6[%swap3A_17, %swap3A_18], %slice3A_16 {strides = array<i32>} : memref<1000x128xf32, #tpu.memory_space<vmem>>, vector<1000x128xf32>,
    return
  }
  func.func @transform_0(%arg0: i32) -> (i32, i32) {
    %c0_i32 = arith.constant 0 : i32
    %c0_i32_0 = arith.constant 0 : i32
    return %arg0, %c0_i32 : i32, i32
  }
  func.func @transform_1(%arg0: i32) -> (i32, i32) {
    %c0_i32 = arith.constant 0 : i32
    %c0_i32_0 = arith.constant 0 : i32
    %c0_i32_1 = arith.constant 0 : i32
    return %c0_i32, %c0_i32_0 : i32, i32
  }
  func.func @transform_2(%arg0: i32) -> (i32, i32) {
    %c0_i32 = arith.constant 0 : i32
    %c0_i32_0 = arith.constant 0 : i32
    return %arg0, %c0_i32 : i32, i32
  }
  func.func @transform_3(%arg0: i32) -> (i32, i32) {
    %c0_i32 = arith.constant 0 : i32
    %c0_i32_0 = arith.constant 0 : i32
    return %arg0, %c0_i32 : i32, i32
  }
  func.func @transform_4(%arg0: i32) -> (i32, i32) {
    %c0_i32 = arith.constant 0 : i32
    %c0_i32_0 = arith.constant 0 : i32
    return %arg0, %c0_i32 : i32, i32
  }
  func.func @transform_5(%arg0: i32) -> (i32, i32) {
    %c0_i32 = arith.constant 0 : i32
    %c0_i32_0 = arith.constant 0 : i32
    return %arg0, %c0_i32 : i32, i32
  }
}

module attributes {stable_mosaic.version = 14 : i64} {
  func.func @_t2_body(%arg0: i32, %arg1: memref<1000x16xf32, #tpu.memory_space<vmem>>, %arg2: memref<16x256xf32, #tpu.memory_space<vmem>>, %arg3: memref<1x256xf32, #tpu.memory_space<vmem>>, %arg4: memref<1000x128xf32, #tpu.memory_space<vmem>>, %arg5: memref<1000x128xf32, #tpu.memory_space<vmem>>) attributes {dimension_semantics = [#tpu.dimension_semantics<arbitrary>], iteration_bounds = array<i64: 160>, scalar_prefetch = 0 : i64, scratch_operands = 0 : i64, tpu.core_type = #tpu.core_type<tc>, window_params = [{transform_indices = @transform_0, window_bounds = array<i64: 1000, 16>}, {pipeline_mode = #tpu.pipeline_mode<synchronous>, transform_indices = @transform_1, window_bounds = array<i64: 16, 256>}, {pipeline_mode = #tpu.pipeline_mode<synchronous>, transform_indices = @transform_2, window_bounds = array<i64: 1, 256>}, {transform_indices = @transform_3, window_bounds = array<i64: 1000, 128>}, {transform_indices = @transform_4, window_bounds = array<i64: 1000, 128>}]} {
    %get3A = arith.constant 0 : index
    %get3A_0 = arith.constant 0 : index
    %get3A_1 = vector.load %arg1[%get3A, %get3A_0] : memref<1000x16xf32, #tpu.memory_space<vmem>>, vector<1000x16xf32>
    %get3A_2 = arith.constant 0 : index
    %get3A_3 = arith.constant 0 : index
    %get3A_4 = vector.load %arg2[%get3A_2, %get3A_3] : memref<16x256xf32, #tpu.memory_space<vmem>>, vector<16x256xf32>
    %dot_general3A = arith.constant dense<0.000000e+00> : vector<1000x256xf32>
    %dot_general3A_5 = tpu.matmul %get3A_1, %get3A_4, %dot_general3A {dimension_numbers = #tpu.dot_dimension_numbers<[1], [0], [0], [1], [0, 0, 1, 1], [], []>, transpose_lhs_hint = false} : vector<1000x16xf32>, vector<16x256xf32>, vector<1000x256xf32> -> vector<1000x256xf32>
    %get3A_6 = arith.constant 0 : index
    %get3A_7 = arith.constant 0 : index
    %get3A_8 = vector.load %arg3[%get3A_6, %get3A_7] : memref<1x256xf32, #tpu.memory_space<vmem>>, vector<1x256xf32>
    %add3A = vector.broadcast %get3A_8 : vector<1x256xf32> to vector<1000x256xf32>
    %add3A_9 = arith.addf %dot_general3A_5, %add3A : vector<1000x256xf32>
    %slice3A = vector.extract_strided_slice %add3A_9 {offsets = [0, 0], sizes = [1000, 128], strides = [1, 1]} : vector<1000x256xf32> to vector<1000x128xf32>
    %swap3A = arith.constant 0 : index
    %swap3A_10 = arith.constant 0 : index
    %swap3A_11 = vector.load %arg4[%swap3A, %swap3A_10] : memref<1000x128xf32, #tpu.memory_space<vmem>>, vector<1000x128xf32>
    tpu.vector_store %arg4[%swap3A, %swap3A_10], %slice3A {strides = array<i32>} : memref<1000x128xf32, #tpu.memory_space<vmem>>, vector<1000x128xf32>,
    %slice3A_12 = vector.extract_strided_slice %add3A_9 {offsets = [0, 128], sizes = [1000, 128], strides = [1, 1]} : vector<1000x256xf32> to vector<1000x128xf32>
    %swap3A_13 = arith.constant 0 : index
    %swap3A_14 = arith.constant 0 : index
    %swap3A_15 = vector.load %arg5[%swap3A_13, %swap3A_14] : memref<1000x128xf32, #tpu.memory_space<vmem>>, vector<1000x128xf32>
    tpu.vector_store %arg5[%swap3A_13, %swap3A_14], %slice3A_12 {strides = array<i32>} : memref<1000x128xf32, #tpu.memory_space<vmem>>, vector<1000x128xf32>,
    return
  }
  func.func @transform_0(%arg0: i32) -> (i32, i32) {
    %c0_i32 = arith.constant 0 : i32
    %c0_i32_0 = arith.constant 0 : i32
    return %arg0, %c0_i32 : i32, i32
  }
  func.func @transform_1(%arg0: i32) -> (i32, i32) {
    %c0_i32 = arith.constant 0 : i32
    %c0_i32_0 = arith.constant 0 : i32
    %c0_i32_1 = arith.constant 0 : i32
    return %c0_i32, %c0_i32_0 : i32, i32
  }
  func.func @transform_2(%arg0: i32) -> (i32, i32) {
    %c0_i32 = arith.constant 0 : i32
    %c0_i32_0 = arith.constant 0 : i32
    %c0_i32_1 = arith.constant 0 : i32
    return %c0_i32, %c0_i32_0 : i32, i32
  }
  func.func @transform_3(%arg0: i32) -> (i32, i32) {
    %c0_i32 = arith.constant 0 : i32
    %c0_i32_0 = arith.constant 0 : i32
    return %arg0, %c0_i32 : i32, i32
  }
  func.func @transform_4(%arg0: i32) -> (i32, i32) {
    %c0_i32 = arith.constant 0 : i32
    %c0_i32_0 = arith.constant 0 : i32
    return %arg0, %c0_i32 : i32, i32
  }
}

module attributes {stable_mosaic.version = 14 : i64} {
  func.func @_t3a_body(%arg0: i32, %arg1: memref<1000x256xf32, #tpu.memory_space<vmem>>, %arg2: memref<1000x256xf32, #tpu.memory_space<vmem>>, %arg3: memref<256x256xf32, #tpu.memory_space<vmem>>, %arg4: memref<256x256xf32, #tpu.memory_space<vmem>>, %arg5: memref<1x256xf32, #tpu.memory_space<vmem>>, %arg6: memref<1000x256xf32, #tpu.memory_space<vmem>>) attributes {dimension_semantics = [#tpu.dimension_semantics<arbitrary>], iteration_bounds = array<i64: 10>, scalar_prefetch = 0 : i64, scratch_operands = 0 : i64, tpu.core_type = #tpu.core_type<tc>, window_params = [{transform_indices = @transform_0, window_bounds = array<i64: 1000, 256>}, {transform_indices = @transform_1, window_bounds = array<i64: 1000, 256>}, {pipeline_mode = #tpu.pipeline_mode<synchronous>, transform_indices = @transform_2, window_bounds = array<i64: 256, 256>}, {pipeline_mode = #tpu.pipeline_mode<synchronous>, transform_indices = @transform_3, window_bounds = array<i64: 256, 256>}, {pipeline_mode = #tpu.pipeline_mode<synchronous>, transform_indices = @transform_4, window_bounds = array<i64: 1, 256>}, {transform_indices = @transform_5, window_bounds = array<i64: 1000, 256>}]} {
    %get3A = arith.constant 0 : index
    %get3A_0 = arith.constant 0 : index
    %get3A_1 = vector.load %arg1[%get3A, %get3A_0] : memref<1000x256xf32, #tpu.memory_space<vmem>>, vector<1000x256xf32>
    %get3A_2 = arith.constant 0 : index
    %get3A_3 = arith.constant 0 : index
    %get3A_4 = vector.load %arg3[%get3A_2, %get3A_3] : memref<256x256xf32, #tpu.memory_space<vmem>>, vector<256x256xf32>
    %dot_general3A = arith.constant dense<0.000000e+00> : vector<1000x256xf32>
    %dot_general3A_5 = tpu.matmul %get3A_1, %get3A_4, %dot_general3A {dimension_numbers = #tpu.dot_dimension_numbers<[1], [0], [0], [1], [0, 0, 1, 1], [], []>, transpose_lhs_hint = false} : vector<1000x256xf32>, vector<256x256xf32>, vector<1000x256xf32> -> vector<1000x256xf32>
    %get3A_6 = arith.constant 0 : index
    %get3A_7 = arith.constant 0 : index
    %get3A_8 = vector.load %arg2[%get3A_6, %get3A_7] : memref<1000x256xf32, #tpu.memory_space<vmem>>, vector<1000x256xf32>
    %get3A_9 = arith.constant 0 : index
    %get3A_10 = arith.constant 0 : index
    %get3A_11 = vector.load %arg4[%get3A_9, %get3A_10] : memref<256x256xf32, #tpu.memory_space<vmem>>, vector<256x256xf32>
    %dot_general3A_12 = arith.constant dense<0.000000e+00> : vector<1000x256xf32>
    %dot_general3A_13 = tpu.matmul %get3A_8, %get3A_11, %dot_general3A_12 {dimension_numbers = #tpu.dot_dimension_numbers<[1], [0], [0], [1], [0, 0, 1, 1], [], []>, transpose_lhs_hint = false} : vector<1000x256xf32>, vector<256x256xf32>, vector<1000x256xf32> -> vector<1000x256xf32>
    %add3A = arith.addf %dot_general3A_5, %dot_general3A_13 : vector<1000x256xf32>
    %get3A_14 = arith.constant 0 : index
    %get3A_15 = arith.constant 0 : index
    %get3A_16 = vector.load %arg5[%get3A_14, %get3A_15] : memref<1x256xf32, #tpu.memory_space<vmem>>, vector<1x256xf32>
    %add3A_17 = vector.broadcast %get3A_16 : vector<1x256xf32> to vector<1000x256xf32>
    %add3A_18 = arith.addf %add3A, %add3A_17 : vector<1000x256xf32>
    %swap3A = arith.constant 0 : index
    %swap3A_19 = arith.constant 0 : index
    %swap3A_20 = vector.load %arg6[%swap3A, %swap3A_19] : memref<1000x256xf32, #tpu.memory_space<vmem>>, vector<1000x256xf32>
    tpu.vector_store %arg6[%swap3A, %swap3A_19], %add3A_18 {strides = array<i32>} : memref<1000x256xf32, #tpu.memory_space<vmem>>, vector<1000x256xf32>,
    return
  }
  func.func @transform_0(%arg0: i32) -> (i32, i32) {
    %c0_i32 = arith.constant 0 : i32
    %c0_i32_0 = arith.constant 0 : i32
    return %arg0, %c0_i32 : i32, i32
  }
  func.func @transform_1(%arg0: i32) -> (i32, i32) {
    %c0_i32 = arith.constant 0 : i32
    %c0_i32_0 = arith.constant 0 : i32
    return %arg0, %c0_i32 : i32, i32
  }
  func.func @transform_2(%arg0: i32) -> (i32, i32) {
    %c0_i32 = arith.constant 0 : i32
    %c0_i32_0 = arith.constant 0 : i32
    %c0_i32_1 = arith.constant 0 : i32
    return %c0_i32, %c0_i32_0 : i32, i32
  }
  func.func @transform_3(%arg0: i32) -> (i32, i32) {
    %c0_i32 = arith.constant 0 : i32
    %c0_i32_0 = arith.constant 0 : i32
    %c0_i32_1 = arith.constant 0 : i32
    return %c0_i32, %c0_i32_0 : i32, i32
  }
  func.func @transform_4(%arg0: i32) -> (i32, i32) {
    %c0_i32 = arith.constant 0 : i32
    %c0_i32_0 = arith.constant 0 : i32
    %c0_i32_1 = arith.constant 0 : i32
    return %c0_i32, %c0_i32_0 : i32, i32
  }
  func.func @transform_5(%arg0: i32) -> (i32, i32) {
    %c0_i32 = arith.constant 0 : i32
    %c0_i32_0 = arith.constant 0 : i32
    return %arg0, %c0_i32 : i32, i32
  }
}

module attributes {stable_mosaic.version = 14 : i64} {
  func.func @_t3b_body(%arg0: i32, %arg1: memref<1000x128xf32, #tpu.memory_space<vmem>>, %arg2: memref<1000x128xf32, #tpu.memory_space<vmem>>, %arg3: memref<1000x8xf32, #tpu.memory_space<vmem>>, %arg4: memref<1000x256xf32, #tpu.memory_space<vmem>>, %arg5: memref<1000x256xf32, #tpu.memory_space<vmem>>, %arg6: memref<256x256xf32, #tpu.memory_space<vmem>>, %arg7: memref<1x256xf32, #tpu.memory_space<vmem>>, %arg8: memref<256x256xf32, #tpu.memory_space<vmem>>, %arg9: memref<256x256xf32, #tpu.memory_space<vmem>>, %arg10: memref<1x256xf32, #tpu.memory_space<vmem>>, %arg11: memref<1x256xf32, #tpu.memory_space<vmem>>, %arg12: memref<1x256xf32, #tpu.memory_space<vmem>>, %arg13: memref<1000x256xf32, #tpu.memory_space<vmem>>) attributes {dimension_semantics = [#tpu.dimension_semantics<arbitrary>], iteration_bounds = array<i64: 10>, scalar_prefetch = 0 : i64, scratch_operands = 0 : i64, tpu.core_type = #tpu.core_type<tc>, window_params = [{transform_indices = @transform_0, window_bounds = array<i64: 1000, 128>}, {transform_indices = @transform_1, window_bounds = array<i64: 1000, 128>}, {transform_indices = @transform_2, window_bounds = array<i64: 1000, 8>}, {transform_indices = @transform_3, window_bounds = array<i64: 1000, 256>}, {transform_indices = @transform_4, window_bounds = array<i64: 1000, 256>}, {pipeline_mode = #tpu.pipeline_mode<synchronous>, transform_indices = @transform_5, window_bounds = array<i64: 256, 256>}, {pipeline_mode = #tpu.pipeline_mode<synchronous>, transform_indices = @transform_6, window_bounds = array<i64: 1, 256>}, {pipeline_mode = #tpu.pipeline_mode<synchronous>, transform_indices = @transform_7, window_bounds = array<i64: 256, 256>}, {pipeline_mode = #tpu.pipeline_mode<synchronous>, transform_indices = @transform_8, window_bounds = array<i64: 256, 256>}, {pipeline_mode = #tpu.pipeline_mode<synchronous>, transform_indices = @transform_9, window_bounds = array<i64: 1, 256>}, {pipeline_mode = #tpu.pipeline_mode<synchronous>, transform_indices = @transform_10, window_bounds = array<i64: 1, 256>}, {pipeline_mode = #tpu.pipeline_mode<synchronous>, transform_indices = @transform_11, window_bounds = array<i64: 1, 256>}, {transform_indices = @transform_12, window_bounds = array<i64: 1000, 256>}]} {
    %get3A = arith.constant 0 : index
    %get3A_0 = arith.constant 0 : index
    %get3A_1 = vector.load %arg1[%get3A, %get3A_0] : memref<1000x128xf32, #tpu.memory_space<vmem>>, vector<1000x128xf32>
    %get3A_2 = arith.constant 0 : index
    %get3A_3 = arith.constant 0 : index
    %get3A_4 = vector.load %arg2[%get3A_2, %get3A_3] : memref<1000x128xf32, #tpu.memory_space<vmem>>, vector<1000x128xf32>
    %concatenate3A = tpu.concatenate %get3A_1, %get3A_4 in 1 : vector<1000x128xf32>, vector<1000x128xf32> -> vector<1000x256xf32>
    %get3A_5 = arith.constant 0 : index
    %get3A_6 = arith.constant 0 : index
    %get3A_7 = vector.load %arg3[%get3A_5, %get3A_6] : memref<1000x8xf32, #tpu.memory_space<vmem>>, vector<1000x8xf32>
    %slice3A = vector.extract_strided_slice %get3A_7 {offsets = [0, 0], sizes = [1000, 1], strides = [1, 1]} : vector<1000x8xf32> to vector<1000x1xf32>
    %get3A_8 = arith.constant 0 : index
    %get3A_9 = arith.constant 0 : index
    %get3A_10 = vector.load %arg6[%get3A_8, %get3A_9] : memref<256x256xf32, #tpu.memory_space<vmem>>, vector<256x256xf32>
    %dot_general3A = arith.constant dense<0.000000e+00> : vector<1000x256xf32>
    %dot_general3A_11 = tpu.matmul %concatenate3A, %get3A_10, %dot_general3A {dimension_numbers = #tpu.dot_dimension_numbers<[1], [0], [0], [1], [0, 0, 1, 1], [], []>, transpose_lhs_hint = false} : vector<1000x256xf32>, vector<256x256xf32>, vector<1000x256xf32> -> vector<1000x256xf32>
    %get3A_12 = arith.constant 0 : index
    %get3A_13 = arith.constant 0 : index
    %get3A_14 = vector.load %arg7[%get3A_12, %get3A_13] : memref<1x256xf32, #tpu.memory_space<vmem>>, vector<1x256xf32>
    %mul3A = vector.broadcast %slice3A : vector<1000x1xf32> to vector<1000x256xf32>
    %mul3A_15 = vector.broadcast %get3A_14 : vector<1x256xf32> to vector<1000x256xf32>
    %mul3A_16 = arith.mulf %mul3A, %mul3A_15 : vector<1000x256xf32>
    %add3A = arith.addf %dot_general3A_11, %mul3A_16 : vector<1000x256xf32>
    %get3A_17 = arith.constant 0 : index
    %get3A_18 = arith.constant 0 : index
    %get3A_19 = vector.load %arg4[%get3A_17, %get3A_18] : memref<1000x256xf32, #tpu.memory_space<vmem>>, vector<1000x256xf32>
    %get3A_20 = arith.constant 0 : index
    %get3A_21 = arith.constant 0 : index
    %get3A_22 = vector.load %arg8[%get3A_20, %get3A_21] : memref<256x256xf32, #tpu.memory_space<vmem>>, vector<256x256xf32>
    %dot_general3A_23 = arith.constant dense<0.000000e+00> : vector<1000x256xf32>
    %dot_general3A_24 = tpu.matmul %add3A, %get3A_22, %dot_general3A_23 {dimension_numbers = #tpu.dot_dimension_numbers<[1], [0], [0], [1], [0, 0, 1, 1], [], []>, transpose_lhs_hint = false} : vector<1000x256xf32>, vector<256x256xf32>, vector<1000x256xf32> -> vector<1000x256xf32>
    %add3A_25 = arith.addf %get3A_19, %dot_general3A_24 : vector<1000x256xf32>
    %max3A = arith.constant 0.000000e+00 : f32
    %max3A_26 = vector.broadcast %max3A : f32 to vector<1000x256xf32>
    %max3A_27 = arith.maximumf %add3A_25, %max3A_26 : vector<1000x256xf32>
    %get3A_28 = arith.constant 0 : index
    %get3A_29 = arith.constant 0 : index
    %get3A_30 = vector.load %arg9[%get3A_28, %get3A_29] : memref<256x256xf32, #tpu.memory_space<vmem>>, vector<256x256xf32>
    %dot_general3A_31 = arith.constant dense<0.000000e+00> : vector<1000x256xf32>
    %dot_general3A_32 = tpu.matmul %max3A_27, %get3A_30, %dot_general3A_31 {dimension_numbers = #tpu.dot_dimension_numbers<[1], [0], [0], [1], [0, 0, 1, 1], [], []>, transpose_lhs_hint = false} : vector<1000x256xf32>, vector<256x256xf32>, vector<1000x256xf32> -> vector<1000x256xf32>
    %get3A_33 = arith.constant 0 : index
    %get3A_34 = arith.constant 0 : index
    %get3A_35 = vector.load %arg10[%get3A_33, %get3A_34] : memref<1x256xf32, #tpu.memory_space<vmem>>, vector<1x256xf32>
    %add3A_36 = vector.broadcast %get3A_35 : vector<1x256xf32> to vector<1000x256xf32>
    %add3A_37 = arith.addf %dot_general3A_32, %add3A_36 : vector<1000x256xf32>
    %get3A_38 = arith.constant 0 : index
    %get3A_39 = arith.constant 0 : index
    %get3A_40 = vector.load %arg5[%get3A_38, %get3A_39] : memref<1000x256xf32, #tpu.memory_space<vmem>>, vector<1000x256xf32>
    %add3A_41 = arith.addf %get3A_40, %add3A_37 : vector<1000x256xf32>
    %reduce_sum3A = arith.constant dense<0.000000e+00> : vector<1000xf32>
    %reduce_sum3A_42 = vector.multi_reduction <add>, %add3A_41, %reduce_sum3A [1] : vector<1000x256xf32> to vector<1000xf32>
    %broadcast_in_dim3A = vector.shape_cast %reduce_sum3A_42 : vector<1000xf32> to vector<1000x1xf32>
    %div3A = arith.constant 2.560000e+02 : f32
    %div3A_43 = vector.broadcast %div3A : f32 to vector<1000x1xf32>
    %div3A_44 = arith.divf %broadcast_in_dim3A, %div3A_43 : vector<1000x1xf32>
    %sub3A = vector.broadcast %div3A_44 : vector<1000x1xf32> to vector<1000x256xf32>
    %sub3A_45 = arith.subf %add3A_41, %sub3A : vector<1000x256xf32>
    %integer_pow3A = arith.mulf %sub3A_45, %sub3A_45 : vector<1000x256xf32>
    %reduce_sum3A_46 = arith.constant dense<0.000000e+00> : vector<1000xf32>
    %reduce_sum3A_47 = vector.multi_reduction <add>, %integer_pow3A, %reduce_sum3A_46 [1] : vector<1000x256xf32> to vector<1000xf32>
    %broadcast_in_dim3A_48 = vector.shape_cast %reduce_sum3A_47 : vector<1000xf32> to vector<1000x1xf32>
    %div3A_49 = arith.constant 2.560000e+02 : f32
    %div3A_50 = vector.broadcast %div3A_49 : f32 to vector<1000x1xf32>
    %div3A_51 = arith.divf %broadcast_in_dim3A_48, %div3A_50 : vector<1000x1xf32>
    %sub3A_52 = vector.broadcast %div3A_44 : vector<1000x1xf32> to vector<1000x256xf32>
    %sub3A_53 = arith.subf %add3A_41, %sub3A_52 : vector<1000x256xf32>
    %add3A_54 = arith.constant 9.99999974E-6 : f32
    %add3A_55 = vector.broadcast %add3A_54 : f32 to vector<1000x1xf32>
    %add3A_56 = arith.addf %div3A_51, %add3A_55 : vector<1000x1xf32>
    %rsqrt3A = math.rsqrt %add3A_56 : vector<1000x1xf32>
    %mul3A_57 = vector.broadcast %rsqrt3A : vector<1000x1xf32> to vector<1000x256xf32>
    %mul3A_58 = arith.mulf %sub3A_53, %mul3A_57 : vector<1000x256xf32>
    %get3A_59 = arith.constant 0 : index
    %get3A_60 = arith.constant 0 : index
    %get3A_61 = vector.load %arg11[%get3A_59, %get3A_60] : memref<1x256xf32, #tpu.memory_space<vmem>>, vector<1x256xf32>
    %mul3A_62 = vector.broadcast %get3A_61 : vector<1x256xf32> to vector<1000x256xf32>
    %mul3A_63 = arith.mulf %mul3A_58, %mul3A_62 : vector<1000x256xf32>
    %get3A_64 = arith.constant 0 : index
    %get3A_65 = arith.constant 0 : index
    %get3A_66 = vector.load %arg12[%get3A_64, %get3A_65] : memref<1x256xf32, #tpu.memory_space<vmem>>, vector<1x256xf32>
    %add3A_67 = vector.broadcast %get3A_66 : vector<1x256xf32> to vector<1000x256xf32>
    %add3A_68 = arith.addf %mul3A_63, %add3A_67 : vector<1000x256xf32>
    %swap3A = arith.constant 0 : index
    %swap3A_69 = arith.constant 0 : index
    %swap3A_70 = vector.load %arg13[%swap3A, %swap3A_69] : memref<1000x256xf32, #tpu.memory_space<vmem>>, vector<1000x256xf32>
    tpu.vector_store %arg13[%swap3A, %swap3A_69], %add3A_68 {strides = array<i32>} : memref<1000x256xf32, #tpu.memory_space<vmem>>, vector<1000x256xf32>,
    return
  }
  func.func @transform_0(%arg0: i32) -> (i32, i32) {
    %c0_i32 = arith.constant 0 : i32
    %c0_i32_0 = arith.constant 0 : i32
    return %arg0, %c0_i32 : i32, i32
  }
  func.func @transform_1(%arg0: i32) -> (i32, i32) {
    %c0_i32 = arith.constant 0 : i32
    %c0_i32_0 = arith.constant 0 : i32
    return %arg0, %c0_i32 : i32, i32
  }
  func.func @transform_2(%arg0: i32) -> (i32, i32) {
    %c0_i32 = arith.constant 0 : i32
    %c0_i32_0 = arith.constant 0 : i32
    return %arg0, %c0_i32 : i32, i32
  }
  func.func @transform_3(%arg0: i32) -> (i32, i32) {
    %c0_i32 = arith.constant 0 : i32
    %c0_i32_0 = arith.constant 0 : i32
    return %arg0, %c0_i32 : i32, i32
  }
  func.func @transform_4(%arg0: i32) -> (i32, i32) {
    %c0_i32 = arith.constant 0 : i32
    %c0_i32_0 = arith.constant 0 : i32
    return %arg0, %c0_i32 : i32, i32
  }
  func.func @transform_5(%arg0: i32) -> (i32, i32) {
    %c0_i32 = arith.constant 0 : i32
    %c0_i32_0 = arith.constant 0 : i32
    %c0_i32_1 = arith.constant 0 : i32
    return %c0_i32, %c0_i32_0 : i32, i32
  }
  func.func @transform_6(%arg0: i32) -> (i32, i32) {
    %c0_i32 = arith.constant 0 : i32
    %c0_i32_0 = arith.constant 0 : i32
    %c0_i32_1 = arith.constant 0 : i32
    return %c0_i32, %c0_i32_0 : i32, i32
  }
  func.func @transform_7(%arg0: i32) -> (i32, i32) {
    %c0_i32 = arith.constant 0 : i32
    %c0_i32_0 = arith.constant 0 : i32
    %c0_i32_1 = arith.constant 0 : i32
    return %c0_i32, %c0_i32_0 : i32, i32
  }
  func.func @transform_8(%arg0: i32) -> (i32, i32) {
    %c0_i32 = arith.constant 0 : i32
    %c0_i32_0 = arith.constant 0 : i32
    %c0_i32_1 = arith.constant 0 : i32
    return %c0_i32, %c0_i32_0 : i32, i32
  }
  func.func @transform_9(%arg0: i32) -> (i32, i32) {
    %c0_i32 = arith.constant 0 : i32
    %c0_i32_0 = arith.constant 0 : i32
    %c0_i32_1 = arith.constant 0 : i32
    return %c0_i32, %c0_i32_0 : i32, i32
  }
  func.func @transform_10(%arg0: i32) -> (i32, i32) {
    %c0_i32 = arith.constant 0 : i32
    %c0_i32_0 = arith.constant 0 : i32
    %c0_i32_1 = arith.constant 0 : i32
    return %c0_i32, %c0_i32_0 : i32, i32
  }
  func.func @transform_11(%arg0: i32) -> (i32, i32) {
    %c0_i32 = arith.constant 0 : i32
    %c0_i32_0 = arith.constant 0 : i32
    %c0_i32_1 = arith.constant 0 : i32
    return %c0_i32, %c0_i32_0 : i32, i32
  }
  func.func @transform_12(%arg0: i32) -> (i32, i32) {
    %c0_i32 = arith.constant 0 : i32
    %c0_i32_0 = arith.constant 0 : i32
    return %arg0, %c0_i32 : i32, i32
  }
}

</mosaic_0001>

<sc_bundles>
// kernel: kernel.7.cloned.1.call-start
scs
__scs_entry_jumppad:
0x0: {  	(pc) =	sbr.rel $0x88, $3  }
0x1: {  	(tag) =	ssettag $0x0;
	lr =	simm.s32 $0x1  }
0x2: {  	[smem:$0x3F93] =	sst lr;
	_ =	strace $0xD0000000  }
0x3: {  	_ = 	snop  }
0x4: {  	_ = 	snop  }
0x5: {  	_ = 	snop  }
0x6: {  	_ = 	snop  }
0x7: {  	_ = 	snop  }
__scs_overlays_trampoline_lowered:
0x8: {  	[smem:$0x3FA2] =	sst s0  }
0x9: {  	[smem:$0x3FA3] =	sst s1  }
0xa: {  	[smem:$0x3FA4] =	sst s2  }
0xb: {  	[smem:$0x3FA5] =	sst s3  }
0xc: {  	[smem:$0x3FA6] =	sst s4  }
0xd: {  	[smem:$0x3FA7] =	sst s5  }
0xe: {  	[smem:$0x3FA8] =	sst s6  }
0xf: {  	[smem:$0x3FA9] =	sst s7  }
0x10: {  	[smem:$0x3FAA] =	sst s8  }
0x11: {  	[smem:$0x3FAB] =	sst s9;
	s0 =	simm.s32 @!p0 $0x0  }
0x12: {  	s1 =	sld [smem:$0x3F91];
	s0 =	simm.s32 @p0 $0x1  }
0x13: {  	[smem:$0x3FAC] =	sst s0;
	s0 =	simm.s32 @!p1 $0x0  }
0x14: {  	s2 =	sld [smem:$0x3F90];
	s0 =	simm.s32 @p1 $0x1  }
0x15: {  	[smem:$0x3FAD] =	sst s0;
	s0 =	simm.s32 @!p2 $0x0  }
0x16: {  	s3 =	sld [smem:$0x3FDB];
	s0 =	simm.s32 @p2 $0x1  }
0x17: {  	s4 =	simm.s32 $0x1BF5;
	[smem:$0x3FAF] =	sst s0  }
0x18: {  	s0 =	sld [smem:$0x3F92];
	_ =	swait.ge [sflag:s4], $0x0  }
0x19: {  	s7 =	sld [smem:$0x3F93]  }
0x1a: {  	s8 =	sadd.s32 $0xFFFFE003, lr  }
0x1b: {  	s9 =	sadd.s32 $0xFFFFFEF7, lr;
	s5 =	simm.s32 $0xFFFFFFFF;
	p2 =	slt.u32 s8, $0xFFFFF086  }
0x1c: {  	p1 =	slt.u32 s9, $0xF7A;
	s5 =	simm.s32 @!p2 $0x0  }
0x1d: {  	s5 =	simm.s32 @p1 $0x1;
	p0 =	seq.s32 s7, s2  }
0x1e: {  	s7 =	smul.u32 @!p0 $0xF7A, s2;
	p2 =	seq.s32 @!p0 s5, $0x0  }
0x1f: {  	s9 =	smul.u32 $0xF7A, s1;
	s8 =	simm.s32 @!p0 $0x1BF5;
	p2 =	por !p2, p0  }
0x20: {  	[sflag:s8] =	ssyncset.s32 @!p0 $0xFFFFF086;
	s6 =	sadd.s32 @!p0 s3, s7;
	s7 =	simm.s32 @!p0 $0x108  }
0x21: {  	s3 =	sadd.s32 s3, s9;
	s6 =	sadd.s32 @!p0 $0x88, s6;
	s7 =	simm.s32 @p2 $0x1082  }
0x22: {  	[simem:s7], [sflag:s8] =	dma.local @!p0 [hbm:s6], $0xF7A  }
0x23: {  	s9 =	sor.u32 $0xD0000000, s2;
	s6 =	simm.s32 $0x108;
	_ =	swait.ge @!p0 [sflag:s8], $0x0  }
0x24: {  	s3 =	sadd.s32 $0x88, s3;
	s6 =	simm.s32 @!p1 $0x1082;
	[sflag:s4] =	ssyncset.s32 $0xFFFFF086  }
0x25: {  	[simem:s6], [sflag:s4] =	dma.local [hbm:s3], $0xF7A  }
0x26: {  	[smem:$0x3F93] =	sst s1;
	(tag) =	ssettag s2;
	_ =	strace s9  }
0x27: {  	s1 =	sld [smem:$0x3FA3]  }
0x28: {  	s2 =	sld [smem:$0x3FA4]  }
0x29: {  	s4 =	sld [smem:$0x3FA6]  }
0x2a: {  	p0 =	seq.s32 s5, $0x0;
	s5 =	sld [smem:$0x3FA7]  }
0x2b: {  	s6 =	sld [smem:$0x3FA8]  }
0x2c: {  	s7 =	sld [smem:$0x3FA9]  }
0x2d: {  	s3 =	simm.s32 $0x108;
	s8 =	sld [smem:$0x3FAA]  }
0x2e: {  	s3 =	simm.s32 @!p0 $0x1082;
	s9 =	sld [smem:$0x3FAB]  }
0x2f: {  	lr =	sadd.s32 s0, s3;
	s0 =	sld [smem:$0x3FA2]  }
0x30: {  	s3 =	sld [smem:$0x3FA5]  }
0x31: {  	[smem:$0x3FAE] =	sst s10  }
0x32: {  	s10 =	sld [smem:$0x3FAC];
	_ =	sdelay $0x3  }
0x33: {  	p0 =	seq.s32 s10, $0x1;
	s10 =	sld [smem:$0x3FAE];
	_ =	sdelay $0x3  }
0x34: {  	[smem:$0x3FAE] =	sst s10  }
0x35: {  	s10 =	sld [smem:$0x3FAD];
	_ =	sdelay $0x3  }
0x36: {  	p1 =	seq.s32 s10, $0x1;
	s10 =	sld [smem:$0x3FAE];
	_ =	sdelay $0x3  }
0x37: {  	[smem:$0x3FAE] =	sst s10  }
0x38: {  	s10 =	sld [smem:$0x3FAF]  }
0x39: {  	_ = 	snop;
	(pc) =	sbr.ind lr, $3  }
0x3a: {  	_ = 	snop  }
0x3b: {  	_ = 	snop  }
0x3c: {  	p2 =	seq.s32 s10, $0x1;
	s10 =	sld [smem:$0x3FAE]  }
0x3d: {  	_ =	shalt  }
0x3e: {  	_ =	shalt  }
0x3f: {  	_ =	shalt  }
0x40: {  	_ =	shalt  }
0x41: {  	_ =	shalt  }
0x42: {  	_ =	shalt  }
0x43: {  	_ =	shalt  }
0x44: {  	_ =	shalt  }
0x45: {  	_ =	shalt  }
0x46: {  	_ =	shalt  }
0x47: {  	_ =	shalt  }
0x48: {  	_ =	shalt  }
0x49: {  	_ =	shalt  }
0x4a: {  	_ =	shalt  }
0x4b: {  	_ =	shalt  }
0x4c: {  	_ =	shalt  }
0x4d: {  	_ =	shalt  }
0x4e: {  	_ =	shalt  }
0x4f: {  	_ =	shalt  }
0x50: {  	_ =	shalt  }
0x51: {  	_ =	shalt  }
0x52: {  	_ =	shalt  }
0x53: {  	_ =	shalt  }
0x54: {  	_ =	shalt  }
0x55: {  	_ =	shalt  }
0x56: {  	_ =	shalt  }
0x57: {  	_ =	shalt  }
0x58: {  	_ =	shalt  }
0x59: {  	_ =	shalt  }
0x5a: {  	_ =	shalt  }
0x5b: {  	_ =	shalt  }
0x5c: {  	_ =	shalt  }
0x5d: {  	_ =	shalt  }
0x5e: {  	_ =	shalt  }
0x5f: {  	_ =	shalt  }
0x60: {  	_ =	shalt  }
0x61: {  	_ =	shalt  }
0x62: {  	_ =	shalt  }
0x63: {  	_ =	shalt  }
0x64: {  	_ =	shalt  }
0x65: {  	_ =	shalt  }
0x66: {  	_ =	shalt  }
0x67: {  	_ =	shalt  }
0x68: {  	_ =	shalt  }
0x69: {  	_ =	shalt  }
0x6a: {  	_ =	shalt  }
0x6b: {  	_ =	shalt  }
0x6c: {  	_ =	shalt  }
0x6d: {  	_ =	shalt  }
0x6e: {  	_ =	shalt  }
0x6f: {  	_ =	shalt  }
0x70: {  	_ =	shalt  }
0x71: {  	_ =	shalt  }
0x72: {  	_ =	shalt  }
0x73: {  	_ =	shalt  }
0x74: {  	_ =	shalt  }
0x75: {  	_ =	shalt  }
0x76: {  	_ =	shalt  }
0x77: {  	_ =	shalt  }
0x78: {  	_ =	shalt  }
0x79: {  	_ =	shalt  }
0x7a: {  	_ =	shalt  }
0x7b: {  	_ =	shalt  }
0x7c: {  	_ =	shalt  }
0x7d: {  	_ =	shalt  }
0x7e: {  	_ =	shalt  }
0x7f: {  	_ =	shalt  }
0x80: {  	_ =	shalt  }
0x81: {  	_ =	shalt  }
0x82: {  	_ =	shalt  }
0x83: {  	_ =	shalt  }
0x84: {  	_ =	shalt  }
0x85: {  	_ =	shalt  }
0x86: {  	_ =	shalt  }
0x87: {  	_ =	shalt  }
.Lfunc_end0:
.L_simem_size_0:
called_computation_lowered:
.L_overlay_start_0:
0x88: {  	s2 =	sld [smem:$0x3FD9]  }
0x89: {  	s3 =	sld [smem:$0x3FFE];
	_ =	sdelay $0x1  }
0x8a: {  	s1 =	srdreg.scid  }
0x8b: {  	s0 =	sand.u32 $0x1, s1  }
0x8c: {  	s17 =	sshll.u32 s0, $0xA;
	s2 =	sadd.s32 s3, s2  }
0x8d: {  	s2 =	sadd.s32 s2, s17  }
0x8e: {  	[smem:$0x3FBA] =	sst s2  }
0x8f: {  	_ = 	snop  }
0x90: {  	s2 =	sld [smem:$0x3FD0];
	(tm) =	ssettm $0x1  }
0x91: {  	s18 =	sld [smem:$0x3FFB];
	_ =	sdelay $0x3  }
0x92: {  	_ =	strace s18  }
0x93: {  	s3 =	sld [smem:$0x3FFC];
	_ =	sdelay $0x3  }
0x94: {  	_ =	strace s3  }
0x95: {  	s3 =	sld [smem:$0x3FFD];
	_ =	sdelay $0x3  }
0x96: {  	_ =	strace s3  }
0x97: {  	_ =	strace $0x8FFFFFFF  }
0x98: {  	s19 =	sld [smem:$0x3FDB];
	_ =	sdelay $0x1  }
0x99: {  	s4 =	simm.s32 $_scs_section_size  }
0x9a: {  	s5 =	simm.s32 $_size__tile_overlayer_lowered;
	s6 =	simm.s32 $_tile_overlayer_lowered  }
0x9b: {  	s22 =	simm.s32 $0x1BFF;
	s21 =	sshll.u32 s6, $0x1;
	s3 =	sadd.s32 s4, s19  }
0x9c: {  	s7 =	simm.s32 $0x0;
	s20 =	sshll.u32 s5, $0x1;
	s5 =	sadd.s32 s21, s3  }
0x9d: {  	[timem:s7], [sflag:s22] =	dma.local [hbm:s5], s20  }
0x9e: {  	_ =	swait.ge [sflag:s22], s20  }
0x9f: {  	s4 =	ssub.s32 $0x0, s20;
	[sflag:s22] =	ssyncset.done $0x0  }
0xa0: {  	[sflag:s22] =	ssyncadd.s32 s4;
	_ =	sdelay $0x1  }
0xa1: {  	s23 =	simm.s32 $0x1B8B  }
0xa2: {  	_ =	swait.ge [sflag:s23], $0x1  }
0xa3: {  	[sflag:s23] =	ssyncset.done $0x0  }
0xa4: {  	s25 =	simm.s32 $0x1B8E;
	s24 =	sld [smem:$0x3FFE];
	[sflag:s23] =	ssyncadd.s32 $0xFFFFFFFF  }
0xa5: {  	s26 =	simm.s32 $execute0_lowered;
	[smem:$0x3FD2] =	sst s25  }
0xa6: {  	s5 =	sshll.u32 s26, $0x1;
	_ =	strace $0x80000046;
	[dreg:$0x1] =	wrdreg $0xFFFFFFFF  }
0xa7: {  	s28 =	simm.s32 $_size_execute0_lowered;
	s3 =	sadd.s32 s3, s5;
	[dreg:$0x0] =	wrdreg $0x0  }
0xa8: {  	s5 =	sshll.u32 s28, $0x1;
	[dreg:$0x2] =	wrdreg s3  }
0xa9: {  	[dreg:$0x3] =	wrdreg s5  }
0xaa: {  	[dreg:$0x4] =	wrdreg $0xC0  }
0xab: {  	_ =	task [dreg:s7], $0x5FFFF  }
0xac: {  	[dreg:$0x1] =	wrdreg $0xFFFFFFFF  }
0xad: {  	[dreg:$0x0] =	wrdreg $0x60  }
0xae: {  	[dreg:$0x2] =	wrdreg s2  }
0xaf: {  	[dreg:$0x3] =	wrdreg s24  }
0xb0: {  	[dreg:$0x4] =	wrdreg $0xA2300  }
0xb1: {  	[dreg:$0x5] =	wrdreg $0x1DAB00  }
0xb2: {  	[dreg:$0x6] =	wrdreg $0x9  }
0xb3: {  	_ =	task.clear_ibuf [dreg:s7], $0x7FFFF;
	_ =	strace $0x90000046  }
0xb4: {  	s29 =	simm.s32 $0x9;
	_ =	strace $0x80000048  }
0xb5: {  	_ =	swait.ge [sflag:s29], $0x1  }
0xb6: {  	[sflag:s29] =	ssyncadd.s32 $0xFFFFFFFF  }
0xb7: {  	_ =	strace $0x90000048  }
0xb8: {  	_ =	sfence  }
0xb9: {  	s30 =	sld [smem:$0x0];
	_ =	sdelay $0x2  }
0xba: {  	s31 =	sshll.u32 s1, $0xD;
	s1 =	sshrl.u32 s1, $0x2  }
0xbb: {  	s3 =	sand.u32 $0x4000, s31;
	s1 =	sadd.s32 s1, s30  }
0xbc: {  	s0 =	sor.u32 s3, s0;
	s1 =	sshll.u32 s1, $0x11  }
0xbd: {  	s0 =	sor.u32 s1, s0  }
0xbe: {  	s0 =	sadd.s32 $0x8F2B, s0  }
0xbf: {  	[sflag:s0] =	ssyncadd.remote.s32 $0x1  }
0xc0: {  	_ =	sfence.sel $0xFFFF  }
0xc1: {  	[dreg:$0x0] =	wrdreg $0xFFFFFFFF;
	(pc) =	sbr.abs _section_cstart, $3  }
0xc2: {  	[dreg:$0x1] =	wrdreg $0xFFFFFFFF  }
0xc3: {  	_ =	task.clear_ibuf [dreg:s7], $0x2FFFF;
	_ =	strace $0x9FFFFFFF  }
0xc4: {  	(tm) =	ssettm $0x7FFFFFFF  }
0xc5: {  	_ =	shalt  }
tec
execute0_lowered:
.L_overlay_start_1:
0x0: {  	(tag) =	ssettag $0x1  }
0x1: {  	s0 =	rddreg [dreg:$0x1]  }
0x2: {  	s2 =	rddreg [dreg:$0x2]  }
0x3: {  	s8 =	rddreg [dreg:$0x3];
	s1 =	simm.s32 $0x0  }
0x4: {  	s17 =	stileid.u32;
	s23 =	srdreg.scid;
	s30 =	simm.s32 $0x28  }
0x5: {  	s28 =	simm.s32 $0x5;
	s19 =	sadd.s32 $0x27DC00, s0;
	s7 =	sadd.s32 $0x2A4E00, s0  }
0x6: {  	s29 =	simm.s32 $0x6;
	s18 =	sadd.s32 $0x2F3200, s0;
	s9 =	sadd.s32 $0x564200, s0  }
0x7: {  	[smem:$0x7FF] =	sst s1;
	s10 =	sadd.s32 $0x2CC000, s0;
	s11 =	sadd.s32 $0x278C00, s0  }
0x8: {  	s20 =	smul.u32 $0x13880, s17;
	s12 =	sadd.s32 $0x273C00, s0;
	s3 =	sadd.s32 $0x5800, s0  }
0x9: {  	s21 =	smul.u32 $0x1388, s17;
	_ =	strace $0x80000047;
	[dreg:$0x5] =	wrdreg s19  }
0xa: {  	s4 =	sadd.s32 $0x2C00, s0;
	s22 =	sadd.s32 $0x5400, s0;
	[dreg:$0x6] =	wrdreg s3  }
0xb: {  	s15 =	sshll.u32 s17, $0x6;
	s16 =	smul.u32 $0x2710, s17;
	[dreg:$0x7] =	wrdreg s4  }
0xc: {  	s6 =	smov.u32 s2;
	s31 =	smul.u32 $0x27100, s17;
	[dreg:$0x8] =	wrdreg s22  }
0xd: {  	s4 =	sand.u32 $0x1, s23;
	s5 =	sshrl.u32 s20, $0x3;
	s13 =	sshrl.u32 s21, $0x3  }
0xe: {  	s24 =	ssub.s32 $0x2, s4;
	s1 =	sadd.s32 s20, s2;
	s25 =	sadd.s32 s21, s8  }
0xf: {  	s26 =	sshrl.u32 s16, $0x3;
	s20 =	sadd.s32 $0x28, s16;
	p0 =	sne.s32 s4, $0x0  }
0x10: {  	s21 =	sadd.s32 s9, s31;
	s23 =	sadd.s32 s18, s31;
	s2 =	smov.u32 s9  }
0x11: {  	s4 =	simm.s32 $0x0;
	s5 =	sadd.s32 s5, s0;
	[dreg:$0x9] =	wrdreg s1  }
0x12: {  	s0 =	sadd.s32 s13, s0;
	s14 =	sshrl.u32 s24, $0x1;
	[dreg:$0xb] =	wrdreg s25  }
0x13: {  	s8 =	sshrl.u32 s20, $0x3;
	s1 =	sadd.s32 s12, s26;
	[dreg:$0x10] =	wrdreg s21  }
0x14: {  	s22 =	sshll.u32 s20, $0x4;
	[dreg:$0x11] =	wrdreg s23;
	s13 =	ssub.s32 s24, s14  }
0x15: {  	s14 =	sor.u32 $0x1C0E, s15;
	s15 =	sadd.s32 s11, s26;
	[dreg:$0xd] =	wrdreg s1  }
0x16: {  	s21 =	simm.s32 $0xA0;
	s17 =	sadd.s32 s11, s8;
	[dreg:$0xc] =	wrdreg s15  }
0x17: {  	s19 =	sadd.s32 s12, s8;
	s24 =	sadd.s32 s9, s22;
	[dreg:$0xe] =	wrdreg s17  }
0x18: {  	s9 =	smov.u32 s18;
	s1 =	sadd.s32 s18, s22;
	[dreg:$0xf] =	wrdreg s19  }
0x19: {  	s25 =	sadd.s32 $0x2F400, s5;
	s26 =	sadd.s32 $0x8200, s5;
	[dreg:$0x12] =	wrdreg s24  }
0x1a: {  	s0 =	sadd.s32 $0x5A00, s0;
	s8 =	simm.s32 $0xE;
	[dreg:$0x13] =	wrdreg s1  }
0x1b: {  	s22 =	simm.s32 $0xB;
	s5 =	simm.s32 $0x4;
	[dreg:$0x14] =	wrdreg s25  }
.Ltmp0:
0x1c: {  	s18 =	simm.s32 $0xC8;
	[dreg:$0x15] =	wrdreg s26;
	(pc) =	sbr.rel .LBB2_1-.Ltmp0, $4  }
0x1d: {  	[dreg:$0x16] =	wrdreg s0;
	s31 =	smax.u32 s13, $0x1;
	s15 =	simm.s32 $0x50  }
0x1e: {  	s0 =	simm.s32 $0xA;
	s17 =	simm.s32 $0x1;
	s19 =	simm.s32 $0x3  }
0x1f: {  	s24 =	simm.s32 $0x2;
	s25 =	simm.s32 $0xC;
	[dreg:$0xa] =	wrdreg s14  }
0x20: {  	s1 =	simm.s32 $0x7;
	s13 =	simm.s32 $0xD;
	[dreg:$0x17] =	wrdreg s31  }
.LBB2_25:
0x21: {  	_ =	swait.ge [sflag:s1], $0x1400  }
0x22: {  	[sflag:s1] =	ssyncset.done $0x0  }
0x23: {  	s3 =	simm.s32 $0x8;
	[sflag:s1] =	ssyncadd.s32 $0xFFFFEC00  }
0x24: {  	_ =	swait.ge [sflag:s3], $0x1400  }
0x25: {  	[sflag:s3] =	ssyncset.done $0x0  }
0x26: {  	[sflag:s3] =	ssyncadd.s32 $0xFFFFEC00  }
0x27: {  	[bflag:$0x0] =	sbarrier.arrive $0xFFFF  }
0x28: {  	s14 =	rddreg [dreg:$0xa]  }
0x29: {  	s31 =	rddreg [dreg:$0x14]  }
0x2a: {  	s8 =	simm.s32 $0xE;
	s4 =	rddreg [dreg:$0x19]  }
0x2b: {  	[hbm:s31], [sflag:s14] =	dma.local [spmem:s4], $0x2710  }
0x2c: {  	_ =	swait.ge [sflag:s8], $0x2710  }
0x2d: {  	[sflag:s8] =	ssyncset.done $0x0  }
0x2e: {  	s15 =	simm.s32 $0x50;
	s4 =	rddreg [dreg:$0x18];
	[sflag:s8] =	ssyncadd.s32 $0xFFFFD8F0  }
.LBB2_26:
0x2f: {  	s4 =	sadd.s32 $0x1, s4;
	s3 =	rddreg [dreg:$0x17]  }
0x30: {  	p1 =	sne.s32 s4, s3  }
.Ltmp1:
0x31: {  	_ = 	snop;
	(pc) =	sbr.rel @!p1 .LBB2_27-.Ltmp1, $1  }
0x32: {  	_ =	sdelay $0x3  }
.LBB2_1:
0x33: {  	[dreg:$0x18] =	wrdreg s4  }
0x34: {  	s3 =	rddreg [dreg:$0x9]  }
0x35: {  	s26 =	rddreg [dreg:$0x7];
	s23 =	sshrl.u32 s3, $0x3  }
0x36: {  	[dreg:$0x19] =	wrdreg s23  }
0x37: {  	[spmem:s23], [sflag:s14] =	dma.local [hbm:s26], $0x2710  }
0x38: {  	_ =	swait.ge [sflag:s8], $0x2710  }
0x39: {  	[sflag:s8] =	ssyncset.done $0x0;
	s31 =	rddreg [dreg:$0xb]  }
0x3a: {  	s4 =	rddreg [dreg:$0x8];
	[sflag:s8] =	ssyncadd.s32 $0xFFFFD8F0;
	s23 =	sshrl.u32 s31, $0x3  }
0x3b: {  	[spmem:s23], [sflag:s14] =	dma.local [hbm:s4], $0x271  }
0x3c: {  	_ =	swait.ge [sflag:s8], $0x271  }
0x3d: {  	s3 =	simm.s32 $0x0;
	[sflag:s8] =	ssyncset.done $0x0  }
0x3e: {  	s31 =	simm.s32 $0xA0F0;
	s26 =	rddreg [dreg:$0x6];
	[sflag:s8] =	ssyncadd.s32 $0xFFFFFD8F  }
0x3f: {  	[tilespmem:s31], [sflag:$0xE] =	stream.linear.gather [hbm4b:s26+s3], $0x140, $0x38;
	[tilespmem:$0x1EE38] =	vst v63  }
0x40: {  	_ =	swait.ge [sflag:s8], $0x140  }
0x41: {  	[sflag:s8] =	ssyncset.done $0x0  }
0x42: {  	[sflag:s8] =	ssyncadd.s32 $0xFFFFFEC0  }
0x43: {  	[bflag:$0x0] =	sbarrier.arrive $0xFFFF  }
0x44: {  	s14 =	rddreg [dreg:$0xc]  }
0x45: {  	[tilespmem:s3], [sflag:$0x9] =	stream.linear.gather [hbm4b:s14+s3], $0x28, $0x38;
	[tilespmem:$0x1EE38] =	vst v63  }
0x46: {  	s31 =	simm.s32 $0x9;
	s26 =	rddreg [dreg:$0xd]  }
0x47: {  	[tilespmem:s15], [sflag:$0x9] =	stream.linear.gather [hbm4b:s26+s3], $0x28, $0x38;
	[tilespmem:$0x1EE38] =	vst v63  }
0x48: {  	_ =	swait.ge [sflag:s31], $0x28  }
.Ltmp2:
0x49: {  	[sflag:s31] =	ssyncset.done $0x0;
	(pc) =	sbr.rel @p0 .LBB2_15-.Ltmp2, $4  }
0x4a: {  	[sflag:s31] =	ssyncadd.s32 $0xFFFFFFD8  }
0x4b: {  	_ =	swait.ge [sflag:s31], $0x28  }
0x4c: {  	[sflag:s31] =	ssyncset.done $0x0  }
0x4d: {  	[sflag:s31] =	ssyncadd.s32 $0xFFFFFFD8  }
0x4e: {  	s14 =	simm.s32 $0x0;
	s3 =	rddreg [dreg:$0x0];
	s4 =	simm.s32 $0xF0  }
0x4f: {  	[tilespmem:s4], [sflag:$0x1] =	stream.indirect.gather [hbm4b:s3+s30], $0x80, s14, s30, $0xb8;
	[tilespmem:$0x1EE38] =	vst v63  }
0x50: {  	[dreg:$0x1a] =	wrdreg s23;
	s8 =	simm.s32 $0x28F0  }
0x51: {  	[tilespmem:s8], [sflag:$0x3] =	stream.indirect.gather [hbm4b:s7+s30], $0x80, s15, s30, $0xb8;
	[tilespmem:$0x1EE38] =	vst v63  }
0x52: {  	s15 =	rddreg [dreg:$0x11];
	s8 =	simm.s32 $0x50F0  }
0x53: {  	[tilespmem:s8], [sflag:$0x5] =	stream.linear.gather [hbm4b:s15+s14], $0x1400, $0x38;
	[tilespmem:$0x1EE38] =	vst v63  }
0x54: {  	s23 =	rddreg [dreg:$0xe]  }
0x55: {  	[tilespmem:s30], [sflag:$0xA] =	stream.linear.gather [hbm4b:s23+s14], $0x28, $0x38;
	[tilespmem:$0x1EE38] =	vst v63  }
0x56: {  	s26 =	rddreg [dreg:$0xf];
	s31 =	simm.s32 $0x78  }
0x57: {  	[tilespmem:s31], [sflag:$0xA] =	stream.linear.gather [hbm4b:s26+s14], $0x28, $0x38;
	[tilespmem:$0x1EE38] =	vst v63  }
0x58: {  	_ =	swait.ge [sflag:s0], $0x28  }
0x59: {  	[sflag:s0] =	ssyncset.done $0x0  }
0x5a: {  	[sflag:s0] =	ssyncadd.s32 $0xFFFFFFD8  }
0x5b: {  	_ =	swait.ge [sflag:s0], $0x28  }
0x5c: {  	[sflag:s0] =	ssyncset.done $0x0  }
0x5d: {  	s15 =	simm.s32 $0x14F0;
	[sflag:s0] =	ssyncadd.s32 $0xFFFFFFD8  }
0x5e: {  	[tilespmem:s15], [sflag:$0x2] =	stream.indirect.gather [hbm4b:s3+s30], $0x80, s30, s30, $0xb8;
	[tilespmem:$0x1EE38] =	vst v63  }
0x5f: {  	s23 =	simm.s32 $0x3CF0  }
0x60: {  	[tilespmem:s23], [sflag:$0x4] =	stream.indirect.gather [hbm4b:s7+s30], $0x80, s31, s30, $0xb8;
	[tilespmem:$0x1EE38] =	vst v63  }
0x61: {  	s26 =	rddreg [dreg:$0x13];
	s31 =	simm.s32 $0x64F0  }
0x62: {  	[tilespmem:s31], [sflag:$0x6] =	stream.linear.gather [hbm4b:s26+s14], $0x1400, $0x38;
	[tilespmem:$0x1EE38] =	vst v63  }
.LBB2_3:
0x63: {  	_ =	swait.ge [sflag:s17], $0x1400  }
0x64: {  	[sflag:s17] =	ssyncset.done $0x0  }
0x65: {  	s15 =	sshll.u32 s14, $0x1;
	[sflag:s17] =	ssyncadd.s32 $0xFFFFEC00  }
0x66: {  	p1 =	seq.s32 s14, $0x7C;
	s3 =	sadd.s32 $0x2, s15;
	_ =	swait.ge [sflag:s19], $0x1400  }
0x67: {  	s3 =	smul.u32 @!p1 $0x28, s3;
	[sflag:s19] =	ssyncset.done $0x0  }
0x68: {  	p2 =	seq.s32 @!p1 s14, $0x0;
	[sflag:s19] =	ssyncadd.s32 $0xFFFFEC00  }
0x69: {  	p2 =	por p1, !p2;
	s3 =	sadd.s32 @!p1 s16, s3;
	_ =	swait.ge [sflag:s28], $0x1400  }
.Ltmp3:
0x6a: {  	s4 =	sshrl.u32 @!p1 s3, $0x3;
	[sflag:s28] =	ssyncset.done $0x0;
	(pc) =	sbr.rel @!p2 .LBB2_4-.Ltmp3, $4  }
0x6b: {  	s26 =	simm.s32 @!p1 $0x0;
	s23 =	sadd.s32 @!p1 s11, s4;
	[sflag:s28] =	ssyncadd.s32 $0xFFFFEC00  }
0x6c: {  	[tilespmem:s26], [sflag:$0x9] =	stream.linear.gather @!p1 [hbm4b:s23+s26], $0x28, $0x38;
	[tilespmem:$0x1EE38] =	vst v63  }
0x6d: {  	s4 =	sadd.s32 @!p1 s12, s4;
	s23 =	simm.s32 @!p1 $0x50  }
0x6e: {  	[tilespmem:s23], [sflag:$0x9] =	stream.linear.gather @!p1 [hbm4b:s4+s26], $0x28, $0x38;
	[tilespmem:$0x1EE38] =	vst v63  }
.Ltmp4:
0x6f: {  	(pc) =	sbr.rel .LBB2_6-.Ltmp4, $4  }
0x70: {  	_ = 	snop  }
0x71: {  	_ =	swait.ge [sflag:s1], $0x1400  }
0x72: {  	[sflag:s1] =	ssyncset.done $0x0  }
0x73: {  	p2 =	por $0x0, $0x0;
	[sflag:s1] =	ssyncadd.s32 $0xFFFFEC00  }
.LBB2_4:
0x74: {  	p2 =	por @!p1 $0x1, $0x1  }
.LBB2_6:
0x75: {  	s23 =	smul.u32 $0x50, s14;
	_ =	sdelay $0x1  }
0x76: {  	s4 =	sadd.s32 s16, s23  }
0x77: {  	s4 =	sshrl.u32 s4, $0x3  }
0x78: {  	s26 =	simm.s32 $0x0;
	s4 =	sadd.s32 s12, s4  }
0x79: {  	[tilespmem:s21], [sflag:$0xB] =	stream.linear.gather [hbm4b:s4+s26], $0x28, $0x38;
	[tilespmem:$0x1EE38] =	vst v63  }
0x7a: {  	s4 =	simm.s32 $0x0  }
0x7b: {  	v0 =	vld [tilespmem:s4+$0x160]  }
0x7c: {  	v1 =	vld [tilespmem:s4+$0x2960]  }
0x7d: {  	v2 =	vld [tilespmem:s4+$0xF0]  }
0x7e: {  	v3 =	vld [tilespmem:s4+$0x5160]  }
0x7f: {  	v4 =	vld [tilespmem:s4+$0x28F0]  }
0x80: {  	v5 =	vld [tilespmem:s4+$0x100]  }
0x81: {  	v6 =	vld [tilespmem:s4+$0x2900]  }
0x82: {  	v7 =	vld [tilespmem:s4+$0x2910]  }
0x83: {  	v9 =	vld [tilespmem:s4+$0x2920]  }
0x84: {  	v10 =	vld [tilespmem:s4+$0x130]  }
0x85: {  	v11 =	vld [tilespmem:s4+$0x140]  }
0x86: {  	v12 =	vld [tilespmem:s4+$0x2940]  }
0x87: {  	v13 =	vld [tilespmem:s4+$0x150];
	v0 =	vadd.f32 v1, v0  }
0x88: {  	v14 =	vld [tilespmem:s4+$0x2950]  }
0x89: {  	v15 =	vld [tilespmem:s4+$0x50F0];
	v0 =	vadd.f32 v3, v0  }
0x8a: {  	v1 =	vld [tilespmem:s4+$0x110]  }
0x8b: {  	v3 =	vld [tilespmem:s4+$0x120];
	v0 =	vmax.f32 v0, $0.0e+00  }
0x8c: {  	[tilespmem:s4+$0x7960] =	vst v0;
	v0 =	vld [tilespmem:s4+$0x2930]  }
0x8d: {  	v16 =	vld [tilespmem:s4+$0x5100]  }
0x8e: {  	v17 =	vld [tilespmem:s4+$0x5110]  }
0x8f: {  	v8 =	vld [tilespmem:s4+$0x5120];
	v2 =	vadd.f32 v4, v2;
	v18 =	vadd.f32 v6, v5  }
0x90: {  	v19 =	vadd.f32 v7, v1;
	v7 =	vld [tilespmem:s4+$0x5130];
	v4 =	vadd.f32 v9, v3  }
0x91: {  	v6 =	vld [tilespmem:s4+$0x5140];
	v3 =	vadd.f32 v0, v10;
	v10 =	vadd.f32 v15, v2  }
0x92: {  	s26 =	simm.s32 $0x80;
	v5 =	vld [tilespmem:s4+$0x5150];
	v9 =	vadd.f32 v16, v18;
	v2 =	vadd.f32 v12, v11  }
0x93: {  	s31 =	simm.s32 $0x400;
	v1 =	vld [tilespmem:s26+$0x160];
	v0 =	vadd.f32 v14, v13;
	v11 =	vmax.f32 v10, $0.0e+00;
	v10 =	vadd.f32 v17, v19  }
.LBB2_7:
0x94: {  	p3 =	sne.s32 s31, $0x4E00;
	v12 =	vld [tilespmem:s26+$0x2960];
	[tilespmem:s4+$0x78F0] =	vst v11;
	v9 =	vmax.f32 v9, $0.0e+00;
	v4 =	vadd.f32 v8, v4  }
0x95: {  	v8 =	vld [tilespmem:s26+$0xF0];
	[tilespmem:s4+$0x7900] =	vst v9;
	v9 =	vmax.f32 v10, $0.0e+00;
	v3 =	vadd.f32 v7, v3  }
0x96: {  	v7 =	vld [tilespmem:s26+$0x5160];
	[tilespmem:s4+$0x7910] =	vst v9;
	v4 =	vmax.f32 v4, $0.0e+00;
	v2 =	vadd.f32 v6, v2  }
0x97: {  	v6 =	vld [tilespmem:s26+$0x28F0];
	[tilespmem:s4+$0x7920] =	vst v4;
	v3 =	vmax.f32 v3, $0.0e+00;
	v0 =	vadd.f32 v5, v0  }
0x98: {  	v4 =	vld [tilespmem:s26+$0x100];
	[tilespmem:s4+$0x7930] =	vst v3;
	v2 =	vmax.f32 v2, $0.0e+00  }
0x99: {  	v3 =	vld [tilespmem:s26+$0x2900];
	v1 =	vadd.f32 v12, v1;
	[tilespmem:s4+$0x7940] =	vst v2;
	v0 =	vmax.f32 v0, $0.0e+00  }
0x9a: {  	v2 =	vld [tilespmem:s26+$0x110];
	[tilespmem:s4+$0x7950] =	vst v0;
	s4 =	smov.u32 s26  }
0x9b: {  	v0 =	vld [tilespmem:s4+$0x2910];
	v1 =	vadd.f32 v7, v1  }
0x9c: {  	v5 =	vadd.f32 v6, v8;
	v6 =	vld [tilespmem:s4+$0x120]  }
0x9d: {  	v7 =	vld [tilespmem:s4+$0x2920];
	v1 =	vmax.f32 v1, $0.0e+00  }
0x9e: {  	v9 =	vadd.f32 v3, v4;
	v3 =	vld [tilespmem:s4+$0x130];
	[tilespmem:s4+$0x7960] =	vst v1  }
0x9f: {  	v1 =	vld [tilespmem:s4+$0x2930]  }
0xa0: {  	v10 =	vadd.f32 v0, v2;
	v0 =	vld [tilespmem:s4+$0x140]  }
0xa1: {  	v2 =	vld [tilespmem:s4+$0x2940]  }
0xa2: {  	v4 =	vadd.f32 v7, v6;
	v6 =	vld [tilespmem:s4+$0x150]  }
0xa3: {  	v11 =	vld [tilespmem:s4+$0x2950]  }
0xa4: {  	v12 =	vld [tilespmem:s4+$0x50F0];
	v3 =	vadd.f32 v1, v3  }
0xa5: {  	v1 =	vld [tilespmem:s4+$0x5100]  }
0xa6: {  	v13 =	vld [tilespmem:s4+$0x5110];
	v2 =	vadd.f32 v2, v0  }
.Ltmp5:
0xa7: {  	v8 =	vld [tilespmem:s4+$0x5120];
	(pc) =	sbr.rel @p3 .LBB2_7-.Ltmp5, $4  }
0xa8: {  	v7 =	vld [tilespmem:s4+$0x5130];
	v0 =	vadd.f32 v11, v6  }
0xa9: {  	v11 =	vadd.f32 v12, v5;
	v6 =	vld [tilespmem:s4+$0x5140]  }
0xaa: {  	s26 =	sshra.s32 s31, $0x2;
	v9 =	vadd.f32 v1, v9;
	v5 =	vld [tilespmem:s4+$0x5150]  }
0xab: {  	s31 =	sadd.s32 $0x200, s31;
	v1 =	vld [tilespmem:s26+$0x160];
	v11 =	vmax.f32 v11, $0.0e+00;
	v10 =	vadd.f32 v13, v10  }
0xac: {  	v12 =	vld [tilespmem:s26+$0x2960];
	[tilespmem:s4+$0x78F0] =	vst v11;
	v9 =	vmax.f32 v9, $0.0e+00;
	v4 =	vadd.f32 v8, v4  }
0xad: {  	v11 =	vld [tilespmem:s26+$0xF0];
	[tilespmem:s4+$0x7900] =	vst v9;
	v8 =	vmax.f32 v10, $0.0e+00;
	v3 =	vadd.f32 v7, v3  }
0xae: {  	v9 =	vld [tilespmem:s26+$0x5160];
	[tilespmem:s4+$0x7910] =	vst v8;
	v4 =	vmax.f32 v4, $0.0e+00;
	v2 =	vadd.f32 v6, v2  }
0xaf: {  	v7 =	vld [tilespmem:s26+$0x28F0];
	[tilespmem:s4+$0x7920] =	vst v4;
	v3 =	vmax.f32 v3, $0.0e+00;
	v0 =	vadd.f32 v5, v0  }
0xb0: {  	v4 =	vld [tilespmem:s26+$0x100];
	[tilespmem:s4+$0x7930] =	vst v3;
	v2 =	vmax.f32 v2, $0.0e+00  }
0xb1: {  	v3 =	vld [tilespmem:s26+$0x2900];
	[tilespmem:s4+$0x7940] =	vst v2;
	v0 =	vmax.f32 v0, $0.0e+00  }
0xb2: {  	v2 =	vld [tilespmem:s26+$0x110];
	[tilespmem:s4+$0x7950] =	vst v0  }
0xb3: {  	v0 =	vld [tilespmem:s26+$0x2910]  }
0xb4: {  	v5 =	vld [tilespmem:s26+$0x120]  }
0xb5: {  	v1 =	vadd.f32 v12, v1;
	v6 =	vld [tilespmem:s26+$0x2920]  }
0xb6: {  	v8 =	vld [tilespmem:s26+$0x130]  }
0xb7: {  	v1 =	vadd.f32 v9, v1;
	v9 =	vld [tilespmem:s26+$0x140]  }
0xb8: {  	v10 =	vld [tilespmem:s26+$0x2940]  }
0xb9: {  	v58 =	vld [tilespmem:s26+$0x150]  }
0xba: {  	v13 =	vld [tilespmem:s26+$0x2950]  }
0xbb: {  	v14 =	vld [tilespmem:s26+$0x50F0]  }
0xbc: {  	v15 =	vld [tilespmem:s26+$0x5100]  }
0xbd: {  	v16 =	vld [tilespmem:s26+$0x5110];
	v1 =	vmax.f32 v1, $0.0e+00  }
0xbe: {  	[tilespmem:s26+$0x7960] =	vst v1;
	v1 =	vld [tilespmem:s26+$0x2930]  }
0xbf: {  	v7 =	vadd.f32 v7, v11;
	v11 =	vld [tilespmem:s26+$0x5120]  }
0xc0: {  	v3 =	vadd.f32 v3, v4;
	v4 =	vld [tilespmem:s26+$0x5130]  }
0xc1: {  	v0 =	vadd.f32 v0, v2;
	v2 =	vadd.f32 v14, v7;
	v7 =	vld [tilespmem:s26+$0x5140]  }
0xc2: {  	v5 =	vadd.f32 v6, v5;
	v3 =	vadd.f32 v15, v3;
	v6 =	vld [tilespmem:s26+$0x5150]  }
0xc3: {  	v2 =	vmax.f32 v2, $0.0e+00;
	v0 =	vadd.f32 v16, v0;
	v1 =	vadd.f32 v1, v8  }
0xc4: {  	v8 =	vadd.f32 v10, v9;
	[tilespmem:s26+$0x78F0] =	vst v2;
	v2 =	vmax.f32 v3, $0.0e+00;
	v3 =	vadd.f32 v11, v5  }
0xc5: {  	v5 =	vadd.f32 v13, v58;
	[tilespmem:s26+$0x7900] =	vst v2;
	v0 =	vmax.f32 v0, $0.0e+00;
	v1 =	vadd.f32 v4, v1  }
0xc6: {  	[tilespmem:s26+$0x7910] =	vst v0;
	v0 =	vmax.f32 v3, $0.0e+00;
	v2 =	vadd.f32 v7, v8  }
0xc7: {  	[tilespmem:s26+$0x7920] =	vst v0;
	v0 =	vmax.f32 v1, $0.0e+00;
	v1 =	vadd.f32 v6, v5  }
0xc8: {  	[tilespmem:s26+$0x7930] =	vst v0;
	v0 =	vmax.f32 v2, $0.0e+00  }
0xc9: {  	[tilespmem:s26+$0x7940] =	vst v0;
	v0 =	vmax.f32 v1, $0.0e+00  }
0xca: {  	[tilespmem:s26+$0x7950] =	vst v0  }
0xcb: {  	_ =	swait.ge [sflag:s22], $0x28  }
0xcc: {  	[sflag:s22] =	ssyncset.done $0x0  }
0xcd: {  	s26 =	simm.s32 $0x78F0;
	[sflag:s22] =	ssyncadd.s32 $0xFFFFFFD8  }
0xce: {  	[spmem:s6] =	stream.indirect.scatter.add.f32 [tilespmem:s26], [sflag:$0x7], $0x80, s21, s30, $0xb8;
	[tilespmem:$0x1EE38] =	vst v63  }
0xcf: {  	s8 =	simm.s32 $0xA0F0;
	s4 =	simm.s32 @!p1 $0x9;
	s31 =	rddreg [dreg:$0x3]  }
0xd0: {  	[spmem:s31] =	stream.indirect.scatter.add.f32 [tilespmem:s8], [sflag:$0xD], $0x8, s21, s30, $0xb8;
	[tilespmem:$0x1EE38] =	vst v63  }
0xd1: {  	_ =	swait.ge @!p1 [sflag:s4], $0x28  }
0xd2: {  	[sflag:s4] =	ssyncset.done @!p1 $0x0  }
0xd3: {  	[sflag:s4] =	ssyncadd.s32 @!p1 $0xFFFFFFD8  }
0xd4: {  	_ =	swait.ge @!p1 [sflag:s4], $0x28  }
0xd5: {  	[sflag:s4] =	ssyncset.done @!p1 $0x0  }
0xd6: {  	s26 =	simm.s32 @!p1 $0x0;
	[sflag:s4] =	ssyncadd.s32 @!p1 $0xFFFFFFD8  }
0xd7: {  	s31 =	simm.s32 @!p1 $0xF0;
	s4 =	simm.s32 @!p1 $0x28;
	s8 =	rddreg [dreg:$0x0]  }
0xd8: {  	[tilespmem:s31], [sflag:$0x1] =	stream.indirect.gather @!p1 [hbm4b:s8+s4], $0x80, s26, s4, $0xb8;
	[tilespmem:$0x1EE38] =	vst v63  }
0xd9: {  	s3 =	sshll.u32 @!p1 s3, $0x4;
	s31 =	simm.s32 @!p1 $0x50;
	s8 =	simm.s32 @!p1 $0x28F0  }
0xda: {  	[tilespmem:s8], [sflag:$0x3] =	stream.indirect.gather @!p1 [hbm4b:s7+s4], $0x80, s31, s4, $0xb8;
	[tilespmem:$0x1EE38] =	vst v63  }
0xdb: {  	s3 =	sadd.s32 @!p1 s9, s3;
	s8 =	simm.s32 @!p1 $0x50F0  }
0xdc: {  	[tilespmem:s8], [sflag:$0x5] =	stream.linear.gather @!p1 [hbm4b:s3+s26], $0x1400, $0x38;
	[tilespmem:$0x1EE38] =	vst v63  }
0xdd: {  	_ =	swait.ge [sflag:s24], $0x1400  }
0xde: {  	[sflag:s24] =	ssyncset.done $0x0  }
0xdf: {  	[sflag:s24] =	ssyncadd.s32 $0xFFFFEC00  }
0xe0: {  	s3 =	sadd.s32 $0x3, s15;
	_ =	swait.ge [sflag:s5], $0x1400  }
0xe1: {  	s8 =	smul.u32 @!p1 $0x28, s3;
	[sflag:s5] =	ssyncset.done $0x0  }
0xe2: {  	[sflag:s5] =	ssyncadd.s32 $0xFFFFEC00  }
0xe3: {  	s8 =	sadd.s32 @!p1 s16, s8;
	_ =	swait.ge [sflag:s29], $0x1400  }
0xe4: {  	s8 =	sshrl.u32 @!p1 s8, $0x3;
	[sflag:s29] =	ssyncset.done $0x0  }
0xe5: {  	s15 =	sadd.s32 @!p1 s11, s8;
	[sflag:s29] =	ssyncadd.s32 $0xFFFFEC00  }
0xe6: {  	[tilespmem:s4], [sflag:$0xA] =	stream.linear.gather @!p1 [hbm4b:s15+s26], $0x28, $0x38;
	[tilespmem:$0x1EE38] =	vst v63  }
0xe7: {  	s4 =	sadd.s32 @!p1 s12, s8;
	s8 =	simm.s32 @!p1 $0x78  }
0xe8: {  	[tilespmem:s8], [sflag:$0xA] =	stream.linear.gather @!p1 [hbm4b:s4+s26], $0x28, $0x38;
	[tilespmem:$0x1EE38] =	vst v63  }
0xe9: {  	s4 =	simm.s32 @!p2 $0x8  }
0xea: {  	s23 =	sadd.s32 s23, s20;
	_ =	swait.ge @!p2 [sflag:s4], $0x1400  }
0xeb: {  	s31 =	simm.s32 $0x0;
	s8 =	sshrl.u32 s23, $0x3;
	[sflag:s4] =	ssyncset.done @!p2 $0x0  }
0xec: {  	s26 =	sadd.s32 s12, s8;
	[sflag:s4] =	ssyncadd.s32 @!p2 $0xFFFFEC00;
	s4 =	simm.s32 $0x0  }
0xed: {  	[tilespmem:s18], [sflag:$0xC] =	stream.linear.gather [hbm4b:s26+s31], $0x28, $0x38;
	[tilespmem:$0x1EE38] =	vst v63  }
0xee: {  	v0 =	vld [tilespmem:s4+$0x1560]  }
0xef: {  	v1 =	vld [tilespmem:s4+$0x3D60]  }
0xf0: {  	v2 =	vld [tilespmem:s4+$0x14F0]  }
0xf1: {  	v3 =	vld [tilespmem:s4+$0x6560]  }
0xf2: {  	v4 =	vld [tilespmem:s4+$0x3CF0]  }
0xf3: {  	v5 =	vld [tilespmem:s4+$0x1500]  }
0xf4: {  	v6 =	vld [tilespmem:s4+$0x3D00]  }
0xf5: {  	v7 =	vld [tilespmem:s4+$0x3D10]  }
0xf6: {  	v9 =	vld [tilespmem:s4+$0x3D20]  }
0xf7: {  	v10 =	vld [tilespmem:s4+$0x1530]  }
0xf8: {  	v11 =	vld [tilespmem:s4+$0x1540]  }
0xf9: {  	v59 =	vld [tilespmem:s4+$0x3D40]  }
0xfa: {  	v60 =	vld [tilespmem:s4+$0x1550];
	v0 =	vadd.f32 v1, v0  }
0xfb: {  	v61 =	vld [tilespmem:s4+$0x3D50]  }
0xfc: {  	v62 =	vld [tilespmem:s4+$0x64F0];
	v0 =	vadd.f32 v3, v0  }
0xfd: {  	v1 =	vld [tilespmem:s4+$0x1510]  }
0xfe: {  	v3 =	vld [tilespmem:s4+$0x1520];
	v0 =	vmax.f32 v0, $0.0e+00  }
0xff: {  	[tilespmem:s4+$0x8D60] =	vst v0;
	v0 =	vld [tilespmem:s4+$0x3D30]  }
0x100: {  	v63 =	vld [tilespmem:s4+$0x6500]  }
0x101: {  	v17 =	vld [tilespmem:s4+$0x6510]  }
0x102: {  	v8 =	vld [tilespmem:s4+$0x6520];
	v2 =	vadd.f32 v4, v2;
	v18 =	vadd.f32 v6, v5  }
0x103: {  	v19 =	vadd.f32 v7, v1;
	v7 =	vld [tilespmem:s4+$0x6530];
	v4 =	vadd.f32 v9, v3  }
0x104: {  	v6 =	vld [tilespmem:s4+$0x6540];
	v3 =	vadd.f32 v0, v10;
	v10 =	vadd.f32 v62, v2  }
0x105: {  	s15 =	simm.s32 $0x80;
	v5 =	vld [tilespmem:s4+$0x6550];
	v9 =	vadd.f32 v63, v18;
	v2 =	vadd.f32 v59, v11  }
0x106: {  	s23 =	simm.s32 $0x400;
	v1 =	vld [tilespmem:s15+$0x1560];
	v0 =	vadd.f32 v61, v60;
	v11 =	vmax.f32 v10, $0.0e+00;
	v10 =	vadd.f32 v17, v19  }
.LBB2_9:
0x107: {  	p2 =	sne.s32 s23, $0x4E00;
	v12 =	vld [tilespmem:s15+$0x3D60];
	[tilespmem:s4+$0x8CF0] =	vst v11;
	v9 =	vmax.f32 v9, $0.0e+00;
	v4 =	vadd.f32 v8, v4  }
0x108: {  	v8 =	vld [tilespmem:s15+$0x14F0];
	[tilespmem:s4+$0x8D00] =	vst v9;
	v9 =	vmax.f32 v10, $0.0e+00;
	v3 =	vadd.f32 v7, v3  }
0x109: {  	v7 =	vld [tilespmem:s15+$0x6560];
	[tilespmem:s4+$0x8D10] =	vst v9;
	v4 =	vmax.f32 v4, $0.0e+00;
	v2 =	vadd.f32 v6, v2  }
0x10a: {  	v6 =	vld [tilespmem:s15+$0x3CF0];
	[tilespmem:s4+$0x8D20] =	vst v4;
	v3 =	vmax.f32 v3, $0.0e+00;
	v0 =	vadd.f32 v5, v0  }
0x10b: {  	v4 =	vld [tilespmem:s15+$0x1500];
	[tilespmem:s4+$0x8D30] =	vst v3;
	v2 =	vmax.f32 v2, $0.0e+00  }
0x10c: {  	v3 =	vld [tilespmem:s15+$0x3D00];
	v1 =	vadd.f32 v12, v1;
	[tilespmem:s4+$0x8D40] =	vst v2;
	v0 =	vmax.f32 v0, $0.0e+00  }
0x10d: {  	v2 =	vld [tilespmem:s15+$0x1510];
	[tilespmem:s4+$0x8D50] =	vst v0;
	s4 =	smov.u32 s15  }
0x10e: {  	v0 =	vld [tilespmem:s4+$0x3D10];
	v1 =	vadd.f32 v7, v1  }
0x10f: {  	v5 =	vadd.f32 v6, v8;
	v6 =	vld [tilespmem:s4+$0x1520]  }
0x110: {  	v7 =	vld [tilespmem:s4+$0x3D20];
	v1 =	vmax.f32 v1, $0.0e+00  }
0x111: {  	v9 =	vadd.f32 v3, v4;
	v3 =	vld [tilespmem:s4+$0x1530];
	[tilespmem:s4+$0x8D60] =	vst v1  }
0x112: {  	v1 =	vld [tilespmem:s4+$0x3D30]  }
0x113: {  	v10 =	vadd.f32 v0, v2;
	v0 =	vld [tilespmem:s4+$0x1540]  }
0x114: {  	v2 =	vld [tilespmem:s4+$0x3D40]  }
0x115: {  	v4 =	vadd.f32 v7, v6;
	v6 =	vld [tilespmem:s4+$0x1550]  }
0x116: {  	v11 =	vld [tilespmem:s4+$0x3D50]  }
0x117: {  	v12 =	vld [tilespmem:s4+$0x64F0];
	v3 =	vadd.f32 v1, v3  }
0x118: {  	v1 =	vld [tilespmem:s4+$0x6500]  }
0x119: {  	v13 =	vld [tilespmem:s4+$0x6510];
	v2 =	vadd.f32 v2, v0  }
.Ltmp6:
0x11a: {  	v8 =	vld [tilespmem:s4+$0x6520];
	(pc) =	sbr.rel @p2 .LBB2_9-.Ltmp6, $4  }
0x11b: {  	v7 =	vld [tilespmem:s4+$0x6530];
	v0 =	vadd.f32 v11, v6  }
0x11c: {  	v11 =	vadd.f32 v12, v5;
	v6 =	vld [tilespmem:s4+$0x6540]  }
0x11d: {  	s15 =	sshra.s32 s23, $0x2;
	v9 =	vadd.f32 v1, v9;
	v5 =	vld [tilespmem:s4+$0x6550]  }
0x11e: {  	s23 =	sadd.s32 $0x200, s23;
	v1 =	vld [tilespmem:s15+$0x1560];
	v11 =	vmax.f32 v11, $0.0e+00;
	v10 =	vadd.f32 v13, v10  }
0x11f: {  	v12 =	vld [tilespmem:s15+$0x3D60];
	[tilespmem:s4+$0x8CF0] =	vst v11;
	v9 =	vmax.f32 v9, $0.0e+00;
	v4 =	vadd.f32 v8, v4  }
0x120: {  	v11 =	vld [tilespmem:s15+$0x14F0];
	[tilespmem:s4+$0x8D00] =	vst v9;
	v41 =	vmax.f32 v10, $0.0e+00;
	v3 =	vadd.f32 v7, v3  }
0x121: {  	v9 =	vld [tilespmem:s15+$0x6560];
	[tilespmem:s4+$0x8D10] =	vst v41;
	v4 =	vmax.f32 v4, $0.0e+00;
	v2 =	vadd.f32 v6, v2  }
0x122: {  	v42 =	vld [tilespmem:s15+$0x3CF0];
	[tilespmem:s4+$0x8D20] =	vst v4;
	v3 =	vmax.f32 v3, $0.0e+00;
	v0 =	vadd.f32 v5, v0  }
0x123: {  	v4 =	vld [tilespmem:s15+$0x1500];
	[tilespmem:s4+$0x8D30] =	vst v3;
	v2 =	vmax.f32 v2, $0.0e+00  }
0x124: {  	v3 =	vld [tilespmem:s15+$0x3D00];
	[tilespmem:s4+$0x8D40] =	vst v2;
	v0 =	vmax.f32 v0, $0.0e+00  }
0x125: {  	v2 =	vld [tilespmem:s15+$0x1510];
	[tilespmem:s4+$0x8D50] =	vst v0  }
0x126: {  	v0 =	vld [tilespmem:s15+$0x3D10]  }
0x127: {  	v43 =	vld [tilespmem:s15+$0x1520]  }
0x128: {  	v44 =	vld [tilespmem:s15+$0x3D20]  }
0x129: {  	v8 =	vld [tilespmem:s15+$0x1530]  }
0x12a: {  	v45 =	vld [tilespmem:s15+$0x3D30]  }
0x12b: {  	v46 =	vld [tilespmem:s15+$0x1540]  }
0x12c: {  	v47 =	vld [tilespmem:s15+$0x3D40]  }
0x12d: {  	v48 =	vld [tilespmem:s15+$0x1550]  }
0x12e: {  	v13 =	vld [tilespmem:s15+$0x3D50]  }
0x12f: {  	v14 =	vld [tilespmem:s15+$0x64F0]  }
0x130: {  	v15 =	vld [tilespmem:s15+$0x6500]  }
0x131: {  	v1 =	vadd.f32 v12, v1;
	v16 =	vld [tilespmem:s15+$0x6510]  }
0x132: {  	v49 =	vld [tilespmem:s15+$0x6520];
	v7 =	vadd.f32 v42, v11  }
0x133: {  	v1 =	vadd.f32 v9, v1;
	v50 =	vld [tilespmem:s15+$0x6530];
	v3 =	vadd.f32 v3, v4  }
0x134: {  	v52 =	vld [tilespmem:s15+$0x6540];
	v0 =	vadd.f32 v0, v2;
	v51 =	vadd.f32 v14, v7  }
0x135: {  	v53 =	vld [tilespmem:s15+$0x6550];
	v1 =	vmax.f32 v1, $0.0e+00;
	v5 =	vadd.f32 v44, v43;
	v3 =	vadd.f32 v15, v3  }
0x136: {  	[tilespmem:s15+$0x8D60] =	vst v1;
	v1 =	vadd.f32 v45, v8;
	v0 =	vadd.f32 v16, v0;
	v2 =	vmax.f32 v51, $0.0e+00  }
0x137: {  	v54 =	vadd.f32 v47, v46;
	v55 =	vmax.f32 v3, $0.0e+00;
	v56 =	vadd.f32 v49, v5;
	[tilespmem:s15+$0x8CF0] =	vst v2  }
0x138: {  	v57 =	vadd.f32 v13, v48;
	v1 =	vadd.f32 v50, v1;
	[tilespmem:s15+$0x8D00] =	vst v55;
	v0 =	vmax.f32 v0, $0.0e+00  }
0x139: {  	v59 =	vadd.f32 v52, v54;
	v58 =	vmax.f32 v56, $0.0e+00;
	[tilespmem:s15+$0x8D10] =	vst v0  }
0x13a: {  	v61 =	vadd.f32 v53, v57;
	v60 =	vmax.f32 v1, $0.0e+00;
	[tilespmem:s15+$0x8D20] =	vst v58  }
0x13b: {  	v62 =	vmax.f32 v59, $0.0e+00;
	[tilespmem:s15+$0x8D30] =	vst v60  }
0x13c: {  	v63 =	vmax.f32 v61, $0.0e+00;
	[tilespmem:s15+$0x8D40] =	vst v62  }
0x13d: {  	[tilespmem:s15+$0x8D50] =	vst v63  }
0x13e: {  	_ =	swait.ge [sflag:s25], $0x28  }
.Ltmp7:
0x13f: {  	[sflag:s25] =	ssyncset.done $0x0;
	(pc) =	sbr.rel @p1 .LBB2_12-.Ltmp7, $4  }
0x140: {  	s26 =	simm.s32 $0x8CF0;
	[sflag:s25] =	ssyncadd.s32 $0xFFFFFFD8  }
0x141: {  	[spmem:s6] =	stream.indirect.scatter.add.f32 [tilespmem:s26], [sflag:$0x8], $0x80, s18, s30, $0xb8;
	[tilespmem:$0x1EE38] =	vst v63  }
0x142: {  	s8 =	simm.s32 $0xA0F0;
	s31 =	rddreg [dreg:$0x3]  }
0x143: {  	[spmem:s31] =	stream.indirect.scatter.add.f32 [tilespmem:s8], [sflag:$0xD], $0x8, s18, s30, $0xb8;
	[tilespmem:$0x1EE38] =	vst v63  }
0x144: {  	_ =	swait.ge [sflag:s0], $0x28  }
0x145: {  	[sflag:s0] =	ssyncset.done $0x0  }
0x146: {  	[sflag:s0] =	ssyncadd.s32 $0xFFFFFFD8  }
0x147: {  	_ =	swait.ge [sflag:s0], $0x28  }
0x148: {  	[sflag:s0] =	ssyncset.done $0x0  }
0x149: {  	[sflag:s0] =	ssyncadd.s32 $0xFFFFFFD8  }
0x14a: {  	s8 =	simm.s32 $0x14F0;
	s3 =	smul.u32 $0x28, s3;
	s4 =	rddreg [dreg:$0x0]  }
0x14b: {  	[tilespmem:s8], [sflag:$0x2] =	stream.indirect.gather [hbm4b:s4+s30], $0x80, s30, s30, $0xb8;
	[tilespmem:$0x1EE38] =	vst v63  }
.Ltmp8:
0x14c: {  	s15 =	simm.s32 $0x78;
	s3 =	sadd.s32 s16, s3;
	(pc) =	sbr.rel .LBB2_3-.Ltmp8, $4  }
0x14d: {  	s23 =	simm.s32 $0x3CF0;
	s26 =	simm.s32 $0x0;
	s3 =	sshll.u32 s3, $0x4  }
0x14e: {  	[tilespmem:s23], [sflag:$0x4] =	stream.indirect.gather [hbm4b:s7+s30], $0x80, s15, s30, $0xb8;
	[tilespmem:$0x1EE38] =	vst v63  }
0x14f: {  	s31 =	simm.s32 $0x64F0;
	s14 =	sadd.s32 $0x1, s14;
	s3 =	sadd.s32 s9, s3  }
0x150: {  	[tilespmem:s31], [sflag:$0x6] =	stream.linear.gather [hbm4b:s3+s26], $0x1400, $0x38;
	[tilespmem:$0x1EE38] =	vst v63  }
.LBB2_15:
0x151: {  	s14 =	simm.s32 $0x0;
	s3 =	rddreg [dreg:$0x5];
	s4 =	simm.s32 $0xF0  }
0x152: {  	[tilespmem:s4], [sflag:$0x1] =	stream.indirect.gather [hbm4b:s3+s30], $0x80, s14, s30, $0xb8;
	[tilespmem:$0x1EE38] =	vst v63  }
0x153: {  	s8 =	simm.s32 $0x28F0  }
0x154: {  	[tilespmem:s8], [sflag:$0x3] =	stream.indirect.gather [hbm4b:s10+s30], $0x80, s15, s30, $0xb8;
	[tilespmem:$0x1EE38] =	vst v63  }
0x155: {  	s15 =	rddreg [dreg:$0x10];
	s8 =	simm.s32 $0x50F0  }
0x156: {  	[tilespmem:s8], [sflag:$0x5] =	stream.linear.gather [hbm4b:s15+s14], $0x1400, $0x38;
	[tilespmem:$0x1EE38] =	vst v63  }
0x157: {  	s23 =	rddreg [dreg:$0xe]  }
0x158: {  	[tilespmem:s30], [sflag:$0xA] =	stream.linear.gather [hbm4b:s23+s14], $0x28, $0x38;
	[tilespmem:$0x1EE38] =	vst v63  }
0x159: {  	s26 =	rddreg [dreg:$0xf];
	s31 =	simm.s32 $0x78  }
0x15a: {  	[tilespmem:s31], [sflag:$0xA] =	stream.linear.gather [hbm4b:s26+s14], $0x28, $0x38;
	[tilespmem:$0x1EE38] =	vst v63  }
0x15b: {  	_ =	swait.ge [sflag:s0], $0x28  }
0x15c: {  	[sflag:s0] =	ssyncset.done $0x0  }
0x15d: {  	[sflag:s0] =	ssyncadd.s32 $0xFFFFFFD8  }
0x15e: {  	_ =	swait.ge [sflag:s0], $0x28  }
0x15f: {  	[sflag:s0] =	ssyncset.done $0x0  }
0x160: {  	s15 =	simm.s32 $0x14F0;
	[sflag:s0] =	ssyncadd.s32 $0xFFFFFFD8  }
0x161: {  	[tilespmem:s15], [sflag:$0x2] =	stream.indirect.gather [hbm4b:s3+s30], $0x80, s30, s30, $0xb8;
	[tilespmem:$0x1EE38] =	vst v63  }
0x162: {  	s23 =	simm.s32 $0x3CF0  }
0x163: {  	[tilespmem:s23], [sflag:$0x4] =	stream.indirect.gather [hbm4b:s10+s30], $0x80, s31, s30, $0xb8;
	[tilespmem:$0x1EE38] =	vst v63  }
0x164: {  	s26 =	rddreg [dreg:$0x12];
	s31 =	simm.s32 $0x64F0  }
0x165: {  	[tilespmem:s31], [sflag:$0x6] =	stream.linear.gather [hbm4b:s26+s14], $0x1400, $0x38;
	[tilespmem:$0x1EE38] =	vst v63  }
.LBB2_16:
0x166: {  	_ =	swait.ge [sflag:s17], $0x1400  }
0x167: {  	[sflag:s17] =	ssyncset.done $0x0  }
0x168: {  	s15 =	sshll.u32 s14, $0x1;
	[sflag:s17] =	ssyncadd.s32 $0xFFFFEC00  }
0x169: {  	p1 =	seq.s32 s14, $0x7C;
	s3 =	sadd.s32 $0x2, s15;
	_ =	swait.ge [sflag:s19], $0x1400  }
0x16a: {  	s3 =	smul.u32 @!p1 $0x28, s3;
	[sflag:s19] =	ssyncset.done $0x0  }
0x16b: {  	p2 =	seq.s32 @!p1 s14, $0x0;
	[sflag:s19] =	ssyncadd.s32 $0xFFFFEC00  }
0x16c: {  	p2 =	por p1, !p2;
	s3 =	sadd.s32 @!p1 s16, s3;
	_ =	swait.ge [sflag:s28], $0x1400  }
.Ltmp9:
0x16d: {  	s4 =	sshrl.u32 @!p1 s3, $0x3;
	[sflag:s28] =	ssyncset.done $0x0;
	(pc) =	sbr.rel @!p2 .LBB2_17-.Ltmp9, $4  }
0x16e: {  	s23 =	simm.s32 @!p1 $0x0;
	s8 =	sadd.s32 @!p1 s11, s4;
	[sflag:s28] =	ssyncadd.s32 $0xFFFFEC00  }
0x16f: {  	[tilespmem:s23], [sflag:$0x9] =	stream.linear.gather @!p1 [hbm4b:s8+s23], $0x28, $0x38;
	[tilespmem:$0x1EE38] =	vst v63  }
0x170: {  	s4 =	sadd.s32 @!p1 s12, s4;
	s8 =	simm.s32 @!p1 $0x50  }
0x171: {  	[tilespmem:s8], [sflag:$0x9] =	stream.linear.gather @!p1 [hbm4b:s4+s23], $0x28, $0x38;
	[tilespmem:$0x1EE38] =	vst v63  }
.Ltmp10:
0x172: {  	(pc) =	sbr.rel .LBB2_19-.Ltmp10, $4  }
0x173: {  	_ = 	snop  }
0x174: {  	_ =	swait.ge [sflag:s1], $0x1400  }
0x175: {  	[sflag:s1] =	ssyncset.done $0x0  }
0x176: {  	p2 =	por $0x0, $0x0;
	[sflag:s1] =	ssyncadd.s32 $0xFFFFEC00  }
.LBB2_17:
0x177: {  	p2 =	por @!p1 $0x1, $0x1  }
.LBB2_19:
0x178: {  	s23 =	smul.u32 $0x50, s14;
	_ =	sdelay $0x1  }
0x179: {  	s4 =	sadd.s32 s16, s23  }
0x17a: {  	s4 =	sshrl.u32 s4, $0x3  }
0x17b: {  	s8 =	simm.s32 $0x0;
	s4 =	sadd.s32 s12, s4  }
0x17c: {  	[tilespmem:s21], [sflag:$0xB] =	stream.linear.gather [hbm4b:s4+s8], $0x28, $0x38;
	[tilespmem:$0x1EE38] =	vst v63  }
0x17d: {  	s4 =	simm.s32 $0x0  }
0x17e: {  	v0 =	vld [tilespmem:s4+$0x160]  }
0x17f: {  	v1 =	vld [tilespmem:s4+$0x2960]  }
0x180: {  	v2 =	vld [tilespmem:s4+$0xF0]  }
0x181: {  	v3 =	vld [tilespmem:s4+$0x5160]  }
0x182: {  	v4 =	vld [tilespmem:s4+$0x28F0]  }
0x183: {  	v5 =	vld [tilespmem:s4+$0x100]  }
0x184: {  	v6 =	vld [tilespmem:s4+$0x2900]  }
0x185: {  	v7 =	vld [tilespmem:s4+$0x2910]  }
0x186: {  	v9 =	vld [tilespmem:s4+$0x2920]  }
0x187: {  	v10 =	vld [tilespmem:s4+$0x130]  }
0x188: {  	v11 =	vld [tilespmem:s4+$0x140]  }
0x189: {  	v12 =	vld [tilespmem:s4+$0x2940]  }
0x18a: {  	v13 =	vld [tilespmem:s4+$0x150];
	v0 =	vadd.f32 v1, v0  }
0x18b: {  	v14 =	vld [tilespmem:s4+$0x2950]  }
0x18c: {  	v15 =	vld [tilespmem:s4+$0x50F0];
	v0 =	vadd.f32 v3, v0  }
0x18d: {  	v1 =	vld [tilespmem:s4+$0x110]  }
0x18e: {  	v3 =	vld [tilespmem:s4+$0x120];
	v0 =	vmax.f32 v0, $0.0e+00  }
0x18f: {  	[tilespmem:s4+$0x7960] =	vst v0;
	v0 =	vld [tilespmem:s4+$0x2930]  }
0x190: {  	v16 =	vld [tilespmem:s4+$0x5100]  }
0x191: {  	v17 =	vld [tilespmem:s4+$0x5110]  }
0x192: {  	v8 =	vld [tilespmem:s4+$0x5120];
	v2 =	vadd.f32 v4, v2;
	v18 =	vadd.f32 v6, v5  }
0x193: {  	v19 =	vadd.f32 v7, v1;
	v7 =	vld [tilespmem:s4+$0x5130];
	v4 =	vadd.f32 v9, v3  }
0x194: {  	v6 =	vld [tilespmem:s4+$0x5140];
	v3 =	vadd.f32 v0, v10;
	v10 =	vadd.f32 v15, v2  }
0x195: {  	s26 =	simm.s32 $0x80;
	v5 =	vld [tilespmem:s4+$0x5150];
	v9 =	vadd.f32 v16, v18;
	v2 =	vadd.f32 v12, v11  }
0x196: {  	s31 =	simm.s32 $0x400;
	v1 =	vld [tilespmem:s26+$0x160];
	v0 =	vadd.f32 v14, v13;
	v11 =	vmax.f32 v10, $0.0e+00;
	v10 =	vadd.f32 v17, v19  }
.LBB2_20:
0x197: {  	p3 =	sne.s32 s31, $0x4E00;
	v12 =	vld [tilespmem:s26+$0x2960];
	[tilespmem:s4+$0x78F0] =	vst v11;
	v9 =	vmax.f32 v9, $0.0e+00;
	v4 =	vadd.f32 v8, v4  }
0x198: {  	v8 =	vld [tilespmem:s26+$0xF0];
	[tilespmem:s4+$0x7900] =	vst v9;
	v9 =	vmax.f32 v10, $0.0e+00;
	v3 =	vadd.f32 v7, v3  }
0x199: {  	v7 =	vld [tilespmem:s26+$0x5160];
	[tilespmem:s4+$0x7910] =	vst v9;
	v4 =	vmax.f32 v4, $0.0e+00;
	v2 =	vadd.f32 v6, v2  }
0x19a: {  	v6 =	vld [tilespmem:s26+$0x28F0];
	[tilespmem:s4+$0x7920] =	vst v4;
	v3 =	vmax.f32 v3, $0.0e+00;
	v0 =	vadd.f32 v5, v0  }
0x19b: {  	v4 =	vld [tilespmem:s26+$0x100];
	[tilespmem:s4+$0x7930] =	vst v3;
	v2 =	vmax.f32 v2, $0.0e+00  }
0x19c: {  	v3 =	vld [tilespmem:s26+$0x2900];
	v1 =	vadd.f32 v12, v1;
	[tilespmem:s4+$0x7940] =	vst v2;
	v0 =	vmax.f32 v0, $0.0e+00  }
0x19d: {  	v2 =	vld [tilespmem:s26+$0x110];
	[tilespmem:s4+$0x7950] =	vst v0;
	s4 =	smov.u32 s26  }
0x19e: {  	v0 =	vld [tilespmem:s4+$0x2910];
	v1 =	vadd.f32 v7, v1  }
0x19f: {  	v5 =	vadd.f32 v6, v8;
	v6 =	vld [tilespmem:s4+$0x120]  }
0x1a0: {  	v7 =	vld [tilespmem:s4+$0x2920];
	v1 =	vmax.f32 v1, $0.0e+00  }
0x1a1: {  	v9 =	vadd.f32 v3, v4;
	v3 =	vld [tilespmem:s4+$0x130];
	[tilespmem:s4+$0x7960] =	vst v1  }
0x1a2: {  	v1 =	vld [tilespmem:s4+$0x2930]  }
0x1a3: {  	v10 =	vadd.f32 v0, v2;
	v0 =	vld [tilespmem:s4+$0x140]  }
0x1a4: {  	v2 =	vld [tilespmem:s4+$0x2940]  }
0x1a5: {  	v4 =	vadd.f32 v7, v6;
	v6 =	vld [tilespmem:s4+$0x150]  }
0x1a6: {  	v11 =	vld [tilespmem:s4+$0x2950]  }
0x1a7: {  	v12 =	vld [tilespmem:s4+$0x50F0];
	v3 =	vadd.f32 v1, v3  }
0x1a8: {  	v1 =	vld [tilespmem:s4+$0x5100]  }
0x1a9: {  	v13 =	vld [tilespmem:s4+$0x5110];
	v2 =	vadd.f32 v2, v0  }
.Ltmp11:
0x1aa: {  	v8 =	vld [tilespmem:s4+$0x5120];
	(pc) =	sbr.rel @p3 .LBB2_20-.Ltmp11, $4  }
0x1ab: {  	v7 =	vld [tilespmem:s4+$0x5130];
	v0 =	vadd.f32 v11, v6  }
0x1ac: {  	v11 =	vadd.f32 v12, v5;
	v6 =	vld [tilespmem:s4+$0x5140]  }
0x1ad: {  	s26 =	sshra.s32 s31, $0x2;
	v9 =	vadd.f32 v1, v9;
	v5 =	vld [tilespmem:s4+$0x5150]  }
0x1ae: {  	s31 =	sadd.s32 $0x200, s31;
	v1 =	vld [tilespmem:s26+$0x160];
	v11 =	vmax.f32 v11, $0.0e+00;
	v10 =	vadd.f32 v13, v10  }
0x1af: {  	v12 =	vld [tilespmem:s26+$0x2960];
	[tilespmem:s4+$0x78F0] =	vst v11;
	v9 =	vmax.f32 v9, $0.0e+00;
	v4 =	vadd.f32 v8, v4  }
0x1b0: {  	v11 =	vld [tilespmem:s26+$0xF0];
	[tilespmem:s4+$0x7900] =	vst v9;
	v8 =	vmax.f32 v10, $0.0e+00;
	v3 =	vadd.f32 v7, v3  }
0x1b1: {  	v9 =	vld [tilespmem:s26+$0x5160];
	[tilespmem:s4+$0x7910] =	vst v8;
	v4 =	vmax.f32 v4, $0.0e+00;
	v2 =	vadd.f32 v6, v2  }
0x1b2: {  	v7 =	vld [tilespmem:s26+$0x28F0];
	[tilespmem:s4+$0x7920] =	vst v4;
	v3 =	vmax.f32 v3, $0.0e+00;
	v0 =	vadd.f32 v5, v0  }
0x1b3: {  	v4 =	vld [tilespmem:s26+$0x100];
	[tilespmem:s4+$0x7930] =	vst v3;
	v2 =	vmax.f32 v2, $0.0e+00  }
0x1b4: {  	v3 =	vld [tilespmem:s26+$0x2900];
	[tilespmem:s4+$0x7940] =	vst v2;
	v0 =	vmax.f32 v0, $0.0e+00  }
0x1b5: {  	v2 =	vld [tilespmem:s26+$0x110];
	[tilespmem:s4+$0x7950] =	vst v0  }
0x1b6: {  	v0 =	vld [tilespmem:s26+$0x2910]  }
0x1b7: {  	v5 =	vld [tilespmem:s26+$0x120]  }
0x1b8: {  	v1 =	vadd.f32 v12, v1;
	v6 =	vld [tilespmem:s26+$0x2920]  }
0x1b9: {  	v8 =	vld [tilespmem:s26+$0x130]  }
0x1ba: {  	v1 =	vadd.f32 v9, v1;
	v9 =	vld [tilespmem:s26+$0x140]  }
0x1bb: {  	v10 =	vld [tilespmem:s26+$0x2940]  }
0x1bc: {  	v58 =	vld [tilespmem:s26+$0x150]  }
0x1bd: {  	v13 =	vld [tilespmem:s26+$0x2950]  }
0x1be: {  	v14 =	vld [tilespmem:s26+$0x50F0]  }
0x1bf: {  	v15 =	vld [tilespmem:s26+$0x5100]  }
0x1c0: {  	v16 =	vld [tilespmem:s26+$0x5110];
	v1 =	vmax.f32 v1, $0.0e+00  }
0x1c1: {  	[tilespmem:s26+$0x7960] =	vst v1;
	v1 =	vld [tilespmem:s26+$0x2930]  }
0x1c2: {  	v7 =	vadd.f32 v7, v11;
	v11 =	vld [tilespmem:s26+$0x5120]  }
0x1c3: {  	v3 =	vadd.f32 v3, v4;
	v4 =	vld [tilespmem:s26+$0x5130]  }
0x1c4: {  	v0 =	vadd.f32 v0, v2;
	v2 =	vadd.f32 v14, v7;
	v7 =	vld [tilespmem:s26+$0x5140]  }
0x1c5: {  	v5 =	vadd.f32 v6, v5;
	v3 =	vadd.f32 v15, v3;
	v6 =	vld [tilespmem:s26+$0x5150]  }
0x1c6: {  	v2 =	vmax.f32 v2, $0.0e+00;
	v0 =	vadd.f32 v16, v0;
	v1 =	vadd.f32 v1, v8  }
0x1c7: {  	v8 =	vadd.f32 v10, v9;
	[tilespmem:s26+$0x78F0] =	vst v2;
	v2 =	vmax.f32 v3, $0.0e+00;
	v3 =	vadd.f32 v11, v5  }
0x1c8: {  	v5 =	vadd.f32 v13, v58;
	[tilespmem:s26+$0x7900] =	vst v2;
	v0 =	vmax.f32 v0, $0.0e+00;
	v1 =	vadd.f32 v4, v1  }
0x1c9: {  	[tilespmem:s26+$0x7910] =	vst v0;
	v0 =	vmax.f32 v3, $0.0e+00;
	v2 =	vadd.f32 v7, v8  }
0x1ca: {  	[tilespmem:s26+$0x7920] =	vst v0;
	v0 =	vmax.f32 v1, $0.0e+00;
	v1 =	vadd.f32 v6, v5  }
0x1cb: {  	[tilespmem:s26+$0x7930] =	vst v0;
	v0 =	vmax.f32 v2, $0.0e+00  }
0x1cc: {  	[tilespmem:s26+$0x7940] =	vst v0;
	v0 =	vmax.f32 v1, $0.0e+00  }
0x1cd: {  	[tilespmem:s26+$0x7950] =	vst v0  }
0x1ce: {  	_ =	swait.ge [sflag:s22], $0x28  }
0x1cf: {  	[sflag:s22] =	ssyncset.done $0x0  }
0x1d0: {  	s8 =	simm.s32 $0x78F0;
	s4 =	simm.s32 @!p1 $0x9;
	[sflag:s22] =	ssyncadd.s32 $0xFFFFFFD8  }
0x1d1: {  	[spmem:s6] =	stream.indirect.scatter.add.f32 [tilespmem:s8], [sflag:$0x7], $0x80, s21, s30, $0xb8;
	[tilespmem:$0x1EE38] =	vst v63  }
0x1d2: {  	_ =	swait.ge @!p1 [sflag:s4], $0x28  }
0x1d3: {  	[sflag:s4] =	ssyncset.done @!p1 $0x0  }
0x1d4: {  	[sflag:s4] =	ssyncadd.s32 @!p1 $0xFFFFFFD8  }
0x1d5: {  	_ =	swait.ge @!p1 [sflag:s4], $0x28  }
0x1d6: {  	s26 =	simm.s32 @!p1 $0xF0;
	s8 =	simm.s32 @!p1 $0x0;
	[sflag:s4] =	ssyncset.done @!p1 $0x0  }
0x1d7: {  	s31 =	rddreg [dreg:$0x5];
	[sflag:s4] =	ssyncadd.s32 @!p1 $0xFFFFFFD8;
	s4 =	simm.s32 @!p1 $0x28  }
0x1d8: {  	[tilespmem:s26], [sflag:$0x1] =	stream.indirect.gather @!p1 [hbm4b:s31+s4], $0x80, s8, s4, $0xb8;
	[tilespmem:$0x1EE38] =	vst v63  }
0x1d9: {  	s3 =	sshll.u32 @!p1 s3, $0x4;
	s26 =	simm.s32 @!p1 $0x50;
	s31 =	simm.s32 @!p1 $0x28F0  }
0x1da: {  	[tilespmem:s31], [sflag:$0x3] =	stream.indirect.gather @!p1 [hbm4b:s10+s4], $0x80, s26, s4, $0xb8;
	[tilespmem:$0x1EE38] =	vst v63  }
0x1db: {  	s3 =	sadd.s32 @!p1 s2, s3;
	s26 =	simm.s32 @!p1 $0x50F0  }
0x1dc: {  	[tilespmem:s26], [sflag:$0x5] =	stream.linear.gather @!p1 [hbm4b:s3+s8], $0x1400, $0x38;
	[tilespmem:$0x1EE38] =	vst v63  }
0x1dd: {  	_ =	swait.ge [sflag:s24], $0x1400  }
0x1de: {  	[sflag:s24] =	ssyncset.done $0x0  }
0x1df: {  	[sflag:s24] =	ssyncadd.s32 $0xFFFFEC00  }
0x1e0: {  	s3 =	sadd.s32 $0x3, s15;
	_ =	swait.ge [sflag:s5], $0x1400  }
0x1e1: {  	s15 =	smul.u32 @!p1 $0x28, s3;
	[sflag:s5] =	ssyncset.done $0x0  }
0x1e2: {  	[sflag:s5] =	ssyncadd.s32 $0xFFFFEC00  }
0x1e3: {  	s15 =	sadd.s32 @!p1 s16, s15;
	_ =	swait.ge [sflag:s29], $0x1400  }
0x1e4: {  	s15 =	sshrl.u32 @!p1 s15, $0x3;
	[sflag:s29] =	ssyncset.done $0x0  }
0x1e5: {  	s26 =	sadd.s32 @!p1 s11, s15;
	[sflag:s29] =	ssyncadd.s32 $0xFFFFEC00  }
0x1e6: {  	[tilespmem:s4], [sflag:$0xA] =	stream.linear.gather @!p1 [hbm4b:s26+s8], $0x28, $0x38;
	[tilespmem:$0x1EE38] =	vst v63  }
0x1e7: {  	s4 =	sadd.s32 @!p1 s12, s15;
	s15 =	simm.s32 @!p1 $0x78  }
0x1e8: {  	[tilespmem:s15], [sflag:$0xA] =	stream.linear.gather @!p1 [hbm4b:s4+s8], $0x28, $0x38;
	[tilespmem:$0x1EE38] =	vst v63  }
0x1e9: {  	s4 =	simm.s32 @!p2 $0x8  }
0x1ea: {  	s23 =	sadd.s32 s23, s20;
	_ =	swait.ge @!p2 [sflag:s4], $0x1400  }
0x1eb: {  	s31 =	simm.s32 $0x0;
	s8 =	sshrl.u32 s23, $0x3;
	[sflag:s4] =	ssyncset.done @!p2 $0x0  }
0x1ec: {  	s26 =	sadd.s32 s12, s8;
	[sflag:s4] =	ssyncadd.s32 @!p2 $0xFFFFEC00;
	s4 =	simm.s32 $0x0  }
0x1ed: {  	[tilespmem:s18], [sflag:$0xC] =	stream.linear.gather [hbm4b:s26+s31], $0x28, $0x38;
	[tilespmem:$0x1EE38] =	vst v63  }
0x1ee: {  	v0 =	vld [tilespmem:s4+$0x1560]  }
0x1ef: {  	v1 =	vld [tilespmem:s4+$0x3D60]  }
0x1f0: {  	v2 =	vld [tilespmem:s4+$0x14F0]  }
0x1f1: {  	v3 =	vld [tilespmem:s4+$0x6560]  }
0x1f2: {  	v4 =	vld [tilespmem:s4+$0x3CF0]  }
0x1f3: {  	v5 =	vld [tilespmem:s4+$0x1500]  }
0x1f4: {  	v6 =	vld [tilespmem:s4+$0x3D00]  }
0x1f5: {  	v7 =	vld [tilespmem:s4+$0x3D10]  }
0x1f6: {  	v9 =	vld [tilespmem:s4+$0x3D20]  }
0x1f7: {  	v10 =	vld [tilespmem:s4+$0x1530]  }
0x1f8: {  	v11 =	vld [tilespmem:s4+$0x1540]  }
0x1f9: {  	v59 =	vld [tilespmem:s4+$0x3D40]  }
0x1fa: {  	v60 =	vld [tilespmem:s4+$0x1550];
	v0 =	vadd.f32 v1, v0  }
0x1fb: {  	v61 =	vld [tilespmem:s4+$0x3D50]  }
0x1fc: {  	v62 =	vld [tilespmem:s4+$0x64F0];
	v0 =	vadd.f32 v3, v0  }
0x1fd: {  	v1 =	vld [tilespmem:s4+$0x1510]  }
0x1fe: {  	v3 =	vld [tilespmem:s4+$0x1520];
	v0 =	vmax.f32 v0, $0.0e+00  }
0x1ff: {  	[tilespmem:s4+$0x8D60] =	vst v0;
	v0 =	vld [tilespmem:s4+$0x3D30]  }
0x200: {  	v63 =	vld [tilespmem:s4+$0x6500]  }
0x201: {  	v17 =	vld [tilespmem:s4+$0x6510]  }
0x202: {  	v8 =	vld [tilespmem:s4+$0x6520];
	v2 =	vadd.f32 v4, v2;
	v18 =	vadd.f32 v6, v5  }
0x203: {  	v19 =	vadd.f32 v7, v1;
	v7 =	vld [tilespmem:s4+$0x6530];
	v4 =	vadd.f32 v9, v3  }
0x204: {  	v6 =	vld [tilespmem:s4+$0x6540];
	v3 =	vadd.f32 v0, v10;
	v10 =	vadd.f32 v62, v2  }
0x205: {  	s15 =	simm.s32 $0x80;
	v5 =	vld [tilespmem:s4+$0x6550];
	v9 =	vadd.f32 v63, v18;
	v2 =	vadd.f32 v59, v11  }
0x206: {  	s23 =	simm.s32 $0x400;
	v1 =	vld [tilespmem:s15+$0x1560];
	v0 =	vadd.f32 v61, v60;
	v11 =	vmax.f32 v10, $0.0e+00;
	v10 =	vadd.f32 v17, v19  }
.LBB2_22:
0x207: {  	p2 =	sne.s32 s23, $0x4E00;
	v12 =	vld [tilespmem:s15+$0x3D60];
	[tilespmem:s4+$0x8CF0] =	vst v11;
	v9 =	vmax.f32 v9, $0.0e+00;
	v4 =	vadd.f32 v8, v4  }
0x208: {  	v8 =	vld [tilespmem:s15+$0x14F0];
	[tilespmem:s4+$0x8D00] =	vst v9;
	v9 =	vmax.f32 v10, $0.0e+00;
	v3 =	vadd.f32 v7, v3  }
0x209: {  	v7 =	vld [tilespmem:s15+$0x6560];
	[tilespmem:s4+$0x8D10] =	vst v9;
	v4 =	vmax.f32 v4, $0.0e+00;
	v2 =	vadd.f32 v6, v2  }
0x20a: {  	v6 =	vld [tilespmem:s15+$0x3CF0];
	[tilespmem:s4+$0x8D20] =	vst v4;
	v3 =	vmax.f32 v3, $0.0e+00;
	v0 =	vadd.f32 v5, v0  }
0x20b: {  	v4 =	vld [tilespmem:s15+$0x1500];
	[tilespmem:s4+$0x8D30] =	vst v3;
	v2 =	vmax.f32 v2, $0.0e+00  }
0x20c: {  	v3 =	vld [tilespmem:s15+$0x3D00];
	v1 =	vadd.f32 v12, v1;
	[tilespmem:s4+$0x8D40] =	vst v2;
	v0 =	vmax.f32 v0, $0.0e+00  }
0x20d: {  	v2 =	vld [tilespmem:s15+$0x1510];
	[tilespmem:s4+$0x8D50] =	vst v0;
	s4 =	smov.u32 s15  }
0x20e: {  	v0 =	vld [tilespmem:s4+$0x3D10];
	v1 =	vadd.f32 v7, v1  }
0x20f: {  	v5 =	vadd.f32 v6, v8;
	v6 =	vld [tilespmem:s4+$0x1520]  }
0x210: {  	v7 =	vld [tilespmem:s4+$0x3D20];
	v1 =	vmax.f32 v1, $0.0e+00  }
0x211: {  	v9 =	vadd.f32 v3, v4;
	v3 =	vld [tilespmem:s4+$0x1530];
	[tilespmem:s4+$0x8D60] =	vst v1  }
0x212: {  	v1 =	vld [tilespmem:s4+$0x3D30]  }
0x213: {  	v10 =	vadd.f32 v0, v2;
	v0 =	vld [tilespmem:s4+$0x1540]  }
0x214: {  	v2 =	vld [tilespmem:s4+$0x3D40]  }
0x215: {  	v4 =	vadd.f32 v7, v6;
	v6 =	vld [tilespmem:s4+$0x1550]  }
0x216: {  	v11 =	vld [tilespmem:s4+$0x3D50]  }
0x217: {  	v12 =	vld [tilespmem:s4+$0x64F0];
	v3 =	vadd.f32 v1, v3  }
0x218: {  	v1 =	vld [tilespmem:s4+$0x6500]  }
0x219: {  	v13 =	vld [tilespmem:s4+$0x6510];
	v2 =	vadd.f32 v2, v0  }
.Ltmp12:
0x21a: {  	v8 =	vld [tilespmem:s4+$0x6520];
	(pc) =	sbr.rel @p2 .LBB2_22-.Ltmp12, $4  }
0x21b: {  	v7 =	vld [tilespmem:s4+$0x6530];
	v0 =	vadd.f32 v11, v6  }
0x21c: {  	v11 =	vadd.f32 v12, v5;
	v6 =	vld [tilespmem:s4+$0x6540]  }
0x21d: {  	s15 =	sshra.s32 s23, $0x2;
	v9 =	vadd.f32 v1, v9;
	v5 =	vld [tilespmem:s4+$0x6550]  }
0x21e: {  	s23 =	sadd.s32 $0x200, s23;
	v1 =	vld [tilespmem:s15+$0x1560];
	v11 =	vmax.f32 v11, $0.0e+00;
	v10 =	vadd.f32 v13, v10  }
0x21f: {  	v12 =	vld [tilespmem:s15+$0x3D60];
	[tilespmem:s4+$0x8CF0] =	vst v11;
	v9 =	vmax.f32 v9, $0.0e+00;
	v4 =	vadd.f32 v8, v4  }
0x220: {  	v11 =	vld [tilespmem:s15+$0x14F0];
	[tilespmem:s4+$0x8D00] =	vst v9;
	v41 =	vmax.f32 v10, $0.0e+00;
	v3 =	vadd.f32 v7, v3  }
0x221: {  	v9 =	vld [tilespmem:s15+$0x6560];
	[tilespmem:s4+$0x8D10] =	vst v41;
	v4 =	vmax.f32 v4, $0.0e+00;
	v2 =	vadd.f32 v6, v2  }
0x222: {  	v42 =	vld [tilespmem:s15+$0x3CF0];
	[tilespmem:s4+$0x8D20] =	vst v4;
	v3 =	vmax.f32 v3, $0.0e+00;
	v0 =	vadd.f32 v5, v0  }
0x223: {  	v4 =	vld [tilespmem:s15+$0x1500];
	[tilespmem:s4+$0x8D30] =	vst v3;
	v2 =	vmax.f32 v2, $0.0e+00  }
0x224: {  	v3 =	vld [tilespmem:s15+$0x3D00];
	[tilespmem:s4+$0x8D40] =	vst v2;
	v0 =	vmax.f32 v0, $0.0e+00  }
0x225: {  	v2 =	vld [tilespmem:s15+$0x1510];
	[tilespmem:s4+$0x8D50] =	vst v0  }
0x226: {  	v0 =	vld [tilespmem:s15+$0x3D10]  }
0x227: {  	v43 =	vld [tilespmem:s15+$0x1520]  }
0x228: {  	v44 =	vld [tilespmem:s15+$0x3D20]  }
0x229: {  	v8 =	vld [tilespmem:s15+$0x1530]  }
0x22a: {  	v45 =	vld [tilespmem:s15+$0x3D30]  }
0x22b: {  	v46 =	vld [tilespmem:s15+$0x1540]  }
0x22c: {  	v47 =	vld [tilespmem:s15+$0x3D40]  }
0x22d: {  	v48 =	vld [tilespmem:s15+$0x1550]  }
0x22e: {  	v13 =	vld [tilespmem:s15+$0x3D50]  }
0x22f: {  	v14 =	vld [tilespmem:s15+$0x64F0]  }
0x230: {  	v15 =	vld [tilespmem:s15+$0x6500]  }
0x231: {  	v1 =	vadd.f32 v12, v1;
	v16 =	vld [tilespmem:s15+$0x6510]  }
0x232: {  	v49 =	vld [tilespmem:s15+$0x6520];
	v7 =	vadd.f32 v42, v11  }
0x233: {  	v1 =	vadd.f32 v9, v1;
	v50 =	vld [tilespmem:s15+$0x6530];
	v3 =	vadd.f32 v3, v4  }
0x234: {  	v52 =	vld [tilespmem:s15+$0x6540];
	v0 =	vadd.f32 v0, v2;
	v51 =	vadd.f32 v14, v7  }
0x235: {  	v53 =	vld [tilespmem:s15+$0x6550];
	v1 =	vmax.f32 v1, $0.0e+00;
	v5 =	vadd.f32 v44, v43;
	v3 =	vadd.f32 v15, v3  }
0x236: {  	[tilespmem:s15+$0x8D60] =	vst v1;
	v1 =	vadd.f32 v45, v8;
	v0 =	vadd.f32 v16, v0;
	v2 =	vmax.f32 v51, $0.0e+00  }
0x237: {  	v54 =	vadd.f32 v47, v46;
	v55 =	vmax.f32 v3, $0.0e+00;
	v56 =	vadd.f32 v49, v5;
	[tilespmem:s15+$0x8CF0] =	vst v2  }
0x238: {  	v57 =	vadd.f32 v13, v48;
	v1 =	vadd.f32 v50, v1;
	[tilespmem:s15+$0x8D00] =	vst v55;
	v0 =	vmax.f32 v0, $0.0e+00  }
0x239: {  	v59 =	vadd.f32 v52, v54;
	v58 =	vmax.f32 v56, $0.0e+00;
	[tilespmem:s15+$0x8D10] =	vst v0  }
0x23a: {  	v61 =	vadd.f32 v53, v57;
	v60 =	vmax.f32 v1, $0.0e+00;
	[tilespmem:s15+$0x8D20] =	vst v58  }
0x23b: {  	v62 =	vmax.f32 v59, $0.0e+00;
	[tilespmem:s15+$0x8D30] =	vst v60  }
0x23c: {  	v63 =	vmax.f32 v61, $0.0e+00;
	[tilespmem:s15+$0x8D40] =	vst v62  }
.Ltmp13:
0x23d: {  	[tilespmem:s15+$0x8D50] =	vst v63;
	(pc) =	sbr.rel @p1 .LBB2_25-.Ltmp13, $4  }
0x23e: {  	_ =	swait.ge [sflag:s25], $0x28  }
0x23f: {  	[sflag:s25] =	ssyncset.done $0x0  }
0x240: {  	s31 =	simm.s32 $0x8CF0;
	[sflag:s25] =	ssyncadd.s32 $0xFFFFFFD8  }
0x241: {  	[spmem:s6] =	stream.indirect.scatter.add.f32 [tilespmem:s31], [sflag:$0x8], $0x80, s18, s30, $0xb8;
	[tilespmem:$0x1EE38] =	vst v63  }
0x242: {  	_ =	swait.ge [sflag:s0], $0x28  }
0x243: {  	[sflag:s0] =	ssyncset.done $0x0  }
0x244: {  	[sflag:s0] =	ssyncadd.s32 $0xFFFFFFD8  }
0x245: {  	_ =	swait.ge [sflag:s0], $0x28  }
0x246: {  	s8 =	simm.s32 $0x14F0;
	[sflag:s0] =	ssyncset.done $0x0  }
0x247: {  	s3 =	smul.u32 $0x28, s3;
	s4 =	rddreg [dreg:$0x5];
	[sflag:s0] =	ssyncadd.s32 $0xFFFFFFD8  }
0x248: {  	[tilespmem:s8], [sflag:$0x2] =	stream.indirect.gather [hbm4b:s4+s30], $0x80, s30, s30, $0xb8;
	[tilespmem:$0x1EE38] =	vst v63  }
.Ltmp14:
0x249: {  	s15 =	simm.s32 $0x78;
	s3 =	sadd.s32 s16, s3;
	(pc) =	sbr.rel .LBB2_16-.Ltmp14, $4  }
0x24a: {  	s23 =	simm.s32 $0x3CF0;
	s26 =	simm.s32 $0x0;
	s3 =	sshll.u32 s3, $0x4  }
0x24b: {  	[tilespmem:s23], [sflag:$0x4] =	stream.indirect.gather [hbm4b:s10+s30], $0x80, s15, s30, $0xb8;
	[tilespmem:$0x1EE38] =	vst v63  }
0x24c: {  	s31 =	simm.s32 $0x64F0;
	s14 =	sadd.s32 $0x1, s14;
	s3 =	sadd.s32 s2, s3  }
0x24d: {  	[tilespmem:s31], [sflag:$0x6] =	stream.linear.gather [hbm4b:s3+s26], $0x1400, $0x38;
	[tilespmem:$0x1EE38] =	vst v63  }
.LBB2_12:
0x24e: {  	_ =	swait.ge [sflag:s1], $0x1400  }
0x24f: {  	[sflag:s1] =	ssyncset.done $0x0  }
0x250: {  	s3 =	simm.s32 $0x8;
	[sflag:s1] =	ssyncadd.s32 $0xFFFFEC00  }
0x251: {  	_ =	swait.ge [sflag:s3], $0x1400  }
0x252: {  	[sflag:s3] =	ssyncset.done $0x0  }
0x253: {  	[sflag:s3] =	ssyncadd.s32 $0xFFFFEC00  }
0x254: {  	_ =	swait.ge [sflag:s13], $0x140  }
0x255: {  	s15 =	simm.s32 $0x50;
	s3 =	simm.s32 $0xF9;
	[sflag:s13] =	ssyncset.done $0x0  }
.LBB2_13:
0x256: {  	p1 =	sne.s32 s3, $0x1;
	s3 =	sadd.s32 $0xFFFFFFFF, s3;
	[sflag:s13] =	ssyncadd.s32 $0xFFFFFEC0  }
.Ltmp15:
0x257: {  	(pc) =	sbr.rel @p1 .LBB2_13-.Ltmp15, $3  }
0x258: {  	_ =	sdelay $0x1  }
0x259: {  	_ =	swait.ge [sflag:s13], $0x140  }
0x25a: {  	[sflag:s13] =	ssyncset.done $0x0  }
0x25b: {  	[sflag:s13] =	ssyncadd.s32 $0xFFFFFEC0  }
0x25c: {  	[bflag:$0x0] =	sbarrier.arrive $0xFFFF  }
0x25d: {  	s14 =	rddreg [dreg:$0xa]  }
0x25e: {  	s3 =	rddreg [dreg:$0x15]  }
0x25f: {  	s8 =	simm.s32 $0xE;
	s4 =	rddreg [dreg:$0x19]  }
0x260: {  	[hbm:s3], [sflag:s14] =	dma.local [spmem:s4], $0x2710  }
0x261: {  	_ =	swait.ge [sflag:s8], $0x2710  }
0x262: {  	[sflag:s8] =	ssyncset.done $0x0;
	s26 =	rddreg [dreg:$0x16]  }
.Ltmp16:
0x263: {  	s31 =	rddreg [dreg:$0x1a];
	[sflag:s8] =	ssyncadd.s32 $0xFFFFD8F0;
	(pc) =	sbr.rel .LBB2_26-.Ltmp16, $4  }
0x264: {  	[hbm:s26], [sflag:s14] =	dma.local [spmem:s31], $0x271  }
0x265: {  	_ =	swait.ge [sflag:s8], $0x271  }
0x266: {  	[sflag:s8] =	ssyncset.done $0x0  }
0x267: {  	s4 =	rddreg [dreg:$0x18];
	[sflag:s8] =	ssyncadd.s32 $0xFFFFFD8F  }
.LBB2_27:
0x268: {  	_ =	sfence.sel $0x180000  }
0x269: {  	[bflag:$0x0] =	sbarrier.arrive $0xFFFF  }
0x26a: {  	_ =	strace $0x90000047  }
0x26b: {  	s0 =	stileid.u32;
	[bflag:$0x2] =	sbarrier.arrive $0xFFFF  }
0x26c: {  	p0 =	sne.s32 s0, $0x0;
	s0 =	rddreg [dreg:$0x4]  }
0x26d: {  	s0 =	sadd.s32 @!p0 $0x100000, s0  }
0x26e: {  	[sflag:s0] =	ssyncadd.tile.s32 @!p0 $0x1;
	_ =	shalt  }
.Lfunc_end2:
_tile_overlayer_lowered:
.L_overlay_start_2:
0x26f: {  	(tag) =	ssettag $0x2  }
0x270: {  	s0 =	rddreg [dreg:$0x0];
	s2 =	stileid.u32  }
0x271: {  	s1 =	rddreg [dreg:$0x1];
	p0 =	sne.s32 s2, $0x0  }
0x272: {  	s3 =	rddreg [dreg:$0x2];
	[bflag:$0x3] =	sbarrier.arrive $0xFFFF;
	s2 =	simm.s32 @!p0 $0x1C0E  }
0x273: {  	[timem:s3], [sflag:s2] =	dma.local @!p0 [hbm:s0], s1  }
0x274: {  	s0 =	simm.s32 @!p0 $0xE  }
0x275: {  	_ =	swait.ge @!p0 [sflag:s0], s1  }
0x276: {  	s1 =	ssub.s32 @!p0 $0x0, s1;
	[sflag:s0] =	ssyncset.done @!p0 $0x0  }
0x277: {  	[sflag:s0] =	ssyncadd.s32 @!p0 s1  }
0x278: {  	[bflag:$0x3] =	sbarrier.arrive $0xFFFF  }
0x279: {  	_ =	shalt  }

</sc_bundles>
